<compile_context>
chip_gen: v7x
topology: tpu7x:2x2x1
jax: 0.10.2.dev20260603
libtpu: 0.0.44.dev20260713+nightly
codegen_flags: <defaults>
</compile_context>

<pallas_src>
import jax
import jax.numpy as jnp
from jax.experimental import pallas as pl

N_L = 50000
N_R = 50000
E = 800000


def _spmm(x, src, dst, w, n_dst):
    return jax.ops.segment_sum(w[:, None] * jnp.take(x, src, axis=0), dst,
                               num_segments=n_dst)


def _head_body(k_ref, x_ref, w1_ref, w2_ref, b_ref, out_ref):
    k = k_ref[...]
    acc = jnp.dot(k, w1_ref[...], preferred_element_type=jnp.float32)
    acc += jnp.dot(k * x_ref[...], w2_ref[...], preferred_element_type=jnp.float32)
    acc += b_ref[...]
    out_ref[...] = jnp.maximum(acc, 0.0)


def _head(K, x, W1, W2, b):
    N, d = K.shape
    h = W1.shape[1]
    BN = 1000
    b2 = b.reshape(1, h)
    return pl.pallas_call(
        _head_body,
        grid=(N // BN,),
        in_specs=[
            pl.BlockSpec((BN, d), lambda i: (i, 0)),
            pl.BlockSpec((BN, d), lambda i: (i, 0)),
            pl.BlockSpec((d, h), lambda i: (0, 0)),
            pl.BlockSpec((d, h), lambda i: (0, 0)),
            pl.BlockSpec((1, h), lambda i: (0, 0)),
        ],
        out_specs=pl.BlockSpec((BN, h), lambda i: (i, 0)),
        out_shape=jax.ShapeDtypeStruct((N, h), jnp.float32),
    )(K, x, W1, W2, b2)


def kernel(l_feat, r_feat, edge_index, edge_weight, W3, b3, W4, b4, W5, b5, W6, b6):
    row = edge_index[0].astype(jnp.int32)
    col = edge_index[1].astype(jnp.int32)
    w = edge_weight

    lK1 = _spmm(r_feat, col, row, w, N_L)
    rK1 = _spmm(l_feat, row, col, w, N_R)
    y1 = _head(lK1, l_feat, W3, W4, b3 + b4)
    z1 = _head(rK1, r_feat, W3, W4, b3 + b4)
    lK2 = _spmm(z1, col, row, w, N_L)
    y2 = _head(lK2, y1, W5, W6, b5 + b6)
    return y2

# --- scband reference (transcript-rebuilt; emitter-appended) ---
"""Pipeline reference for scband-net-88622355186378 (READ-ONLY COPY).

The authoritative reference and input builder live on the scoring server;
editing this copy changes nothing except your own understanding.
"""

import jax, jax.numpy as jnp
import numpy as np

N_L = 50000
N_R = 50000
E = 800000
D_IN = 64
D_HID = 256
D_OUT = 128


def _lin_init(k, fan_in, fan_out):
    s = 1.0 / np.sqrt(fan_in)
    k1, k2 = jax.random.split(k)
    W = jax.random.uniform(k1, (fan_in, fan_out), minval=-s, maxval=s, dtype=jnp.float32)
    b = jax.random.uniform(k2, (fan_out,), minval=-s, maxval=s, dtype=jnp.float32)
    return W, b


def setup_inputs(seed: int = 0) -> dict:
    key = jax.random.key(seed)
    ks = jax.random.split(key, 9)
    inp = {}
    inp["l_feat"] = jax.random.normal(ks[0], (N_L, D_IN), dtype=jnp.float32)
    inp["r_feat"] = jax.random.normal(ks[1], (N_R, D_IN), dtype=jnp.float32)
    row = jax.random.randint(ks[2], (E,), 0, N_L)
    col = jax.random.randint(ks[3], (E,), 0, N_R)
    inp["edge_index"] = jnp.stack([row, col], axis=0)
    inp["edge_weight"] = jax.random.uniform(ks[4], (E,), dtype=jnp.float32)
    inp["W3"], inp["b3"] = _lin_init(ks[5], D_IN, D_HID)
    inp["W4"], inp["b4"] = _lin_init(ks[6], D_IN, D_HID)
    inp["W5"], inp["b5"] = _lin_init(ks[7], D_HID, D_OUT)
    inp["W6"], inp["b6"] = _lin_init(ks[8], D_HID, D_OUT)
    return inp


def reference(l_feat, r_feat, edge_index, edge_weight, W3, b3, W4, b4, W5, b5, W6, b6):
    # Faithful translation of the `layers` module (2 stacked graph_inception blocks,
    # hop=1, eval mode so dropout is identity).
    # network_l is a sparse [N_L, N_R] bipartite adjacency; network_r = network_l^T.
    row = edge_index[0]
    col = edge_index[1]

    def spmm_l(x):  # network_l @ x : [N_R, d] -> [N_L, d]
        return jax.ops.segment_sum(edge_weight[:, None] * jnp.take(x, col, axis=0), row, num_segments=N_L)

    def spmm_r(x):  # network_l^T @ x : [N_L, d] -> [N_R, d]
        return jax.ops.segment_sum(edge_weight[:, None] * jnp.take(x, row, axis=0), col, num_segments=N_R)

    def graph_inception(lf, rf, W1, b1, W2, b2):
        # hop = 1
        x0 = rf  # dropout identity in eval
        x1 = lf
        lK = spmm_l(x0)              # graph_inception_unit temp_Korder (l side)
        rK = spmm_r(x1)              # graph_inception_unit temp_Korder (r side)
        l_re = lK @ W1 + b1
        r_re = rK @ W1 + b1
        # Multiply(network_l, x0, x1, weight2): (network_l @ x0) * x1 -> weight2
        l_mul = (lK * x1) @ W2 + b2
        # Multiply(network_r, x1, x0, weight2): (network_r @ x1) * x0 -> weight2
        r_mul = (rK * x0) @ W2 + b2
        return l_re + l_mul, r_re + r_mul

    c1l, c1r = graph_inception(l_feat, r_feat, W3, b3, W4, b4)
    y1 = jax.nn.relu(c1l)
    z1 = jax.nn.relu(c1r)
    c2l, c2r = graph_inception(y1, z1, W5, b5, W6, b6)
    y2 = jax.nn.relu(c2l)
    return y2

if __name__ == "__main__":
    import jax
    _d = setup_inputs()
    print(jax.jit(kernel)(*tuple(_d.values())))

</pallas_src>

<mosaic_0001>
module attributes {stable_mosaic.version = 14 : i64} {
  func.func @_head_body(%arg0: i32, %arg1: memref<1000x64xf32, #tpu.memory_space<vmem>>, %arg2: memref<1000x64xf32, #tpu.memory_space<vmem>>, %arg3: memref<64x256xf32, #tpu.memory_space<vmem>>, %arg4: memref<64x256xf32, #tpu.memory_space<vmem>>, %arg5: memref<1x256xf32, #tpu.memory_space<vmem>>, %arg6: memref<1000x256xf32, #tpu.memory_space<vmem>>) attributes {dimension_semantics = [#tpu.dimension_semantics<arbitrary>], iteration_bounds = array<i64: 50>, scalar_prefetch = 0 : i64, scratch_operands = 0 : i64, tpu.core_type = #tpu.core_type<tc>, window_params = [{transform_indices = @transform_0, window_bounds = array<i64: 1000, 64>}, {transform_indices = @transform_1, window_bounds = array<i64: 1000, 64>}, {pipeline_mode = #tpu.pipeline_mode<synchronous>, transform_indices = @transform_2, window_bounds = array<i64: 64, 256>}, {pipeline_mode = #tpu.pipeline_mode<synchronous>, transform_indices = @transform_3, window_bounds = array<i64: 64, 256>}, {pipeline_mode = #tpu.pipeline_mode<synchronous>, transform_indices = @transform_4, window_bounds = array<i64: 1, 256>}, {transform_indices = @transform_5, window_bounds = array<i64: 1000, 256>}]} {
    %get3A = arith.constant 0 : index
    %get3A_0 = arith.constant 0 : index
    %get3A_1 = vector.load %arg1[%get3A, %get3A_0] : memref<1000x64xf32, #tpu.memory_space<vmem>>, vector<1000x64xf32>
    %get3A_2 = arith.constant 0 : index
    %get3A_3 = arith.constant 0 : index
    %get3A_4 = vector.load %arg3[%get3A_2, %get3A_3] : memref<64x256xf32, #tpu.memory_space<vmem>>, vector<64x256xf32>
    %dot_general3A = arith.constant dense<0.000000e+00> : vector<1000x256xf32>
    %dot_general3A_5 = tpu.matmul %get3A_1, %get3A_4, %dot_general3A {dimension_numbers = #tpu.dot_dimension_numbers<[1], [0], [0], [1], [0, 0, 1, 1], [], []>, transpose_lhs_hint = false} : vector<1000x64xf32>, vector<64x256xf32>, vector<1000x256xf32> -> vector<1000x256xf32>
    %get3A_6 = arith.constant 0 : index
    %get3A_7 = arith.constant 0 : index
    %get3A_8 = vector.load %arg2[%get3A_6, %get3A_7] : memref<1000x64xf32, #tpu.memory_space<vmem>>, vector<1000x64xf32>
    %mul3A = arith.mulf %get3A_1, %get3A_8 : vector<1000x64xf32>
    %get3A_9 = arith.constant 0 : index
    %get3A_10 = arith.constant 0 : index
    %get3A_11 = vector.load %arg4[%get3A_9, %get3A_10] : memref<64x256xf32, #tpu.memory_space<vmem>>, vector<64x256xf32>
    %dot_general3A_12 = arith.constant dense<0.000000e+00> : vector<1000x256xf32>
    %dot_general3A_13 = tpu.matmul %mul3A, %get3A_11, %dot_general3A_12 {dimension_numbers = #tpu.dot_dimension_numbers<[1], [0], [0], [1], [0, 0, 1, 1], [], []>, transpose_lhs_hint = false} : vector<1000x64xf32>, vector<64x256xf32>, vector<1000x256xf32> -> vector<1000x256xf32>
    %add3A = arith.addf %dot_general3A_5, %dot_general3A_13 : vector<1000x256xf32>
    %get3A_14 = arith.constant 0 : index
    %get3A_15 = arith.constant 0 : index
    %get3A_16 = vector.load %arg5[%get3A_14, %get3A_15] : memref<1x256xf32, #tpu.memory_space<vmem>>, vector<1x256xf32>
    %add3A_17 = vector.broadcast %get3A_16 : vector<1x256xf32> to vector<1000x256xf32>
    %add3A_18 = arith.addf %add3A, %add3A_17 : vector<1000x256xf32>
    %max3A = arith.constant 0.000000e+00 : f32
    %max3A_19 = vector.broadcast %max3A : f32 to vector<1000x256xf32>
    %max3A_20 = arith.maximumf %add3A_18, %max3A_19 : vector<1000x256xf32>
    %swap3A = arith.constant 0 : index
    %swap3A_21 = arith.constant 0 : index
    %swap3A_22 = vector.load %arg6[%swap3A, %swap3A_21] : memref<1000x256xf32, #tpu.memory_space<vmem>>, vector<1000x256xf32>
    tpu.vector_store %arg6[%swap3A, %swap3A_21], %max3A_20 {strides = array<i32>} : memref<1000x256xf32, #tpu.memory_space<vmem>>, vector<1000x256xf32>,
    return
  }
  func.func @transform_0(%arg0: i32) -> (i32, i32) {
    %c0_i32 = arith.constant 0 : i32
    %c0_i32_0 = arith.constant 0 : i32
    return %arg0, %c0_i32 : i32, i32
  }
  func.func @transform_1(%arg0: i32) -> (i32, i32) {
    %c0_i32 = arith.constant 0 : i32
    %c0_i32_0 = arith.constant 0 : i32
    return %arg0, %c0_i32 : i32, i32
  }
  func.func @transform_2(%arg0: i32) -> (i32, i32) {
    %c0_i32 = arith.constant 0 : i32
    %c0_i32_0 = arith.constant 0 : i32
    %c0_i32_1 = arith.constant 0 : i32
    return %c0_i32, %c0_i32_0 : i32, i32
  }
  func.func @transform_3(%arg0: i32) -> (i32, i32) {
    %c0_i32 = arith.constant 0 : i32
    %c0_i32_0 = arith.constant 0 : i32
    %c0_i32_1 = arith.constant 0 : i32
    return %c0_i32, %c0_i32_0 : i32, i32
  }
  func.func @transform_4(%arg0: i32) -> (i32, i32) {
    %c0_i32 = arith.constant 0 : i32
    %c0_i32_0 = arith.constant 0 : i32
    %c0_i32_1 = arith.constant 0 : i32
    return %c0_i32, %c0_i32_0 : i32, i32
  }
  func.func @transform_5(%arg0: i32) -> (i32, i32) {
    %c0_i32 = arith.constant 0 : i32
    %c0_i32_0 = arith.constant 0 : i32
    return %arg0, %c0_i32 : i32, i32
  }
}

module attributes {stable_mosaic.version = 14 : i64} {
  func.func @_head_body(%arg0: i32, %arg1: memref<1000x256xf32, #tpu.memory_space<vmem>>, %arg2: memref<1000x256xf32, #tpu.memory_space<vmem>>, %arg3: memref<256x128xf32, #tpu.memory_space<vmem>>, %arg4: memref<256x128xf32, #tpu.memory_space<vmem>>, %arg5: memref<1x128xf32, #tpu.memory_space<vmem>>, %arg6: memref<1000x128xf32, #tpu.memory_space<vmem>>) attributes {dimension_semantics = [#tpu.dimension_semantics<arbitrary>], iteration_bounds = array<i64: 50>, scalar_prefetch = 0 : i64, scratch_operands = 0 : i64, tpu.core_type = #tpu.core_type<tc>, window_params = [{transform_indices = @transform_0, window_bounds = array<i64: 1000, 256>}, {transform_indices = @transform_1, window_bounds = array<i64: 1000, 256>}, {pipeline_mode = #tpu.pipeline_mode<synchronous>, transform_indices = @transform_2, window_bounds = array<i64: 256, 128>}, {pipeline_mode = #tpu.pipeline_mode<synchronous>, transform_indices = @transform_3, window_bounds = array<i64: 256, 128>}, {pipeline_mode = #tpu.pipeline_mode<synchronous>, transform_indices = @transform_4, window_bounds = array<i64: 1, 128>}, {transform_indices = @transform_5, window_bounds = array<i64: 1000, 128>}]} {
    %get3A = arith.constant 0 : index
    %get3A_0 = arith.constant 0 : index
    %get3A_1 = vector.load %arg1[%get3A, %get3A_0] : memref<1000x256xf32, #tpu.memory_space<vmem>>, vector<1000x256xf32>
    %get3A_2 = arith.constant 0 : index
    %get3A_3 = arith.constant 0 : index
    %get3A_4 = vector.load %arg3[%get3A_2, %get3A_3] : memref<256x128xf32, #tpu.memory_space<vmem>>, vector<256x128xf32>
    %dot_general3A = arith.constant dense<0.000000e+00> : vector<1000x128xf32>
    %dot_general3A_5 = tpu.matmul %get3A_1, %get3A_4, %dot_general3A {dimension_numbers = #tpu.dot_dimension_numbers<[1], [0], [0], [1], [0, 0, 1, 1], [], []>, transpose_lhs_hint = false} : vector<1000x256xf32>, vector<256x128xf32>, vector<1000x128xf32> -> vector<1000x128xf32>
    %get3A_6 = arith.constant 0 : index
    %get3A_7 = arith.constant 0 : index
    %get3A_8 = vector.load %arg2[%get3A_6, %get3A_7] : memref<1000x256xf32, #tpu.memory_space<vmem>>, vector<1000x256xf32>
    %mul3A = arith.mulf %get3A_1, %get3A_8 : vector<1000x256xf32>
    %get3A_9 = arith.constant 0 : index
    %get3A_10 = arith.constant 0 : index
    %get3A_11 = vector.load %arg4[%get3A_9, %get3A_10] : memref<256x128xf32, #tpu.memory_space<vmem>>, vector<256x128xf32>
    %dot_general3A_12 = arith.constant dense<0.000000e+00> : vector<1000x128xf32>
    %dot_general3A_13 = tpu.matmul %mul3A, %get3A_11, %dot_general3A_12 {dimension_numbers = #tpu.dot_dimension_numbers<[1], [0], [0], [1], [0, 0, 1, 1], [], []>, transpose_lhs_hint = false} : vector<1000x256xf32>, vector<256x128xf32>, vector<1000x128xf32> -> vector<1000x128xf32>
    %add3A = arith.addf %dot_general3A_5, %dot_general3A_13 : vector<1000x128xf32>
    %get3A_14 = arith.constant 0 : index
    %get3A_15 = arith.constant 0 : index
    %get3A_16 = vector.load %arg5[%get3A_14, %get3A_15] : memref<1x128xf32, #tpu.memory_space<vmem>>, vector<1x128xf32>
    %add3A_17 = vector.broadcast %get3A_16 : vector<1x128xf32> to vector<1000x128xf32>
    %add3A_18 = arith.addf %add3A, %add3A_17 : vector<1000x128xf32>
    %max3A = arith.constant 0.000000e+00 : f32
    %max3A_19 = vector.broadcast %max3A : f32 to vector<1000x128xf32>
    %max3A_20 = arith.maximumf %add3A_18, %max3A_19 : vector<1000x128xf32>
    %swap3A = arith.constant 0 : index
    %swap3A_21 = arith.constant 0 : index
    %swap3A_22 = vector.load %arg6[%swap3A, %swap3A_21] : memref<1000x128xf32, #tpu.memory_space<vmem>>, vector<1000x128xf32>
    tpu.vector_store %arg6[%swap3A, %swap3A_21], %max3A_20 {strides = array<i32>} : memref<1000x128xf32, #tpu.memory_space<vmem>>, vector<1000x128xf32>,
    return
  }
  func.func @transform_0(%arg0: i32) -> (i32, i32) {
    %c0_i32 = arith.constant 0 : i32
    %c0_i32_0 = arith.constant 0 : i32
    return %arg0, %c0_i32 : i32, i32
  }
  func.func @transform_1(%arg0: i32) -> (i32, i32) {
    %c0_i32 = arith.constant 0 : i32
    %c0_i32_0 = arith.constant 0 : i32
    return %arg0, %c0_i32 : i32, i32
  }
  func.func @transform_2(%arg0: i32) -> (i32, i32) {
    %c0_i32 = arith.constant 0 : i32
    %c0_i32_0 = arith.constant 0 : i32
    %c0_i32_1 = arith.constant 0 : i32
    return %c0_i32, %c0_i32_0 : i32, i32
  }
  func.func @transform_3(%arg0: i32) -> (i32, i32) {
    %c0_i32 = arith.constant 0 : i32
    %c0_i32_0 = arith.constant 0 : i32
    %c0_i32_1 = arith.constant 0 : i32
    return %c0_i32, %c0_i32_0 : i32, i32
  }
  func.func @transform_4(%arg0: i32) -> (i32, i32) {
    %c0_i32 = arith.constant 0 : i32
    %c0_i32_0 = arith.constant 0 : i32
    %c0_i32_1 = arith.constant 0 : i32
    return %c0_i32, %c0_i32_0 : i32, i32
  }
  func.func @transform_5(%arg0: i32) -> (i32, i32) {
    %c0_i32 = arith.constant 0 : i32
    %c0_i32_0 = arith.constant 0 : i32
    return %arg0, %c0_i32 : i32, i32
  }
}

</mosaic_0001>

<sc_bundles>
// kernel: gather_offload_async_start
scs
__scs_entry_jumppad:
0x0: {  	(pc) =	sbr.rel $0x88, $3  }
0x1: {  	(tag) =	ssettag $0x0;
	lr =	simm.s32 $0x1  }
0x2: {  	[smem:$0x3F95] =	sst lr;
	_ =	strace $0xD0000000  }
0x3: {  	_ = 	snop  }
0x4: {  	_ = 	snop  }
0x5: {  	_ = 	snop  }
0x6: {  	_ = 	snop  }
0x7: {  	_ = 	snop  }
__scs_overlays_trampoline_lowered:
0x8: {  	[smem:$0x3FA4] =	sst s0  }
0x9: {  	[smem:$0x3FA5] =	sst s1  }
0xa: {  	[smem:$0x3FA6] =	sst s2  }
0xb: {  	[smem:$0x3FA7] =	sst s3  }
0xc: {  	[smem:$0x3FA8] =	sst s4  }
0xd: {  	[smem:$0x3FA9] =	sst s5  }
0xe: {  	[smem:$0x3FAA] =	sst s6  }
0xf: {  	[smem:$0x3FAB] =	sst s7  }
0x10: {  	[smem:$0x3FAC] =	sst s8  }
0x11: {  	[smem:$0x3FAD] =	sst s9;
	s0 =	simm.s32 @!p0 $0x0  }
0x12: {  	s1 =	sld [smem:$0x3F93];
	s0 =	simm.s32 @p0 $0x1  }
0x13: {  	[smem:$0x3FAE] =	sst s0;
	s0 =	simm.s32 @!p1 $0x0  }
0x14: {  	s2 =	sld [smem:$0x3F92];
	s0 =	simm.s32 @p1 $0x1  }
0x15: {  	[smem:$0x3FAF] =	sst s0;
	s0 =	simm.s32 @!p2 $0x0  }
0x16: {  	s3 =	sld [smem:$0x3FDB];
	s0 =	simm.s32 @p2 $0x1  }
0x17: {  	s4 =	simm.s32 $0x1BF5;
	[smem:$0x3FB1] =	sst s0  }
0x18: {  	s0 =	sld [smem:$0x3F94];
	_ =	swait.ge [sflag:s4], $0x0  }
0x19: {  	s7 =	sld [smem:$0x3F95]  }
0x1a: {  	s8 =	sadd.s32 $0xFFFFE003, lr  }
0x1b: {  	s9 =	sadd.s32 $0xFFFFFEF7, lr;
	s5 =	simm.s32 $0xFFFFFFFF;
	p2 =	slt.u32 s8, $0xFFFFF086  }
0x1c: {  	p1 =	slt.u32 s9, $0xF7A;
	s5 =	simm.s32 @!p2 $0x0  }
0x1d: {  	s5 =	simm.s32 @p1 $0x1;
	p0 =	seq.s32 s7, s2  }
0x1e: {  	s7 =	smul.u32 @!p0 $0xF7A, s2;
	p2 =	seq.s32 @!p0 s5, $0x0  }
0x1f: {  	s9 =	smul.u32 $0xF7A, s1;
	s8 =	simm.s32 @!p0 $0x1BF5;
	p2 =	por !p2, p0  }
0x20: {  	[sflag:s8] =	ssyncset.s32 @!p0 $0xFFFFF086;
	s6 =	sadd.s32 @!p0 s3, s7;
	s7 =	simm.s32 @!p0 $0x108  }
0x21: {  	s3 =	sadd.s32 s3, s9;
	s6 =	sadd.s32 @!p0 $0x88, s6;
	s7 =	simm.s32 @p2 $0x1082  }
0x22: {  	[simem:s7], [sflag:s8] =	dma.local @!p0 [hbm:s6], $0xF7A  }
0x23: {  	s9 =	sor.u32 $0xD0000000, s2;
	s6 =	simm.s32 $0x108;
	_ =	swait.ge @!p0 [sflag:s8], $0x0  }
0x24: {  	s3 =	sadd.s32 $0x88, s3;
	s6 =	simm.s32 @!p1 $0x1082;
	[sflag:s4] =	ssyncset.s32 $0xFFFFF086  }
0x25: {  	[simem:s6], [sflag:s4] =	dma.local [hbm:s3], $0xF7A  }
0x26: {  	[smem:$0x3F95] =	sst s1;
	(tag) =	ssettag s2;
	_ =	strace s9  }
0x27: {  	s1 =	sld [smem:$0x3FA5]  }
0x28: {  	s2 =	sld [smem:$0x3FA6]  }
0x29: {  	s4 =	sld [smem:$0x3FA8]  }
0x2a: {  	p0 =	seq.s32 s5, $0x0;
	s5 =	sld [smem:$0x3FA9]  }
0x2b: {  	s6 =	sld [smem:$0x3FAA]  }
0x2c: {  	s7 =	sld [smem:$0x3FAB]  }
0x2d: {  	s3 =	simm.s32 $0x108;
	s8 =	sld [smem:$0x3FAC]  }
0x2e: {  	s3 =	simm.s32 @!p0 $0x1082;
	s9 =	sld [smem:$0x3FAD]  }
0x2f: {  	lr =	sadd.s32 s0, s3;
	s0 =	sld [smem:$0x3FA4]  }
0x30: {  	s3 =	sld [smem:$0x3FA7]  }
0x31: {  	[smem:$0x3FB0] =	sst s10  }
0x32: {  	s10 =	sld [smem:$0x3FAE];
	_ =	sdelay $0x3  }
0x33: {  	p0 =	seq.s32 s10, $0x1;
	s10 =	sld [smem:$0x3FB0];
	_ =	sdelay $0x3  }
0x34: {  	[smem:$0x3FB0] =	sst s10  }
0x35: {  	s10 =	sld [smem:$0x3FAF];
	_ =	sdelay $0x3  }
0x36: {  	p1 =	seq.s32 s10, $0x1;
	s10 =	sld [smem:$0x3FB0];
	_ =	sdelay $0x3  }
0x37: {  	[smem:$0x3FB0] =	sst s10  }
0x38: {  	s10 =	sld [smem:$0x3FB1]  }
0x39: {  	_ = 	snop;
	(pc) =	sbr.ind lr, $3  }
0x3a: {  	_ = 	snop  }
0x3b: {  	_ = 	snop  }
0x3c: {  	p2 =	seq.s32 s10, $0x1;
	s10 =	sld [smem:$0x3FB0]  }
0x3d: {  	_ =	shalt  }
0x3e: {  	_ =	shalt  }
0x3f: {  	_ =	shalt  }
0x40: {  	_ =	shalt  }
0x41: {  	_ =	shalt  }
0x42: {  	_ =	shalt  }
0x43: {  	_ =	shalt  }
0x44: {  	_ =	shalt  }
0x45: {  	_ =	shalt  }
0x46: {  	_ =	shalt  }
0x47: {  	_ =	shalt  }
0x48: {  	_ =	shalt  }
0x49: {  	_ =	shalt  }
0x4a: {  	_ =	shalt  }
0x4b: {  	_ =	shalt  }
0x4c: {  	_ =	shalt  }
0x4d: {  	_ =	shalt  }
0x4e: {  	_ =	shalt  }
0x4f: {  	_ =	shalt  }
0x50: {  	_ =	shalt  }
0x51: {  	_ =	shalt  }
0x52: {  	_ =	shalt  }
0x53: {  	_ =	shalt  }
0x54: {  	_ =	shalt  }
0x55: {  	_ =	shalt  }
0x56: {  	_ =	shalt  }
0x57: {  	_ =	shalt  }
0x58: {  	_ =	shalt  }
0x59: {  	_ =	shalt  }
0x5a: {  	_ =	shalt  }
0x5b: {  	_ =	shalt  }
0x5c: {  	_ =	shalt  }
0x5d: {  	_ =	shalt  }
0x5e: {  	_ =	shalt  }
0x5f: {  	_ =	shalt  }
0x60: {  	_ =	shalt  }
0x61: {  	_ =	shalt  }
0x62: {  	_ =	shalt  }
0x63: {  	_ =	shalt  }
0x64: {  	_ =	shalt  }
0x65: {  	_ =	shalt  }
0x66: {  	_ =	shalt  }
0x67: {  	_ =	shalt  }
0x68: {  	_ =	shalt  }
0x69: {  	_ =	shalt  }
0x6a: {  	_ =	shalt  }
0x6b: {  	_ =	shalt  }
0x6c: {  	_ =	shalt  }
0x6d: {  	_ =	shalt  }
0x6e: {  	_ =	shalt  }
0x6f: {  	_ =	shalt  }
0x70: {  	_ =	shalt  }
0x71: {  	_ =	shalt  }
0x72: {  	_ =	shalt  }
0x73: {  	_ =	shalt  }
0x74: {  	_ =	shalt  }
0x75: {  	_ =	shalt  }
0x76: {  	_ =	shalt  }
0x77: {  	_ =	shalt  }
0x78: {  	_ =	shalt  }
0x79: {  	_ =	shalt  }
0x7a: {  	_ =	shalt  }
0x7b: {  	_ =	shalt  }
0x7c: {  	_ =	shalt  }
0x7d: {  	_ =	shalt  }
0x7e: {  	_ =	shalt  }
0x7f: {  	_ =	shalt  }
0x80: {  	_ =	shalt  }
0x81: {  	_ =	shalt  }
0x82: {  	_ =	shalt  }
0x83: {  	_ =	shalt  }
0x84: {  	_ =	shalt  }
0x85: {  	_ =	shalt  }
0x86: {  	_ =	shalt  }
0x87: {  	_ =	shalt  }
.Lfunc_end0:
.L_simem_size_0:
called_computation.3_lowered:
.L_overlay_start_0:
0x88: {  	s2 =	sld [smem:$0x3FD9]  }
0x89: {  	s3 =	sld [smem:$0x3FFE];
	_ =	sdelay $0x1  }
0x8a: {  	s1 =	srdreg.scid  }
0x8b: {  	s0 =	sand.u32 $0x1, s1  }
0x8c: {  	s16 =	sshll.u32 s0, $0xA;
	s2 =	sadd.s32 s3, s2  }
0x8d: {  	s2 =	sadd.s32 s2, s16  }
0x8e: {  	[smem:$0x3FBC] =	sst s2  }
0x8f: {  	_ = 	snop  }
0x90: {  	(tm) =	ssettm $0x1  }
0x91: {  	s17 =	sld [smem:$0x3FFB];
	_ =	sdelay $0x3  }
0x92: {  	_ =	strace s17  }
0x93: {  	s2 =	sld [smem:$0x3FFC];
	_ =	sdelay $0x3  }
0x94: {  	_ =	strace s2  }
0x95: {  	s2 =	sld [smem:$0x3FFD];
	_ =	sdelay $0x3  }
0x96: {  	_ =	strace s2  }
0x97: {  	_ =	strace $0x8FFFFFFF  }
0x98: {  	s18 =	sld [smem:$0x3FDB];
	_ =	sdelay $0x1  }
0x99: {  	s19 =	simm.s32 $_scs_section_size  }
0x9a: {  	s4 =	simm.s32 $_size__tile_overlayer_lowered;
	s5 =	simm.s32 $_tile_overlayer_lowered  }
0x9b: {  	s22 =	simm.s32 $0x1BFF;
	s21 =	sshll.u32 s5, $0x1;
	s2 =	sadd.s32 s19, s18  }
0x9c: {  	s6 =	simm.s32 $0x0;
	s20 =	sshll.u32 s4, $0x1;
	s4 =	sadd.s32 s21, s2  }
0x9d: {  	[timem:s6], [sflag:s22] =	dma.local [hbm:s4], s20  }
0x9e: {  	_ =	swait.ge [sflag:s22], s20  }
0x9f: {  	s3 =	ssub.s32 $0x0, s20;
	[sflag:s22] =	ssyncset.done $0x0  }
0xa0: {  	[sflag:s22] =	ssyncadd.s32 s3;
	_ =	sdelay $0x1  }
0xa1: {  	s23 =	simm.s32 $0x1B8B  }
0xa2: {  	_ =	swait.ge [sflag:s23], $0x1  }
0xa3: {  	[sflag:s23] =	ssyncset.done $0x0  }
0xa4: {  	s25 =	simm.s32 $0x1B8E;
	s24 =	sld [smem:$0x3FFE];
	[sflag:s23] =	ssyncadd.s32 $0xFFFFFFFF  }
0xa5: {  	s26 =	simm.s32 $execute0_lowered;
	[smem:$0x3FD2] =	sst s25  }
0xa6: {  	s4 =	sshll.u32 s26, $0x1;
	_ =	strace $0x8000004C;
	[dreg:$0x1] =	wrdreg $0xFFFFFFFF  }
0xa7: {  	s28 =	simm.s32 $_size_execute0_lowered;
	s2 =	sadd.s32 s2, s4;
	[dreg:$0x0] =	wrdreg $0x0  }
0xa8: {  	s4 =	sshll.u32 s28, $0x1;
	[dreg:$0x2] =	wrdreg s2  }
0xa9: {  	[dreg:$0x3] =	wrdreg s4  }
0xaa: {  	[dreg:$0x4] =	wrdreg $0xC0  }
0xab: {  	_ =	task [dreg:s6], $0x5FFFF  }
0xac: {  	[dreg:$0x1] =	wrdreg $0xFFFFFFFF  }
0xad: {  	[dreg:$0x0] =	wrdreg $0x60  }
0xae: {  	[dreg:$0x2] =	wrdreg s24  }
0xaf: {  	[dreg:$0x3] =	wrdreg $0xA  }
0xb0: {  	_ =	task.clear_ibuf [dreg:s6], $0x4FFFF;
	_ =	strace $0x9000004C  }
0xb1: {  	s29 =	simm.s32 $0xA;
	_ =	strace $0x8000004E  }
0xb2: {  	_ =	swait.ge [sflag:s29], $0x1  }
0xb3: {  	[sflag:s29] =	ssyncadd.s32 $0xFFFFFFFF  }
0xb4: {  	_ =	strace $0x9000004E  }
0xb5: {  	_ =	sfence  }
0xb6: {  	s30 =	sld [smem:$0x0];
	_ =	sdelay $0x2  }
0xb7: {  	s31 =	sshll.u32 s1, $0xD;
	s1 =	sshrl.u32 s1, $0x2  }
0xb8: {  	s3 =	sand.u32 $0x4000, s31;
	s1 =	sadd.s32 s1, s30  }
0xb9: {  	s0 =	sor.u32 s3, s0;
	s1 =	sshll.u32 s1, $0x11  }
0xba: {  	s0 =	sor.u32 s1, s0  }
0xbb: {  	s0 =	sadd.s32 $0x8F2B, s0  }
0xbc: {  	[sflag:s0] =	ssyncadd.remote.s32 $0x1  }
0xbd: {  	_ =	sfence.sel $0xFFFF  }
0xbe: {  	[dreg:$0x0] =	wrdreg $0xFFFFFFFF;
	(pc) =	sbr.abs _section_cstart, $3  }
0xbf: {  	[dreg:$0x1] =	wrdreg $0xFFFFFFFF  }
0xc0: {  	_ =	task.clear_ibuf [dreg:s6], $0x2FFFF;
	_ =	strace $0x9FFFFFFF  }
0xc1: {  	(tm) =	ssettm $0x7FFFFFFF  }
tec
execute0_lowered:
.L_overlay_start_1:
0x0: {  	(tag) =	ssettag $0x1  }
0x1: {  	s8 =	rddreg [dreg:$0x0]  }
0x2: {  	s0 =	rddreg [dreg:$0x1];
	s1 =	srdreg.scid;
	_ =	strace $0x8000004D  }
0x3: {  	s4 =	simm.s32 $0x1;
	s6 =	simm.s32 $0x2;
	s10 =	simm.s32 $0x3  }
0x4: {  	p3 =	por $0x0, $0x0;
	s11 =	simm.s32 $0x80;
	s3 =	sshll.u32 s1, $0x4  }
.Ltmp0:
0x5: {  	s1 =	stileid.u32;
	s5 =	sand.u32 $0x10, s3;
	(pc) =	sbr.rel .LBB2_1-.Ltmp0, $4  }
0x6: {  	s2 =	sadd.s32 $0x1DCC00, s8;
	[sflag:s4] =	ssyncpa.u1 $0x0;
	s5 =	sor.u32 s1, s5  }
0x7: {  	s7 =	sadd.s32 $0x1B3B200, s8;
	[sflag:s6] =	ssyncpa.u1 $0x0;
	s5 =	smul.u32 $0x61A8, s5  }
0x8: {  	s3 =	sadd.s32 $0x1B0A200, s8;
	s8 =	sadd.s32 $0x1B22A00, s8;
	[sflag:s10] =	ssyncpa.u1 $0x0  }
0x9: {  	v0 =	vlaneseq.u32;
	s10 =	simm.s32 $0x0;
	s9 =	sadd.s32 $0x61A8, s5;
	s12 =	smov.u32 s5  }
.LBB2_6:
0xa: {  	s15 =	sadd.s32 s17, s15  }
0xb: {  	v2 =	vld.msk [tilespmem:s15+$0x0 ss:$0x1], $0x1;
	_ =	sdelay $0x2  }
0xc: {  	(v2sf) =	vpush v1, $0x1  }
0xd: {  	(v2sf) =	vpush v1, $0x0  }
0xe: {  	(v2sf) =	vpush v2, $0x0;
	_ =	sdelay $0xc  }
0xf: {  	p0 =	seq.s32 s18, $0x31C;
	s15 =	simm.s32 $0x1;
	s18 =	spop (v2sf)  }
0x10: {  	s15 =	simm.s32 @!p0 $0x2;
	s18 =	simm.s32 @p1 $0xFFFFFFFF;
	s19 =	spop (v2sf)  }
0x11: {  	v1 =	vmov s15;
	p0 =	sne.s32 s19, s18;
	s18 =	simm.s32 $0x1;
	s28 =	spop (v2sf)  }
0x12: {  	vm0 =	vgt.u32 v1, v0;
	s18 =	simm.s32 @!p0 $0x0;
	s29 =	sshll.u32 s28, $0x8;
	s15 =	sshll.u32 s28, $0x7  }
0x13: {  	s16 =	sadd.s32 s18, s16;
	s19 =	sand.u32 $0xFFFFF800, s29;
	s15 =	sand.u32 $0x380, s15  }
0x14: {  	s16 =	sshll.u32 s16, $0xA;
	s15 =	sor.u32 s15, s19  }
0x15: {  	s16 =	sshra.s32 s16, $0x2;
	s15 =	sshrl.u32 s15, $0x3  }
0x16: {  	s13 =	sadd.s32 s17, s13;
	s14 =	sadd.s32 s16, s14;
	s15 =	sadd.s32 s7, s15  }
0x17: {  	[hbm:s15] =	stream.strided.scatter [tilespmem:s14], [sflag:$0x3], $0x100, s11, s11, $0x38;
	[tilespmem:$0x19320] =	vst v63  }
0x18: {  	v1 =	vld.msk [tilespmem:s13+$0x0 ss:$0x1], vm0;
	_ =	sdelay $0x4  }
0x19: {  	(v2sf) =	vpush v1, $0x1  }
0x1a: {  	(v2sf) =	vpush v1, $0x0;
	_ =	sdelay $0xb  }
0x1b: {  	s13 =	sld [smem:$0x7FC];
	_ =	sdelay $0x1  }
0x1c: {  	s30 =	spop (v2sf)  }
0x1d: {  	p3 =	seq.s32 s13, $0x1;
	s31 =	spop (v2sf)  }
.LBB2_7:
0x1e: {  	p0 =	slt.u32 s10, $0x2;
	s10 =	sadd.s32 $0x1, s10  }
0x1f: {  	p2 =	sne.s32 s10, $0x7F  }
.Ltmp1:
0x20: {  	_ = 	snop;
	(pc) =	sbr.rel @!p2 .LBB2_8-.Ltmp1, $4  }
0x21: {  	s13 =	simm.s32 @!p0 $0x3  }
0x22: {  	s14 =	sadd.s32 $0xC8, s12;
	_ =	swait.ge @!p0 [sflag:s13], $0xC800  }
0x23: {  	s12 =	smov.u32 s5;
	p1 =	slt.s32 s14, s9;
	[sflag:s13] =	ssyncset.done @!p0 $0x0  }
0x24: {  	p3 =	por !p3, !p3;
	s12 =	smov.u32 @p1 s14;
	[sflag:s13] =	ssyncadd.s32 @!p0 $0xFFFF3800  }
.LBB2_1:
0x25: {  	p0 =	sgt.u32 s10, $0x7C  }
0x26: {  	s13 =	sxor.u32 @!p0 $0xFFFFFFFF, s10  }
0x27: {  	s13 =	sand.u32 @!p0 $0x1, s13  }
0x28: {  	s14 =	sshrl.u32 @!p0 s12, $0x3;
	s13 =	smul.u32 @!p0 $0xC8, s13  }
0x29: {  	s16 =	sand.u32 @!p0 $0x7, s12;
	s15 =	sadd.s32 @!p0 s3, s14  }
0x2a: {  	[tilespmem:s13], [sflag:$0x2] =	stream.linear.gather @!p0 [hbm4b:s15+s16], $0xC8, $0x38;
	[tilespmem:$0x19320] =	vst v63  }
0x2b: {  	s31 =	sadd.s32 $0xFFFFFFFF, s10;
	s14 =	sadd.s32 @!p0 s8, s14;
	s13 =	sadd.s32 @!p0 $0x190, s13  }
0x2c: {  	[tilespmem:s13], [sflag:$0x2] =	stream.linear.gather @!p0 [hbm4b:s14+s16], $0xC8, $0x38;
	[tilespmem:$0x19320] =	vst v63  }
0x2d: {  	p0 =	sgt.u32 s31, $0x7C  }
.Ltmp2:
0x2e: {  	_ = 	snop;
	(pc) =	sbr.rel @p0 .LBB2_7-.Ltmp2, $1  }
0x2f: {  	_ =	sdelay $0x3  }
0x30: {  	p0 =	por $0x0, $0x0;
	s13 =	simm.s32 $0x1  }
0x31: {  	s13 =	simm.s32 @!p0 $0x2  }
0x32: {  	v1 =	vmov s13  }
0x33: {  	s14 =	simm.s32 @!p3 $0x0;
	s13 =	simm.s32 $0x1;
	vm0 =	vgt.u32 v1, v0  }
0x34: {  	s14 =	simm.s32 @p3 $0x1;
	s13 =	simm.s32 @!p3 $0x0  }
0x35: {  	[smem:$0x7FC] =	sst s14;
	s13 =	smul.u32 $0x320, s13  }
0x36: {  	_ =	swait.ge [sflag:s6], $0x190  }
0x37: {  	[sflag:s6] =	ssyncset.done $0x0;
	s13 =	sshrl.u32 s13, $0x2  }
0x38: {  	[sflag:s6] =	ssyncadd.s32 $0xFFFFFE70;
	s26 =	sadd.s32 $0x0, s13  }
0x39: {  	v2 =	vld.msk [tilespmem:s26+$0x0 ss:$0x1], vm0;
	_ =	sdelay $0x4  }
0x3a: {  	(v2sf) =	vpush v2, $0x1  }
0x3b: {  	p1 =	por $0x0, $0x0;
	s14 =	simm.s32 $0x1;
	(v2sf) =	vpush v2, $0x0  }
0x3c: {  	s14 =	simm.s32 @!p1 $0x2  }
0x3d: {  	v1 =	vmov s14  }
0x3e: {  	vm12 =	vgt.u32 v1, v0;
	_ =	sdelay $0x3  }
0x3f: {  	p2 =	por $0x0, $0x0;
	s15 =	simm.s32 $0x1  }
0x40: {  	s15 =	simm.s32 @!p2 $0x2;
	s28 =	sadd.s32 $0x1, s13  }
0x41: {  	v1 =	vmov s15;
	v3 =	vld.msk [tilespmem:s28+$0x0 ss:$0x1], vm12  }
0x42: {  	vm13 =	vgt.u32 v1, v0;
	_ =	sdelay $0x2  }
0x43: {  	p0 =	por p0, p0  }
0x44: {  	p0 =	por p0, p0;
	(v2sf) =	vpush v3, $0x1;
	s14 =	spop (v2sf)  }
0x45: {  	s29 =	sadd.s32 $0x2, s13;
	s14 =	simm.s32 @p0 $0xFFFFFFFF;
	s16 =	spop (v2sf)  }
0x46: {  	v1 =	vld.msk [tilespmem:s29+$0x0 ss:$0x1], vm13;
	(v2sf) =	vpush v3, $0x0;
	p0 =	seq.s32 s16, s14  }
0x47: {  	vm0 =	vgt.s32 @!p0 v2, $0x0  }
0x48: {  	v2 =	vnsel @!p0 vm0, $0x0, v2  }
0x49: {  	v2 =	vmin.u32 @!p0 v2, $0xC34F  }
0x4a: {  	(v2sf) =	vpush @!p0 v2, $0x0  }
0x4b: {  	(v2sf) =	vpush v1, $0x1  }
0x4c: {  	s30 =	sand.u32 $0x1, s10;
	(v2sf) =	vpush v1, $0x0  }
0x4d: {  	p4 =	por $0x0, $0x0;
	s17 =	simm.s32 $0x0;
	s21 =	simm.s32 $0x14  }
0x4e: {  	s19 =	simm.s32 $0x18;
	s22 =	simm.s32 $0x1;
	s16 =	simm.s32 $0x1  }
0x4f: {  	p2 =	por p2, p2;
	p1 =	por p1, p1;
	s16 =	simm.s32 @!p4 $0x2  }
0x50: {  	p2 =	por p2, p2;
	p1 =	por p1, p1;
	s15 =	sadd.s32 $0x190, s13;
	v2 =	vmov s16  }
0x51: {  	s24 =	sadd.s32 $0x3, s13;
	s31 =	sadd.s32 $0x4, s13;
	s14 =	smul.u32 $0x32000, s30;
	vm14 =	vgt.u32 v2, v0  }
0x52: {  	s20 =	simm.s32 @!p0 $0x1;
	p5 =	por p0, p0;
	p4 =	por p4, p4  }
0x53: {  	s14 =	sshrl.u32 s14, $0x2;
	s20 =	smov.u32 @p0 s17;
	s16 =	spop (v2sf)  }
0x54: {  	s17 =	simm.s32 @!p0 $0x80;
	s16 =	simm.s32 @p1 $0xFFFFFFFF;
	p1 =	por $0x0, $0x0  }
0x55: {  	s14 =	sor.u32 $0x320, s14;
	s22 =	simm.s32 @!p1 $0x2;
	s23 =	spop (v2sf)  }
0x56: {  	p5 =	por p5, p5;
	s18 =	sadd.s32 @!p0 $0x0, s14;
	v4 =	vmov s22;
	p3 =	seq.s32 s23, s16  }
0x57: {  	vm15 =	vgt.u32 v4, v0;
	v2 =	vld.msk [tilespmem:s24+$0x0 ss:$0x1], vm14;
	s24 =	simm.s32 $0x1C;
	s16 =	sadd.s32 @!p3 $0x1, s20;
	s22 =	sshll.u32 @!p3 s20, $0xA  }
0x58: {  	vm1 =	vgt.s32 @!p3 v3, $0x0;
	s22 =	sshra.s32 @!p3 s22, $0x2;
	s16 =	smov.u32 @p3 s20;
	s20 =	simm.s32 @!p3 $0x80  }
0x59: {  	v3 =	vnsel @!p3 vm1, $0x0, v3;
	s23 =	sadd.s32 @!p3 s22, s14;
	s22 =	spop @!p0 (v2sf);
	p0 =	por p3, p3  }
0x5a: {  	v3 =	vmin.u32 @!p3 v3, $0xC34F;
	s25 =	simm.s32 @!p0 $0x0;
	s26 =	spop (v2sf);
	s28 =	sshll.u32 @!p5 s22, $0x4  }
0x5b: {  	(v2sf) =	vpush @!p3 v3, $0x0;
	s25 =	simm.s32 @p0 $0x1;
	s26 =	simm.s32 @p2 $0xFFFFFFFF;
	s29 =	spop (v2sf)  }
0x5c: {  	(v2sf) =	vpush v2, $0x1;
	s28 =	sand.u32 @!p5 $0x70, s28;
	[smem:$0x7FD] =	sst s25;
	p6 =	seq.s32 s29, s26  }
0x5d: {  	(v2sf) =	vpush v2, $0x0;
	s26 =	sshll.u32 @!p5 s22, $0x5;
	s25 =	sadd.s32 @!p5 s2, s28;
	s22 =	smov.u32 s16;
	v3 =	vld.msk [tilespmem:s31+$0x0 ss:$0x1], vm15  }
.LBB2_3:
0x5e: {  	s28 =	simm.s32 @!p3 $0x0;
	s29 =	smov.u32 s19;
	s19 =	smov.u32 s24  }
0x5f: {  	s24 =	sadd.s32 $0x4, s24;
	s30 =	smov.u32 s23;
	p0 =	por p5, p5  }
0x60: {  	s31 =	sld [smem:$0x7FD];
	s28 =	simm.s32 @p3 $0x1;
	p3 =	por p6, p6  }
0x61: {  	p2 =	sne.s32 s24, $0x320;
	[smem:$0x7FA] =	sst s28;
	s28 =	smov.u32 s16  }
0x62: {  	vm0 =	vgt.s32 @!p6 v1, $0x0;
	s16 =	sadd.s32 @!p6 $0x1, s16;
	p6 =	por p4, p4;
	s23 =	simm.s32 @!p2 $0x0  }
0x63: {  	p4 =	por p1, p1;
	p1 =	seq.s32 s21, $0x31C;
	s23 =	simm.s32 @p2 $0x1  }
0x64: {  	s22 =	sshll.u32 @!p3 s22, $0xA;
	[smem:$0x7FB] =	sst s23;
	s23 =	simm.s32 $0x1  }
0x65: {  	s16 =	smov.u32 @p3 s28;
	s28 =	simm.s32 @!p3 $0x80;
	s23 =	simm.s32 @!p1 $0x2  }
0x66: {  	p2 =	seq.s32 s31, $0x1;
	s31 =	sshra.s32 s21, $0x2;
	v5 =	vmov s23;
	s23 =	sand.u32 @!p0 $0x1FFF00, s26  }
0x67: {  	p5 =	por p2, p2;
	p2 =	por p3, p3;
	s25 =	sadd.s32 @!p0 s23, s25  }
0x68: {  	[tilespmem:s18], [sflag:$0x1] =	stream.strided.gather @!p0 [hbm:s25], $0x100, s17, s17, $0x38;
	[tilespmem:$0x19320] =	vst v63  }
0x69: {  	s17 =	smov.u32 s20;
	s20 =	smov.u32 s28;
	s28 =	sld [smem:$0x7FA]  }
0x6a: {  	s26 =	sshra.s32 @!p3 s22, $0x2;
	s25 =	sadd.s32 s31, s13;
	s31 =	sld [smem:$0x7FB]  }
0x6b: {  	s23 =	sadd.s32 @!p3 s26, s14;
	s26 =	simm.s32 @!p2 $0x0  }
0x6c: {  	vm15 =	vgt.u32 v5, v0;
	s26 =	simm.s32 @p2 $0x1;
	p0 =	seq.s32 s28, $0x1  }
0x6d: {  	[smem:$0x7FD] =	sst s26;
	s26 =	spop @!p0 (v2sf);
	p0 =	seq.s32 s31, $0x1  }
.Ltmp3:
0x6e: {  	v4 =	vnsel @!p3 vm0, $0x0, v1;
	(pc) =	sbr.rel @p0 .LBB2_3-.Ltmp3, $4  }
0x6f: {  	v4 =	vmin.u32 @!p3 v4, $0xC34F;
	s21 =	smov.u32 s29;
	s22 =	smov.u32 s16  }
0x70: {  	(v2sf) =	vpush @!p3 v4, $0x0;
	s18 =	smov.u32 s30;
	s28 =	spop (v2sf);
	s29 =	sshll.u32 @!p5 s26, $0x4  }
0x71: {  	v1 =	vmov v2;
	v2 =	vmov v3;
	(v2sf) =	vpush v3, $0x1;
	s28 =	simm.s32 @p6 $0xFFFFFFFF;
	s30 =	spop (v2sf);
	s29 =	sand.u32 @!p5 $0x70, s29  }
0x72: {  	(v2sf) =	vpush v2, $0x0;
	v3 =	vld.msk [tilespmem:s25+$0x0 ss:$0x1], vm15;
	s26 =	sshll.u32 @!p5 s26, $0x5;
	p6 =	seq.s32 s30, s28;
	s25 =	sadd.s32 @!p5 s2, s29  }
0x73: {  	_ = 	snop  }
0x74: {  	vm0 =	vgt.s32 @!p6 v1, $0x0  }
0x75: {  	v1 =	vnsel @!p6 vm0, $0x0, v1  }
0x76: {  	v1 =	vmin.u32 @!p6 v1, $0xC34F  }
0x77: {  	(v2sf) =	vpush @!p6 v1, $0x0  }
0x78: {  	(v2sf) =	vpush v3, $0x1  }
0x79: {  	p0 =	seq.s32 s21, $0x31C;
	s24 =	simm.s32 $0x1;
	(v2sf) =	vpush v3, $0x0  }
0x7a: {  	s24 =	simm.s32 @!p0 $0x2  }
0x7b: {  	v1 =	vmov s24  }
0x7c: {  	vm14 =	vgt.u32 v1, v0;
	_ =	sdelay $0x1  }
0x7d: {  	p2 =	por p4, p4  }
0x7e: {  	s31 =	sshra.s32 s21, $0x2;
	p4 =	seq.s32 s19, $0x31C;
	s24 =	spop @!p3 (v2sf)  }
0x7f: {  	s29 =	simm.s32 $0x1;
	s21 =	sadd.s32 s31, s13;
	s28 =	spop (v2sf)  }
0x80: {  	s29 =	simm.s32 @!p4 $0x2;
	s28 =	simm.s32 @p2 $0xFFFFFFFF;
	s30 =	spop (v2sf)  }
0x81: {  	v4 =	vmov s29;
	v1 =	vld.msk [tilespmem:s21+$0x0 ss:$0x1], vm14;
	p3 =	seq.s32 s30, s28  }
0x82: {  	vm1 =	vgt.u32 v4, v0;
	vm0 =	vgt.s32 @!p3 v2, $0x0  }
0x83: {  	v2 =	vnsel @!p3 vm0, $0x0, v2  }
0x84: {  	v2 =	vmin.u32 @!p3 v2, $0xC34F  }
0x85: {  	p1 =	por p1, p1;
	s21 =	spop @!p6 (v2sf);
	(v2sf) =	vpush @!p3 v2, $0x0  }
0x86: {  	p1 =	por p1, p1;
	s30 =	sshra.s32 s19, $0x2;
	s28 =	spop (v2sf);
	(v2sf) =	vpush v1, $0x1  }
0x87: {  	s19 =	sadd.s32 s30, s13;
	s28 =	simm.s32 @p1 $0xFFFFFFFF;
	s31 =	spop (v2sf);
	(v2sf) =	vpush v1, $0x0  }
0x88: {  	v2 =	vld.msk [tilespmem:s19+$0x0 ss:$0x1], vm1;
	p1 =	seq.s32 s31, s28  }
0x89: {  	s30 =	sld [smem:$0x7FD];
	vm0 =	vgt.s32 @!p1 v3, $0x0  }
0x8a: {  	v3 =	vnsel @!p1 vm0, $0x0, v3  }
0x8b: {  	p2 =	por p5, p5;
	v3 =	vmin.u32 @!p1 v3, $0xC34F  }
0x8c: {  	s19 =	sand.u32 @!p2 $0x1FFF00, s26;
	p5 =	seq.s32 s30, $0x1;
	(v2sf) =	vpush @!p1 v3, $0x0  }
0x8d: {  	s19 =	sadd.s32 @!p2 s19, s25;
	p5 =	por p5, p5;
	(v2sf) =	vpush v2, $0x1  }
0x8e: {  	[tilespmem:s18], [sflag:$0x1] =	stream.strided.gather @!p2 [hbm:s19], $0x100, s17, s17, $0x38;
	(v2sf) =	vpush v2, $0x0;
	[tilespmem:$0x19320] =	vst v63  }
0x8f: {  	p0 =	por p0, p0;
	s17 =	sshll.u32 @!p5 s24, $0x4  }
0x90: {  	s18 =	sshll.u32 @!p5 s24, $0x5;
	p2 =	por p5, p5;
	s17 =	sand.u32 @!p5 $0x70, s17  }
0x91: {  	p0 =	por p0, p0;
	s18 =	sand.u32 @!p2 $0x1FFF00, s18;
	s17 =	sadd.s32 @!p5 s2, s17  }
0x92: {  	p5 =	por p6, p6;
	s17 =	sadd.s32 @!p2 s18, s17;
	s18 =	sshll.u32 @!p6 s22, $0xA  }
0x93: {  	[tilespmem:s23], [sflag:$0x1] =	stream.strided.gather @!p2 [hbm:s17], $0x100, s20, s20, $0x38;
	[tilespmem:$0x19320] =	vst v63  }
0x94: {  	s17 =	sadd.s32 @!p6 $0x1, s16;
	p2 =	por p5, p5;
	s20 =	spop @!p3 (v2sf)  }
0x95: {  	s19 =	sshll.u32 @!p2 s21, $0x4;
	s21 =	sshll.u32 @!p2 s21, $0x5;
	s22 =	spop (v2sf)  }
0x96: {  	s19 =	sand.u32 @!p2 $0x70, s19;
	s22 =	simm.s32 @p0 $0xFFFFFFFF;
	s31 =	spop (v2sf)  }
0x97: {  	s19 =	sadd.s32 @!p2 s2, s19;
	p0 =	por p2, p2;
	p2 =	seq.s32 s31, s22  }
0x98: {  	s17 =	smov.u32 @p6 s16;
	s16 =	sshra.s32 @!p6 s18, $0x2;
	s18 =	sand.u32 @!p0 $0x1FFF00, s21;
	vm0 =	vgt.s32 @!p2 v1, $0x0  }
0x99: {  	s16 =	sadd.s32 @!p6 s16, s14;
	s21 =	simm.s32 @!p6 $0x80;
	s18 =	sadd.s32 @!p0 s18, s19;
	v1 =	vnsel @!p2 vm0, $0x0, v1  }
0x9a: {  	[tilespmem:s16], [sflag:$0x1] =	stream.strided.gather @!p0 [hbm:s18], $0x100, s21, s21, $0x38;
	v1 =	vmin.u32 @!p2 v1, $0xC34F;
	[tilespmem:$0x19320] =	vst v63  }
0x9b: {  	p4 =	por p4, p4;
	p5 =	por p3, p3;
	s18 =	spop @!p1 (v2sf);
	(v2sf) =	vpush @!p2 v1, $0x0  }
0x9c: {  	s16 =	sadd.s32 @!p3 $0x1, s17;
	p0 =	por p4, p4;
	s19 =	spop (v2sf)  }
0x9d: {  	s16 =	smov.u32 @p3 s17;
	s19 =	simm.s32 @p0 $0xFFFFFFFF;
	s24 =	spop (v2sf)  }
0x9e: {  	s17 =	sshll.u32 @!p3 s17, $0xA;
	p0 =	por p5, p5;
	p4 =	seq.s32 s24, s19  }
0x9f: {  	p6 =	por p1, p1;
	s17 =	sshra.s32 @!p3 s17, $0x2;
	s21 =	sshll.u32 @!p0 s20, $0x4;
	vm0 =	vgt.s32 @!p4 v2, $0x0  }
0xa0: {  	s20 =	sshll.u32 @!p0 s20, $0x5;
	p5 =	por p0, p0;
	s21 =	sand.u32 @!p0 $0x70, s21;
	v1 =	vnsel @!p4 vm0, $0x0, v2  }
0xa1: {  	s17 =	sadd.s32 @!p3 s17, s14;
	s20 =	sand.u32 @!p5 $0x1FFF00, s20;
	s21 =	sadd.s32 @!p0 s2, s21;
	v1 =	vmin.u32 @!p4 v1, $0xC34F  }
0xa2: {  	s19 =	simm.s32 @!p3 $0x80;
	p0 =	por p6, p6;
	s20 =	sadd.s32 @!p5 s20, s21;
	(v2sf) =	vpush @!p4 v1, $0x0  }
0xa3: {  	[tilespmem:s17], [sflag:$0x1] =	stream.strided.gather @!p5 [hbm:s20], $0x100, s19, s19, $0x38;
	[tilespmem:$0x19320] =	vst v63  }
0xa4: {  	p3 =	por p0, p0;
	s19 =	sshll.u32 @!p0 s18, $0x4  }
0xa5: {  	s17 =	sshll.u32 @!p1 s16, $0xA;
	s18 =	sshll.u32 @!p0 s18, $0x5;
	s19 =	sand.u32 @!p0 $0x70, s19  }
0xa6: {  	s17 =	sshra.s32 @!p1 s17, $0x2;
	s18 =	sand.u32 @!p3 $0x1FFF00, s18;
	s19 =	sadd.s32 @!p0 s2, s19  }
0xa7: {  	s20 =	simm.s32 @!p1 $0x80;
	s17 =	sadd.s32 @!p1 s17, s14;
	s18 =	sadd.s32 @!p3 s18, s19  }
0xa8: {  	[tilespmem:s17], [sflag:$0x1] =	stream.strided.gather @!p3 [hbm:s18], $0x100, s20, s20, $0x38;
	[tilespmem:$0x19320] =	vst v63  }
0xa9: {  	p5 =	por p2, p2;
	s17 =	sadd.s32 @!p1 $0x1, s16  }
0xaa: {  	p0 =	por p5, p5;
	s17 =	smov.u32 @p1 s16;
	s16 =	spop @!p2 (v2sf)  }
0xab: {  	p1 =	por p0, p0;
	s19 =	sshll.u32 @!p0 s16, $0x4  }
0xac: {  	s18 =	sshll.u32 @!p2 s17, $0xA;
	s16 =	sshll.u32 @!p0 s16, $0x5;
	s19 =	sand.u32 @!p0 $0x70, s19  }
0xad: {  	s18 =	sshra.s32 @!p2 s18, $0x2;
	s16 =	sand.u32 @!p1 $0x1FFF00, s16;
	s19 =	sadd.s32 @!p0 s2, s19  }
0xae: {  	s20 =	simm.s32 @!p2 $0x80;
	s18 =	sadd.s32 @!p2 s18, s14;
	s16 =	sadd.s32 @!p1 s16, s19  }
0xaf: {  	[tilespmem:s18], [sflag:$0x1] =	stream.strided.gather @!p1 [hbm:s16], $0x100, s20, s20, $0x38;
	[tilespmem:$0x19320] =	vst v63  }
0xb0: {  	p6 =	por p4, p4;
	s16 =	sadd.s32 @!p2 $0x1, s17  }
0xb1: {  	p0 =	por p6, p6;
	s18 =	spop @!p4 (v2sf);
	s16 =	smov.u32 @p2 s17  }
0xb2: {  	s17 =	sshll.u32 @!p0 s18, $0x4;
	s19 =	sadd.s32 @!p4 $0x1, s16  }
0xb3: {  	s20 =	sshll.u32 @!p4 s16, $0xA;
	s18 =	sshll.u32 @!p0 s18, $0x5;
	s17 =	sand.u32 @!p0 $0x70, s17  }
0xb4: {  	s19 =	smov.u32 @p4 s16;
	s17 =	sadd.s32 @!p0 s2, s17;
	p0 =	por p0, p0  }
0xb5: {  	s16 =	sshra.s32 @!p4 s20, $0x2;
	s20 =	simm.s32 @!p4 $0x80;
	s18 =	sand.u32 @!p0 $0x1FFF00, s18  }
0xb6: {  	s16 =	sadd.s32 @!p4 s16, s14;
	s25 =	sshll.u32 s19, $0x8;
	s17 =	sadd.s32 @!p0 s18, s17  }
0xb7: {  	[tilespmem:s16], [sflag:$0x1] =	stream.strided.gather @!p0 [hbm:s17], $0x100, s20, s20, $0x38;
	[tilespmem:$0x19320] =	vst v63  }
0xb8: {  	s16 =	sand.u32 $0x3FFFFF00, s25  }
0xb9: {  	_ =	swait.ge [sflag:s4], s16  }
0xba: {  	s16 =	ssub.s32 $0x0, s16;
	[sflag:s4] =	ssyncset.done $0x0  }
0xbb: {  	s26 =	sadd.s32 $0x0, s15;
	[sflag:s4] =	ssyncadd.s32 s16  }
0xbc: {  	v1 =	vld.msk [tilespmem:s26+$0x0 ss:$0x1], $0x1;
	_ =	sdelay $0x4  }
0xbd: {  	(v2sf) =	vpush v1, $0x0;
	_ =	sdelay $0xc  }
0xbe: {  	p0 =	por $0x0, $0x0;
	s16 =	simm.s32 $0x1  }
0xbf: {  	s16 =	simm.s32 @!p0 $0x2  }
0xc0: {  	v1 =	vmov s16;
	s28 =	spop (v2sf)  }
0xc1: {  	vm15 =	vgt.u32 v1, v0;
	s29 =	sshll.u32 s28, $0x8;
	s17 =	sshll.u32 s28, $0x7  }
0xc2: {  	s16 =	sand.u32 $0xFFFFF800, s29;
	s17 =	sand.u32 $0x380, s17  }
0xc3: {  	s16 =	sor.u32 s17, s16  }
0xc4: {  	s30 =	sadd.s32 $0x0, s14;
	s31 =	sadd.s32 $0x0, s13;
	s16 =	sshrl.u32 s16, $0x3  }
0xc5: {  	s19 =	simm.s32 $0x8;
	s18 =	simm.s32 $0x4;
	s16 =	sadd.s32 s7, s16  }
0xc6: {  	[hbm:s16] =	stream.strided.scatter [tilespmem:s30], [sflag:$0x3], $0x100, s11, s11, $0x38;
	[tilespmem:$0x19320] =	vst v63  }
0xc7: {  	p1 =	por p0, p0;
	s17 =	simm.s32 $0x1;
	s16 =	simm.s32 $0x0;
	v1 =	vld.msk [tilespmem:s31+$0x0 ss:$0x1], vm15  }
.LBB2_5:
0xc8: {  	p2 =	sne.s32 s19, $0x31C;
	s20 =	sadd.s32 s17, s15  }
0xc9: {  	v2 =	vld.msk [tilespmem:s20+$0x0 ss:$0x1], $0x1;
	_ =	sdelay $0x3  }
0xca: {  	(v2sf) =	vpush v1, $0x1  }
0xcb: {  	(v2sf) =	vpush v1, $0x0  }
0xcc: {  	(v2sf) =	vpush v2, $0x0;
	_ =	sdelay $0xb  }
0xcd: {  	p0 =	seq.s32 s18, $0x31C;
	s18 =	smov.u32 s19;
	s20 =	simm.s32 $0x1  }
0xce: {  	s20 =	simm.s32 @!p0 $0x2;
	s21 =	spop (v2sf)  }
0xcf: {  	s21 =	simm.s32 @p1 $0xFFFFFFFF;
	s22 =	spop (v2sf);
	p1 =	por p0, p0  }
0xd0: {  	v1 =	vmov s20;
	s20 =	spop (v2sf);
	p0 =	sne.s32 s22, s21;
	s22 =	simm.s32 $0x1  }
0xd1: {  	vm0 =	vgt.u32 v1, v0;
	s21 =	sshll.u32 s20, $0x8;
	s20 =	sshll.u32 s20, $0x7;
	s22 =	simm.s32 @!p0 $0x0  }
0xd2: {  	s21 =	sand.u32 $0xFFFFF800, s21;
	s20 =	sand.u32 $0x380, s20;
	s16 =	sadd.s32 s22, s16  }
.Ltmp4:
0xd3: {  	s20 =	sor.u32 s20, s21;
	s21 =	sshll.u32 s16, $0xA;
	(pc) =	sbr.rel @p2 .LBB2_5-.Ltmp4, $4  }
0xd4: {  	s20 =	sshrl.u32 s20, $0x3;
	s21 =	sshra.s32 s21, $0x2  }
0xd5: {  	s22 =	sadd.s32 s17, s13;
	s21 =	sadd.s32 s21, s14;
	s20 =	sadd.s32 s7, s20  }
0xd6: {  	[hbm:s20] =	stream.strided.scatter [tilespmem:s21], [sflag:$0x3], $0x100, s11, s11, $0x38;
	[tilespmem:$0x19320] =	vst v63  }
0xd7: {  	s19 =	sadd.s32 $0x4, s19;
	s17 =	sshra.s32 s18, $0x2;
	v1 =	vld.msk [tilespmem:s22+$0x0 ss:$0x1], vm0  }
.Ltmp5:
0xd8: {  	_ = 	snop;
	(pc) =	sbr.rel .LBB2_6-.Ltmp5, $1  }
0xd9: {  	_ =	sdelay $0x3  }
.LBB2_8:
0xda: {  	_ =	sfence.sel $0x180000  }
0xdb: {  	s2 =	simm.s32 $0x2;
	[bflag:$0x0] =	sbarrier.arrive $0xFFFF  }
0xdc: {  	s30 =	simm.s32 $0x3;
	[sflag:s2] =	ssyncpa.u1 $0x1  }
0xdd: {  	s31 =	simm.s32 $0x1;
	[sflag:s30] =	ssyncpa.u1 $0x1  }
0xde: {  	[sflag:s31] =	ssyncpa.u1 $0x1  }
0xdf: {  	p0 =	sne.s32 s1, $0x0;
	_ =	strace $0x9000004D  }
0xe0: {  	s0 =	sadd.s32 @!p0 $0x100000, s0;
	[bflag:$0x2] =	sbarrier.arrive $0xFFFF  }
0xe1: {  	[sflag:s0] =	ssyncadd.tile.s32 @!p0 $0x1;
	_ =	shalt  }
.Lfunc_end2:
_tile_overlayer_lowered:
.L_overlay_start_2:
0xe2: {  	(tag) =	ssettag $0x2  }
0xe3: {  	s0 =	rddreg [dreg:$0x0];
	s2 =	stileid.u32  }
0xe4: {  	s1 =	rddreg [dreg:$0x1];
	p0 =	sne.s32 s2, $0x0  }
0xe5: {  	s3 =	rddreg [dreg:$0x2];
	[bflag:$0x3] =	sbarrier.arrive $0xFFFF;
	s2 =	simm.s32 @!p0 $0x1C01  }
0xe6: {  	[timem:s3], [sflag:s2] =	dma.local @!p0 [hbm:s0], s1  }
0xe7: {  	s0 =	simm.s32 @!p0 $0x1  }
0xe8: {  	_ =	swait.ge @!p0 [sflag:s0], s1  }
0xe9: {  	s1 =	ssub.s32 @!p0 $0x0, s1;
	[sflag:s0] =	ssyncset.done @!p0 $0x0  }
0xea: {  	[sflag:s0] =	ssyncadd.s32 @!p0 s1  }
0xeb: {  	[bflag:$0x3] =	sbarrier.arrive $0xFFFF  }
0xec: {  	_ =	shalt  }

// kernel: scatter_offload_async_start.1
scs
__scs_entry_jumppad:
0x0: {  	(pc) =	sbr.rel $0x88, $3  }
0x1: {  	(tag) =	ssettag $0x0;
	lr =	simm.s32 $0x1  }
0x2: {  	[smem:$0x3F95] =	sst lr;
	_ =	strace $0xD0000000  }
0x3: {  	_ = 	snop  }
0x4: {  	_ = 	snop  }
0x5: {  	_ = 	snop  }
0x6: {  	_ = 	snop  }
0x7: {  	_ = 	snop  }
__scs_overlays_trampoline_lowered:
0x8: {  	[smem:$0x3FA4] =	sst s0  }
0x9: {  	[smem:$0x3FA5] =	sst s1  }
0xa: {  	[smem:$0x3FA6] =	sst s2  }
0xb: {  	[smem:$0x3FA7] =	sst s3  }
0xc: {  	[smem:$0x3FA8] =	sst s4  }
0xd: {  	[smem:$0x3FA9] =	sst s5  }
0xe: {  	[smem:$0x3FAA] =	sst s6  }
0xf: {  	[smem:$0x3FAB] =	sst s7  }
0x10: {  	[smem:$0x3FAC] =	sst s8  }
0x11: {  	[smem:$0x3FAD] =	sst s9;
	s0 =	simm.s32 @!p0 $0x0  }
0x12: {  	s1 =	sld [smem:$0x3F93];
	s0 =	simm.s32 @p0 $0x1  }
0x13: {  	[smem:$0x3FAE] =	sst s0;
	s0 =	simm.s32 @!p1 $0x0  }
0x14: {  	s2 =	sld [smem:$0x3F92];
	s0 =	simm.s32 @p1 $0x1  }
0x15: {  	[smem:$0x3FAF] =	sst s0;
	s0 =	simm.s32 @!p2 $0x0  }
0x16: {  	s3 =	sld [smem:$0x3FDB];
	s0 =	simm.s32 @p2 $0x1  }
0x17: {  	s4 =	simm.s32 $0x1BF5;
	[smem:$0x3FB1] =	sst s0  }
0x18: {  	s0 =	sld [smem:$0x3F94];
	_ =	swait.ge [sflag:s4], $0x0  }
0x19: {  	s7 =	sld [smem:$0x3F95]  }
0x1a: {  	s8 =	sadd.s32 $0xFFFFE003, lr  }
0x1b: {  	s9 =	sadd.s32 $0xFFFFFEF7, lr;
	s5 =	simm.s32 $0xFFFFFFFF;
	p2 =	slt.u32 s8, $0xFFFFF086  }
0x1c: {  	p1 =	slt.u32 s9, $0xF7A;
	s5 =	simm.s32 @!p2 $0x0  }
0x1d: {  	s5 =	simm.s32 @p1 $0x1;
	p0 =	seq.s32 s7, s2  }
0x1e: {  	s7 =	smul.u32 @!p0 $0xF7A, s2;
	p2 =	seq.s32 @!p0 s5, $0x0  }
0x1f: {  	s9 =	smul.u32 $0xF7A, s1;
	s8 =	simm.s32 @!p0 $0x1BF5;
	p2 =	por !p2, p0  }
0x20: {  	[sflag:s8] =	ssyncset.s32 @!p0 $0xFFFFF086;
	s6 =	sadd.s32 @!p0 s3, s7;
	s7 =	simm.s32 @!p0 $0x108  }
0x21: {  	s3 =	sadd.s32 s3, s9;
	s6 =	sadd.s32 @!p0 $0x88, s6;
	s7 =	simm.s32 @p2 $0x1082  }
0x22: {  	[simem:s7], [sflag:s8] =	dma.local @!p0 [hbm:s6], $0xF7A  }
0x23: {  	s9 =	sor.u32 $0xD0000000, s2;
	s6 =	simm.s32 $0x108;
	_ =	swait.ge @!p0 [sflag:s8], $0x0  }
0x24: {  	s3 =	sadd.s32 $0x88, s3;
	s6 =	simm.s32 @!p1 $0x1082;
	[sflag:s4] =	ssyncset.s32 $0xFFFFF086  }
0x25: {  	[simem:s6], [sflag:s4] =	dma.local [hbm:s3], $0xF7A  }
0x26: {  	[smem:$0x3F95] =	sst s1;
	(tag) =	ssettag s2;
	_ =	strace s9  }
0x27: {  	s1 =	sld [smem:$0x3FA5]  }
0x28: {  	s2 =	sld [smem:$0x3FA6]  }
0x29: {  	s4 =	sld [smem:$0x3FA8]  }
0x2a: {  	p0 =	seq.s32 s5, $0x0;
	s5 =	sld [smem:$0x3FA9]  }
0x2b: {  	s6 =	sld [smem:$0x3FAA]  }
0x2c: {  	s7 =	sld [smem:$0x3FAB]  }
0x2d: {  	s3 =	simm.s32 $0x108;
	s8 =	sld [smem:$0x3FAC]  }
0x2e: {  	s3 =	simm.s32 @!p0 $0x1082;
	s9 =	sld [smem:$0x3FAD]  }
0x2f: {  	lr =	sadd.s32 s0, s3;
	s0 =	sld [smem:$0x3FA4]  }
0x30: {  	s3 =	sld [smem:$0x3FA7]  }
0x31: {  	[smem:$0x3FB0] =	sst s10  }
0x32: {  	s10 =	sld [smem:$0x3FAE];
	_ =	sdelay $0x3  }
0x33: {  	p0 =	seq.s32 s10, $0x1;
	s10 =	sld [smem:$0x3FB0];
	_ =	sdelay $0x3  }
0x34: {  	[smem:$0x3FB0] =	sst s10  }
0x35: {  	s10 =	sld [smem:$0x3FAF];
	_ =	sdelay $0x3  }
0x36: {  	p1 =	seq.s32 s10, $0x1;
	s10 =	sld [smem:$0x3FB0];
	_ =	sdelay $0x3  }
0x37: {  	[smem:$0x3FB0] =	sst s10  }
0x38: {  	s10 =	sld [smem:$0x3FB1]  }
0x39: {  	_ = 	snop;
	(pc) =	sbr.ind lr, $3  }
0x3a: {  	_ = 	snop  }
0x3b: {  	_ = 	snop  }
0x3c: {  	p2 =	seq.s32 s10, $0x1;
	s10 =	sld [smem:$0x3FB0]  }
0x3d: {  	_ =	shalt  }
0x3e: {  	_ =	shalt  }
0x3f: {  	_ =	shalt  }
0x40: {  	_ =	shalt  }
0x41: {  	_ =	shalt  }
0x42: {  	_ =	shalt  }
0x43: {  	_ =	shalt  }
0x44: {  	_ =	shalt  }
0x45: {  	_ =	shalt  }
0x46: {  	_ =	shalt  }
0x47: {  	_ =	shalt  }
0x48: {  	_ =	shalt  }
0x49: {  	_ =	shalt  }
0x4a: {  	_ =	shalt  }
0x4b: {  	_ =	shalt  }
0x4c: {  	_ =	shalt  }
0x4d: {  	_ =	shalt  }
0x4e: {  	_ =	shalt  }
0x4f: {  	_ =	shalt  }
0x50: {  	_ =	shalt  }
0x51: {  	_ =	shalt  }
0x52: {  	_ =	shalt  }
0x53: {  	_ =	shalt  }
0x54: {  	_ =	shalt  }
0x55: {  	_ =	shalt  }
0x56: {  	_ =	shalt  }
0x57: {  	_ =	shalt  }
0x58: {  	_ =	shalt  }
0x59: {  	_ =	shalt  }
0x5a: {  	_ =	shalt  }
0x5b: {  	_ =	shalt  }
0x5c: {  	_ =	shalt  }
0x5d: {  	_ =	shalt  }
0x5e: {  	_ =	shalt  }
0x5f: {  	_ =	shalt  }
0x60: {  	_ =	shalt  }
0x61: {  	_ =	shalt  }
0x62: {  	_ =	shalt  }
0x63: {  	_ =	shalt  }
0x64: {  	_ =	shalt  }
0x65: {  	_ =	shalt  }
0x66: {  	_ =	shalt  }
0x67: {  	_ =	shalt  }
0x68: {  	_ =	shalt  }
0x69: {  	_ =	shalt  }
0x6a: {  	_ =	shalt  }
0x6b: {  	_ =	shalt  }
0x6c: {  	_ =	shalt  }
0x6d: {  	_ =	shalt  }
0x6e: {  	_ =	shalt  }
0x6f: {  	_ =	shalt  }
0x70: {  	_ =	shalt  }
0x71: {  	_ =	shalt  }
0x72: {  	_ =	shalt  }
0x73: {  	_ =	shalt  }
0x74: {  	_ =	shalt  }
0x75: {  	_ =	shalt  }
0x76: {  	_ =	shalt  }
0x77: {  	_ =	shalt  }
0x78: {  	_ =	shalt  }
0x79: {  	_ =	shalt  }
0x7a: {  	_ =	shalt  }
0x7b: {  	_ =	shalt  }
0x7c: {  	_ =	shalt  }
0x7d: {  	_ =	shalt  }
0x7e: {  	_ =	shalt  }
0x7f: {  	_ =	shalt  }
0x80: {  	_ =	shalt  }
0x81: {  	_ =	shalt  }
0x82: {  	_ =	shalt  }
0x83: {  	_ =	shalt  }
0x84: {  	_ =	shalt  }
0x85: {  	_ =	shalt  }
0x86: {  	_ =	shalt  }
0x87: {  	_ =	shalt  }
.Lfunc_end0:
.L_simem_size_0:
called_computation.1_lowered:
.L_overlay_start_0:
0x88: {  	s2 =	sld [smem:$0x3FD9]  }
0x89: {  	s3 =	sld [smem:$0x3FFE];
	_ =	sdelay $0x1  }
0x8a: {  	s1 =	srdreg.scid  }
0x8b: {  	s0 =	sand.u32 $0x1, s1  }
0x8c: {  	s15 =	sshll.u32 s0, $0xA;
	s2 =	sadd.s32 s3, s2  }
0x8d: {  	s2 =	sadd.s32 s2, s15  }
0x8e: {  	[smem:$0x3FBC] =	sst s2  }
0x8f: {  	_ = 	snop  }
0x90: {  	s16 =	sld [smem:$0x3FD0];
	(tm) =	ssettm $0x1  }
0x91: {  	s17 =	sld [smem:$0x3FFB];
	_ =	sdelay $0x3  }
0x92: {  	_ =	strace s17  }
0x93: {  	s2 =	sld [smem:$0x3FFC];
	_ =	sdelay $0x3  }
0x94: {  	_ =	strace s2  }
0x95: {  	s2 =	sld [smem:$0x3FFD];
	_ =	sdelay $0x3  }
0x96: {  	_ =	strace s2  }
0x97: {  	_ =	strace $0x8FFFFFFF  }
0x98: {  	s18 =	sld [smem:$0x3FDB];
	_ =	sdelay $0x1  }
0x99: {  	s4 =	simm.s32 $_scs_section_size  }
0x9a: {  	s5 =	simm.s32 $_size__tile_overlayer_lowered;
	s6 =	simm.s32 $_tile_overlayer_lowered  }
0x9b: {  	s7 =	simm.s32 $0x1BFF;
	s19 =	sshll.u32 s6, $0x1;
	s4 =	sadd.s32 s4, s18  }
0x9c: {  	s20 =	simm.s32 $0x0;
	s5 =	sshll.u32 s5, $0x1;
	s6 =	sadd.s32 s19, s4  }
0x9d: {  	[timem:s20], [sflag:s7] =	dma.local [hbm:s6], s5  }
0x9e: {  	_ =	swait.ge [sflag:s7], s5  }
0x9f: {  	s5 =	ssub.s32 $0x0, s5;
	[sflag:s7] =	ssyncset.done $0x0  }
0xa0: {  	[sflag:s7] =	ssyncadd.s32 s5;
	_ =	sdelay $0x1  }
0xa1: {  	s21 =	simm.s32 $0x1B8B  }
0xa2: {  	_ =	swait.ge [sflag:s21], $0x1  }
0xa3: {  	[sflag:s21] =	ssyncset.done $0x0  }
0xa4: {  	s22 =	sld [smem:$0x3FFE];
	[sflag:s21] =	ssyncadd.s32 $0xFFFFFFFF  }
0xa5: {  	s24 =	simm.s32 $0x1B8E;
	s23 =	sld [smem:$0x0]  }
0xa6: {  	s25 =	simm.s32 $execute0_lowered;
	[smem:$0x3FD2] =	sst s24  }
0xa7: {  	s7 =	sshll.u32 s25, $0x1;
	_ =	strace $0x80000046;
	[dreg:$0x1] =	wrdreg $0xFFFFFFFF  }
0xa8: {  	s8 =	simm.s32 $_size_execute0_lowered;
	s7 =	sadd.s32 s4, s7;
	[dreg:$0x0] =	wrdreg $0x0  }
0xa9: {  	s8 =	sshll.u32 s8, $0x1;
	[dreg:$0x2] =	wrdreg s7  }
0xaa: {  	[dreg:$0x3] =	wrdreg s8  }
0xab: {  	[dreg:$0x4] =	wrdreg $0xC0  }
0xac: {  	s26 =	simm.s32 $execute1_lowered;
	_ =	task [dreg:s20], $0x5FFFF  }
0xad: {  	s7 =	sshll.u32 s26, $0x1;
	[dreg:$0x1] =	wrdreg $0xFFFFFFFF  }
0xae: {  	s4 =	sadd.s32 s4, s7;
	[dreg:$0x0] =	wrdreg $0x60  }
0xaf: {  	[dreg:$0x2] =	wrdreg s4  }
0xb0: {  	[dreg:$0x3] =	wrdreg s16  }
0xb1: {  	[dreg:$0x4] =	wrdreg s22  }
0xb2: {  	[dreg:$0x5] =	wrdreg $0x9  }
0xb3: {  	_ =	task.clear_ibuf [dreg:s20], $0x6FFFF;
	_ =	strace $0x90000046  }
0xb4: {  	s28 =	simm.s32 $0x9;
	_ =	strace $0x80000048  }
0xb5: {  	_ =	swait.ge [sflag:s28], $0x1  }
0xb6: {  	[sflag:s28] =	ssyncadd.s32 $0xFFFFFFFF  }
0xb7: {  	_ =	strace $0x90000048  }
0xb8: {  	s3 =	sld [smem:$0x0]  }
0xb9: {  	s4 =	sand.u32 $0xFFFFFFFE, s1  }
0xba: {  	p0 =	sne.s32 s1, s4  }
0xbb: {  	s4 =	sshll.u32 @p0 s4, $0xE  }
0xbc: {  	s4 =	sadd.s32 @p0 $0x11BF3, s4;
	s7 =	sshll.u32 @p0 s3, $0x11  }
0xbd: {  	s4 =	sor.u32 @p0 s7, s4  }
0xbe: {  	[sflag:s4] =	ssyncadd.remote.s32 @p0 $0x1;
	_ =	sdelay $0x1  }
0xbf: {  	s4 =	simm.s32 @p0 $0x1BF3  }
0xc0: {  	_ =	swait.eq @p0 [sflag:s4], $0x1  }
0xc1: {  	[sflag:s4] =	ssyncadd.s32 @p0 $0xFFFFFFFF  }
0xc2: {  	s7 =	sshll.u32 @!p0 s1, $0xE  }
0xc3: {  	s7 =	sor.u32 @!p0 $0x4000, s7;
	s4 =	simm.s32 @!p0 $0x1BF3  }
0xc4: {  	s3 =	sshll.u32 @!p0 s3, $0x11;
	s7 =	sadd.s32 @!p0 $0x11BF3, s7;
	_ =	swait.eq @!p0 [sflag:s4], $0x1  }
0xc5: {  	s3 =	sor.u32 @!p0 s3, s7;
	[sflag:s4] =	ssyncadd.s32 @!p0 $0xFFFFFFFF  }
0xc6: {  	[sflag:s3] =	ssyncadd.remote.s32 @!p0 $0x1  }
0xc7: {  	_ =	strace $0x80000049;
	[dreg:$0x1] =	wrdreg $0xFFFFFFFF  }
0xc8: {  	[dreg:$0x0] =	wrdreg $0x2030  }
0xc9: {  	[dreg:$0x2] =	wrdreg s22  }
0xca: {  	[dreg:$0x3] =	wrdreg s1  }
0xcb: {  	[dreg:$0x4] =	wrdreg s23  }
0xcc: {  	[dreg:$0x5] =	wrdreg $0xA  }
0xcd: {  	_ =	task.clear_ibuf [dreg:s20], $0x6FFFF;
	_ =	strace $0x90000049  }
0xce: {  	s29 =	simm.s32 $0xA;
	_ =	strace $0x8000004B  }
0xcf: {  	_ =	swait.ge [sflag:s29], $0x1  }
0xd0: {  	[sflag:s29] =	ssyncadd.s32 $0xFFFFFFFF  }
0xd1: {  	_ =	strace $0x9000004B  }
0xd2: {  	_ =	sfence  }
0xd3: {  	s30 =	sld [smem:$0x0];
	_ =	sdelay $0x2  }
0xd4: {  	s31 =	sshll.u32 s1, $0xD;
	s1 =	sshrl.u32 s1, $0x2  }
0xd5: {  	s4 =	sand.u32 $0x4000, s31;
	s1 =	sadd.s32 s1, s30  }
0xd6: {  	s0 =	sor.u32 s4, s0;
	s1 =	sshll.u32 s1, $0x11  }
0xd7: {  	s0 =	sor.u32 s1, s0  }
0xd8: {  	s0 =	sadd.s32 $0x8F2B, s0  }
0xd9: {  	[sflag:s0] =	ssyncadd.remote.s32 $0x1  }
0xda: {  	_ =	sfence.sel $0xFFFF  }
0xdb: {  	[dreg:$0x0] =	wrdreg $0xFFFFFFFF;
	(pc) =	sbr.abs _section_cstart, $3  }
0xdc: {  	[dreg:$0x1] =	wrdreg $0xFFFFFFFF  }
0xdd: {  	_ =	task.clear_ibuf [dreg:s20], $0x2FFFF;
	_ =	strace $0x9FFFFFFF  }
0xde: {  	(tm) =	ssettm $0x7FFFFFFF  }
0xdf: {  	_ =	shalt  }
tec
execute0_lowered:
.L_overlay_start_1:
0x0: {  	(tag) =	ssettag $0x1  }
0x1: {  	s3 =	rddreg [dreg:$0x0]  }
0x2: {  	s2 =	rddreg [dreg:$0x1]  }
0x3: {  	s5 =	rddreg [dreg:$0x2]  }
0x4: {  	s0 =	rddreg [dreg:$0x3];
	s4 =	stileid.u32  }
0x5: {  	[bflag:$0x3] =	sbarrier.arrive $0xFFFF;
	s1 =	simm.s32 $_size_execute1_lowered;
	s29 =	srdreg.scid  }
0x6: {  	s30 =	simm.s32 $0x2;
	s13 =	simm.s32 $0x0;
	p0 =	sne.s32 s4, $0x0  }
0x7: {  	s1 =	sshll.u32 s1, $0x1;
	s6 =	simm.s32 @!p0 $0x1C3F;
	s7 =	simm.s32 @!p0 $0x4060  }
0x8: {  	[timem:s7], [sflag:s6] =	dma.local @!p0 [hbm:s3], s1  }
0x9: {  	s8 =	simm.s32 $0x40;
	s9 =	simm.s32 $0x80;
	s3 =	sshll.u32 s29, $0x8  }
.Ltmp0:
0xa: {  	s4 =	sshll.u32 s4, $0x9;
	s3 =	sand.u32 $0x100, s3;
	(pc) =	sbr.rel .LBB2_1-.Ltmp0, $4  }
0xb: {  	s11 =	simm.s32 $0x0;
	s12 =	simm.s32 $0x0;
	s3 =	sor.u32 s4, s3  }
0xc: {  	_ =	strace $0x80000047;
	s4 =	simm.s32 $0x1;
	s31 =	ssub.s32 $0xC300, s3  }
0xd: {  	s5 =	sadd.s32 $0x1A46C00, s5;
	[sflag:s4] =	ssyncpa.u1 $0x0;
	s6 =	sshrl.u32 s31, $0xD  }
0xe: {  	s10 =	smov.u32 s3;
	[sflag:s30] =	ssyncpa.u1 $0x0;
	s7 =	sadd.s32 $0x2, s6  }
.LBB2_5:
0xf: {  	_ =	sdelay $0x3  }
0x10: {  	[tilespmem:v3+s18+$0x0 ss:$0x1] =	vst.idx.msk $0xffff, v1  }
0x11: {  	[tilespmem:v3+s17+$0x0 ss:$0x1] =	vst.idx.msk $0xffff, v2  }
0x12: {  	[tilespmem:v3+s16+$0x0 ss:$0x1] =	vst.idx.msk $0xffff, v4  }
0x13: {  	[tilespmem:v3+s19+$0x0 ss:$0x1] =	vst.idx.msk $0xffff, v5  }
.LBB2_6:
0x14: {  	s16 =	sand.u32 $0x1FFFFFF, s11  }
0x15: {  	s17 =	smulhi.u32 $0x14F8B59, s16;
	_ =	sdelay $0x1  }
0x16: {  	s17 =	sshrl.u32 s17, $0x8  }
0x17: {  	s17 =	smul.u32 $0xC350, s17;
	_ =	sdelay $0x1  }
0x18: {  	s16 =	ssub.s32 s16, s17  }
0x19: {  	s16 =	sshll.u32 s16, $0x4  }
0x1a: {  	s16 =	sadd.s32 s5, s16  }
0x1b: {  	[hbm4b:s16+s8] =	stream.strided.scatter [tilespmem:s15], [sflag:$0x2], s14, s9, s8, $0x38;
	[tilespmem:$0x10000] =	vst v63  }
.LBB2_7:
0x1c: {  	p1 =	slt.u32 s12, $0x2  }
0x1d: {  	p2 =	sgt.s32 @!p1 s13, $0xC250  }
0x1e: {  	s14 =	smov.u32 s13;
	s15 =	sshra.s32 @!p1 s13, $0x1F;
	p2 =	por !p2, p1  }
0x1f: {  	s13 =	sand.u32 @!p1 s15, s13;
	s14 =	simm.s32 @p2 $0xC250  }
0x20: {  	s13 =	ssub.s32 @!p1 s14, s13  }
0x21: {  	s13 =	sadd.s32 @!p1 $0xFFFF3DB0, s13  }
0x22: {  	s14 =	sshll.u32 @!p1 s13, $0x8  }
0x23: {  	p2 =	sgt.s32 @!p1 s13, $0xFF;
	s13 =	ssub.s32 @!p1 $0x10000, s14  }
0x24: {  	s15 =	sadd.s32 $0x2000, s10;
	p2 =	por !p2, p1;
	s13 =	sshrl.u32 @!p1 s13, $0x2  }
0x25: {  	s13 =	simm.s32 @!p2 $0x0;
	p2 =	sgt.s32 s15, $0xC34F  }
0x26: {  	s15 =	smov.u32 @p2 s3;
	p2 =	sne.s32 s12, s7  }
.Ltmp1:
0x27: {  	_ = 	snop;
	(pc) =	sbr.rel @!p2 .LBB2_8-.Ltmp1, $4  }
0x28: {  	s14 =	simm.s32 @!p1 $0x2  }
0x29: {  	_ =	swait.ge @!p1 [sflag:s14], s13;
	s16 =	ssub.s32 @!p1 $0x0, s13  }
0x2a: {  	s13 =	smov.u32 s11;
	s12 =	sadd.s32 $0x1, s12;
	[sflag:s14] =	ssyncset.done @!p1 $0x0  }
0x2b: {  	s11 =	smov.u32 s10;
	s10 =	smov.u32 s15;
	[sflag:s14] =	ssyncadd.s32 @!p1 s16  }
.LBB2_1:
0x2c: {  	p1 =	sgt.u32 s12, s6  }
0x2d: {  	s15 =	smov.u32 s10;
	p2 =	sgt.s32 @!p1 s10, $0xC250  }
0x2e: {  	s14 =	sand.u32 @!p1 $0x1FFFFFF, s10;
	s16 =	sshra.s32 @!p1 s10, $0x1F;
	p2 =	por !p2, p1  }
0x2f: {  	s17 =	smulhi.u32 @!p1 $0x14F8B59, s14;
	s16 =	sand.u32 @!p1 s16, s10;
	s15 =	simm.s32 @p2 $0xC250  }
0x30: {  	s15 =	ssub.s32 @!p1 s15, s16  }
0x31: {  	s16 =	sshrl.u32 @!p1 s17, $0x8;
	s15 =	sadd.s32 @!p1 $0xFFFF3DB0, s15  }
0x32: {  	s17 =	sxor.u32 @!p1 $0xFFFFFFFF, s12;
	s16 =	smul.u32 @!p1 $0xC350, s16;
	s18 =	sshll.u32 @!p1 s15, $0x8  }
0x33: {  	s17 =	sshll.u32 @!p1 s17, $0xE;
	p2 =	sgt.s32 @!p1 s15, $0xFF;
	s15 =	ssub.s32 @!p1 $0x10000, s18  }
0x34: {  	s14 =	ssub.s32 @!p1 s14, s16;
	p2 =	por !p2, p1;
	s16 =	sand.u32 @!p1 $0x4000, s17  }
0x35: {  	s17 =	simm.s32 @!p1 $0x40;
	s15 =	sshrl.u32 @!p1 s15, $0x2;
	s14 =	sshll.u32 @!p1 s14, $0x4  }
0x36: {  	s18 =	simm.s32 @!p1 $0x80;
	s15 =	simm.s32 @!p2 $0x0;
	s14 =	sadd.s32 @!p1 s2, s14  }
0x37: {  	[tilespmem:s16], [sflag:$0x1] =	stream.strided.gather @!p1 [hbm4b:s14+s17], s15, s18, s17, $0x38;
	[tilespmem:$0x10000] =	vst v63  }
0x38: {  	p1 =	seq.s32 s12, $0x0  }
0x39: {  	p2 =	sge.u32 @!p1 s12, s7  }
0x3a: {  	p1 =	por p1, p2  }
.Ltmp2:
0x3b: {  	_ = 	snop;
	(pc) =	sbr.rel @p1 .LBB2_7-.Ltmp2, $1  }
0x3c: {  	_ =	sdelay $0x3  }
0x3d: {  	p1 =	sgt.s32 s11, $0xC250;
	s14 =	smov.u32 s11;
	s15 =	sshra.s32 s11, $0x1F  }
0x3e: {  	s14 =	simm.s32 @!p1 $0xC250;
	s15 =	sand.u32 s15, s11  }
0x3f: {  	s14 =	ssub.s32 s14, s15  }
0x40: {  	s14 =	sadd.s32 $0xFFFF3DB0, s14  }
0x41: {  	s31 =	sshll.u32 s14, $0x8  }
0x42: {  	s15 =	ssub.s32 $0x10000, s31  }
0x43: {  	p1 =	sgt.s32 s14, $0xFF;
	s14 =	sshrl.u32 s15, $0x2;
	s15 =	sadd.s32 $0x100, s11  }
0x44: {  	s14 =	simm.s32 @p1 $0x0;
	p1 =	slt.s32 s15, $0xC350  }
0x45: {  	s15 =	simm.s32 @!p1 $0xC350  }
0x46: {  	s20 =	ssub.s32 s15, s11  }
0x47: {  	p1 =	slt.s32 s20, $0x1  }
.Ltmp3:
0x48: {  	_ = 	snop;
	(pc) =	sbr.rel @p1 .LBB2_6-.Ltmp3, $4  }
0x49: {  	_ = 	snop  }
0x4a: {  	s16 =	sshll.u32 s12, $0xE;
	_ =	swait.ge [sflag:s4], s14  }
0x4b: {  	s16 =	sand.u32 $0x4000, s16;
	s17 =	ssub.s32 $0x0, s14;
	[sflag:s4] =	ssyncset.done $0x0  }
0x4c: {  	s15 =	sor.u32 $0x8000, s16;
	[sflag:s4] =	ssyncadd.s32 s17  }
0x4d: {  	v0 =	vmov s16;
	_ =	sdelay $0x2  }
0x4e: {  	s31 =	simm.s32 $0x0;
	p1 =	sne.s32 s20, $0x1  }
.Ltmp4:
0x4f: {  	s18 =	sand.u32 $0x3FC0, s31;
	(pc) =	sbr.rel @!p1 .LBB2_5-.Ltmp4, $4  }
0x50: {  	s17 =	sor.u32 $0x30, s18;
	v1 =	vld.idx.msk [tilespmem:v0+s18+$0x0 ss:$0x1], $0xffff  }
0x51: {  	v3 =	vmov s15;
	s16 =	sor.u32 $0x10, s18;
	v2 =	vld.idx.msk [tilespmem:v0+s17+$0x0 ss:$0x1], $0xffff  }
0x52: {  	s19 =	sor.u32 $0x20, s18;
	v4 =	vld.idx.msk [tilespmem:v0+s16+$0x0 ss:$0x1], $0xffff  }
0x53: {  	s20 =	sadd.s32 $0xFFFFFFFF, s20;
	s21 =	simm.s32 $0x40;
	v5 =	vld.idx.msk [tilespmem:v0+s19+$0x0 ss:$0x1], $0xffff  }
.LBB2_4:
0x54: {  	s22 =	sand.u32 $0x3FC0, s21  }
0x55: {  	p1 =	sne.s32 s20, $0x1;
	s20 =	sadd.s32 $0xFFFFFFFF, s20;
	s23 =	sor.u32 $0x10, s22  }
.Ltmp5:
0x56: {  	s24 =	sor.u32 $0x20, s22;
	s25 =	sor.u32 $0x30, s22;
	[tilespmem:v3+s18+$0x0 ss:$0x1] =	vst.idx.msk $0xffff, v1;
	v1 =	vld.idx.msk [tilespmem:v0+s22+$0x0 ss:$0x1], $0xffff;
	(pc) =	sbr.rel @p1 .LBB2_4-.Ltmp5, $4  }
0x57: {  	s18 =	smov.u32 s22;
	[tilespmem:v3+s17+$0x0 ss:$0x1] =	vst.idx.msk $0xffff, v2;
	v2 =	vld.idx.msk [tilespmem:v0+s25+$0x0 ss:$0x1], $0xffff;
	s17 =	smov.u32 s25  }
0x58: {  	[tilespmem:v3+s16+$0x0 ss:$0x1] =	vst.idx.msk $0xffff, v4;
	v4 =	vld.idx.msk [tilespmem:v0+s23+$0x0 ss:$0x1], $0xffff;
	s16 =	smov.u32 s23  }
0x59: {  	[tilespmem:v3+s19+$0x0 ss:$0x1] =	vst.idx.msk $0xffff, v5;
	v5 =	vld.idx.msk [tilespmem:v0+s24+$0x0 ss:$0x1], $0xffff;
	s19 =	smov.u32 s24  }
0x5a: {  	s21 =	sadd.s32 $0x40, s21  }
.Ltmp6:
0x5b: {  	_ = 	snop;
	(pc) =	sbr.rel .LBB2_5-.Ltmp6, $1  }
0x5c: {  	_ =	sdelay $0x3  }
.LBB2_8:
0x5d: {  	_ =	sfence.sel $0x180000  }
0x5e: {  	s2 =	simm.s32 $0x1;
	[bflag:$0x0] =	sbarrier.arrive $0xFFFF  }
0x5f: {  	s31 =	simm.s32 $0x2;
	[sflag:s2] =	ssyncpa.u1 $0x1  }
0x60: {  	[sflag:s31] =	ssyncpa.u1 $0x1  }
0x61: {  	_ =	strace $0x90000047  }
0x62: {  	s0 =	sadd.s32 @!p0 $0x100000, s0;
	[bflag:$0x2] =	sbarrier.arrive $0xFFFF  }
0x63: {  	[sflag:s0] =	ssyncadd.tile.s32 @!p0 $0x1;
	s0 =	simm.s32 @!p0 $0x3F  }
0x64: {  	_ =	swait.ge @!p0 [sflag:s0], s1  }
0x65: {  	s1 =	ssub.s32 @!p0 $0x0, s1;
	[sflag:s0] =	ssyncset.done @!p0 $0x0  }
0x66: {  	[sflag:s0] =	ssyncadd.s32 @!p0 s1  }
0x67: {  	[bflag:$0x3] =	sbarrier.arrive $0xFFFF  }
0x68: {  	_ =	shalt  }
.Lfunc_end2:
execute1_lowered:
.L_overlay_start_2:
0x69: {  	(tag) =	ssettag $0x2  }
0x6a: {  	s2 =	rddreg [dreg:$0x0]  }
0x6b: {  	s4 =	rddreg [dreg:$0x1];
	_ =	strace $0x8000004A;
	s0 =	simm.s32 $0x1  }
0x6c: {  	s3 =	simm.s32 $0x88;
	v0 =	vimm.s32 $0x0;
	[sflag:s0] =	ssyncpa.u1 $0x0  }
0x6d: {  	s1 =	sadd.s32 $0x1A46C00, s2;
	[tilespmem:s3+$0x30] =	vst v0  }
0x6e: {  	s0 =	sadd.s32 $0x25000, s2;
	s6 =	sadd.s32 $0x1DCC00, s2;
	[tilespmem:s3+$0x20] =	vst v0  }
0x6f: {  	s2 =	sadd.s32 $0x3D800, s2;
	s7 =	sand.u32 $0x1, s4;
	s4 =	simm.s32 $0x40;
	[tilespmem:s3+$0x10] =	vst v0  }
.LBB3_1:
0x70: {  	s4 =	sadd.s32 $0x40, s4  }
0x71: {  	[tilespmem:s3+$0x0] =	vst v0;
	s3 =	sadd.s32 $0x40, s3;
	p0 =	slt.u32 s4, $0x5040  }
.Ltmp7:
0x72: {  	(pc) =	sbr.rel @p0 .LBB3_1-.Ltmp7, $4  }
0x73: {  	_ = 	snop  }
0x74: {  	[tilespmem:s3+$0x30] =	vst v0  }
0x75: {  	[tilespmem:s3+$0x20] =	vst v0  }
0x76: {  	[tilespmem:s3+$0x10] =	vst v0  }
0x77: {  	s8 =	stileid.u32  }
0x78: {  	s4 =	smul.u32 $0x4E, s8  }
0x79: {  	s5 =	smin.u32 s8, $0x2  }
0x7a: {  	s4 =	sadd.s32 s5, s4  }
0x7b: {  	p0 =	slt.u32 s8, $0x2;
	s12 =	smul.u32 $0x140, s4;
	s4 =	simm.s32 $0x62C0  }
0x7c: {  	s4 =	simm.s32 @!p0 $0x6180  }
0x7d: {  	s25 =	simm.s32 $0x2;
	s4 =	sadd.s32 s4, s12  }
0x7e: {  	s28 =	simm.s32 $0x9;
	s9 =	simm.s32 $0xA;
	s14 =	smin.u32 s4, $0x61A80  }
0x7f: {  	s30 =	simm.s32 $0xB;
	[dreg:$0x4] =	wrdreg s7;
	s4 =	ssub.s32 s14, s12  }
0x80: {  	s31 =	smul.u32 $0xC350, s7;
	s13 =	simm.s32 $0x1;
	p0 =	sgt.s32 s4, $0x0  }
0x81: {  	s19 =	simm.s32 $0x0;
	s20 =	simm.s32 $0xA808;
	s4 =	simm.s32 @!p0 $0x0  }
0x82: {  	s21 =	simm.s32 $0xFFFFFFFF;
	p1 =	por $0x0, $0x0;
	s26 =	smulhi.u32 $0x66666667, s4  }
0x83: {  	[tilespmem:s3+$0x0] =	vst v0;
	s23 =	simm.s32 $0x0;
	[sflag:s25] =	ssyncpa.u1 $0x0;
	s18 =	sshll.u32 s8, $0x7  }
0x84: {  	s0 =	sadd.s32 s31, s0;
	[dreg:$0xa] =	wrdreg s18;
	s3 =	sshrl.u32 s26, $0x7  }
0x85: {  	v0 =	vimm.s32 $0xFFFFFFFF;
	s17 =	sadd.s32 s31, s2;
	[dreg:$0x9] =	wrdreg s0;
	s29 =	smul.u32 $0x140, s3  }
0x86: {  	s25 =	simm.s32 $0x0;
	[tilespmem:$0xA108] =	vst v0;
	[sflag:s28] =	ssyncpa.u1 $0x0;
	[dreg:$0x8] =	wrdreg s17  }
.Ltmp8:
0x87: {  	p0 =	sne.s32 s4, s29;
	s4 =	simm.s32 $0x1;
	(pc) =	sbr.rel .LBB3_3-.Ltmp8, $4  }
0x88: {  	[sflag:s9] =	ssyncpa.u1 $0x0;
	[dreg:$0x5] =	wrdreg s12;
	s4 =	simm.s32 @!p0 $0x0  }
0x89: {  	[sflag:s30] =	ssyncpa.u1 $0x0;
	[dreg:$0x6] =	wrdreg s14;
	s15 =	sadd.s32 s4, s3  }
0x8a: {  	s24 =	smov.u32 s12;
	s22 =	sadd.s32 $0x1, s15;
	[dreg:$0x7] =	wrdreg s15  }
0x8b: {  	v0 =	vlaneseq.u32;
	s26 =	simm.s32 $0x0;
	p0 =	por $0x1, $0x1;
	[dreg:$0xb] =	wrdreg s22  }
.LBB3_22:
0x8c: {  	s0 =	sshrl.u32 s3, $0x2  }
.LBB3_24:
0x8d: {  	s3 =	simm.s32 $0xC  }
0x8e: {  	_ =	swait.ge [sflag:s3], s0  }
0x8f: {  	s31 =	ssub.s32 $0x0, s0;
	v1 =	vmov s4;
	vm0 =	veq.s32 v0, $0x0;
	[sflag:s3] =	ssyncset.done $0x0  }
0x90: {  	vm15 =	veq.s32 v0, $0x2;
	v1 =	vsel vm0, s2, v1;
	[sflag:s3] =	ssyncadd.s32 s31  }
0x91: {  	v1 =	vsel vm15, s26, v1;
	[sflag:s3] =	ssyncpa.u1 $0x1  }
0x92: {  	[tilespmem:$0xA108] =	vst v1  }
.LBB3_25:
0x93: {  	s0 =	sadd.s32 $0x140, s24  }
0x94: {  	s2 =	smov.u32 s12;
	p2 =	slt.s32 s0, s14  }
0x95: {  	s2 =	smov.u32 @p2 s0;
	p2 =	sne.s32 s25, s22  }
.Ltmp9:
0x96: {  	_ = 	snop;
	(pc) =	sbr.rel @!p2 .LBB3_26-.Ltmp9, $4  }
0x97: {  	_ = 	snop  }
0x98: {  	s26 =	smov.u32 s23;
	s31 =	sadd.s32 $0x1, s25;
	p0 =	por !p0, !p0  }
0x99: {  	s23 =	smov.u32 s24;
	s20 =	sadd.s32 $0x140, s20;
	s21 =	sadd.s32 $0x1, s21  }
0x9a: {  	p1 =	por !p1, !p1;
	s25 =	smov.u32 s31;
	s24 =	smov.u32 s2  }
.LBB3_3:
0x9b: {  	p2 =	sge.u32 s25, s15  }
0x9c: {  	s0 =	smulhi.u32 @!p2 $0xAAAAAAAB, s25  }
0x9d: {  	s2 =	smov.u32 s24;
	p3 =	sgt.s32 @!p2 s24, $0x61940  }
0x9e: {  	s3 =	sshra.s32 @!p2 s24, $0x1F;
	p3 =	por !p3, p2;
	s0 =	sshrl.u32 @!p2 s0, $0x1  }
0x9f: {  	s3 =	sand.u32 @!p2 s3, s24;
	s2 =	simm.s32 @p3 $0x61940;
	s0 =	smul.u32 @!p2 $0x3, s0  }
0xa0: {  	s2 =	ssub.s32 @!p2 s2, s3  }
0xa1: {  	s2 =	sadd.s32 @!p2 $0xFFF9E6C0, s2;
	s0 =	ssub.s32 @!p2 s25, s0  }
0xa2: {  	s3 =	sshll.u32 @!p2 s2, $0x2;
	p3 =	sgt.s32 @!p2 s2, $0x13F;
	s0 =	smul.u32 @!p2 $0x500, s0  }
0xa3: {  	s4 =	sand.u32 @!p2 $0x7, s24;
	s2 =	ssub.s32 @!p2 $0x500, s3;
	p3 =	por !p3, p2  }
0xa4: {  	s3 =	sshrl.u32 @!p2 s24, $0x3;
	s2 =	sshrl.u32 @!p2 s2, $0x2;
	s0 =	sshrl.u32 @!p2 s0, $0x2  }
0xa5: {  	s3 =	sadd.s32 @!p2 s3, s17;
	s2 =	simm.s32 @!p3 $0x0;
	s0 =	sadd.s32 @!p2 $0xA948, s0  }
0xa6: {  	[tilespmem:s0], [sflag:$0xA] =	stream.linear.gather @!p2 [hbm4b:s3+s4], s2, $0x38;
	[tilespmem:$0x1EF88] =	vst v63  }
0xa7: {  	s0 =	sadd.s32 $0xFFFFFFFF, s25  }
0xa8: {  	p2 =	sge.u32 s0, s15  }
.Ltmp10:
0xa9: {  	_ = 	snop;
	(pc) =	sbr.rel @p2 .LBB3_7-.Ltmp10, $1  }
0xaa: {  	_ =	sdelay $0x3  }
0xab: {  	p2 =	sgt.s32 s23, $0x61940;
	s2 =	smov.u32 s23;
	s3 =	sshra.s32 s23, $0x1F  }
0xac: {  	s2 =	simm.s32 @!p2 $0x61940;
	s3 =	sand.u32 s3, s23  }
0xad: {  	s17 =	smulhi.u32 $0xAAAAAAAB, s21;
	s2 =	ssub.s32 s2, s3  }
0xae: {  	s0 =	sand.u32 $0x1, s0;
	s2 =	sadd.s32 $0xFFF9E6C0, s2  }
0xaf: {  	s5 =	simm.s32 $0xA;
	s3 =	sshrl.u32 s17, $0x1;
	s4 =	sshll.u32 s2, $0x2  }
0xb0: {  	s7 =	sshrl.u32 s23, $0x3;
	s3 =	smul.u32 $0xFFFFF100, s3;
	s4 =	ssub.s32 $0x500, s4  }
0xb1: {  	s18 =	smul.u32 $0x500, s0;
	p2 =	sgt.s32 s2, $0x13F;
	s2 =	sshrl.u32 s4, $0x2  }
0xb2: {  	s9 =	sand.u32 $0x7, s23;
	s3 =	sshra.s32 s3, $0x2;
	s2 =	simm.s32 @p2 $0x0  }
0xb3: {  	s0 =	sadd.s32 s3, s20;
	s4 =	sshrl.u32 s18, $0x2;
	_ =	swait.ge [sflag:s5], s2  }
0xb4: {  	s22 =	ssub.s32 $0x0, s2;
	[sflag:s5] =	ssyncset.done $0x0;
	s8 =	rddreg [dreg:$0x9]  }
0xb5: {  	s4 =	sadd.s32 $0xAD08, s4;
	[sflag:s5] =	ssyncadd.s32 s22;
	s3 =	sadd.s32 s7, s8  }
0xb6: {  	[tilespmem:s4], [sflag:$0xB] =	stream.linear.gather [hbm4b:s3+s9], s2, $0x38;
	[tilespmem:$0x1EF88] =	vst v63  }
0xb7: {  	v1 =	vld.msk [tilespmem:s0+$0x0], $0xffff;
	_ =	sdelay $0x4  }
0xb8: {  	v1 =	vshll.u32 v1, $0x4  }
0xb9: {  	(v2sf) =	vpush v1, $0x0  }
0xba: {  	(v2sf) =	vpush v1, $0x1  }
0xbb: {  	(v2sf) =	vpush v1, $0x2;
	_ =	sdelay $0x3  }
0xbc: {  	(v2sf) =	vpush v1, $0x3;
	_ =	sdelay $0x1  }
0xbd: {  	(v2sf) =	vpush v1, $0x4  }
0xbe: {  	s2 =	simm.s32 $0x1;
	(v2sf) =	vpush v1, $0x5  }
0xbf: {  	s2 =	simm.s32 @!p0 $0x0  }
0xc0: {  	s2 =	smul.u32 $0x28000, s2;
	(v2sf) =	vpush v1, $0x6;
	_ =	sdelay $0x1  }
0xc1: {  	s2 =	sshrl.u32 s2, $0x2  }
0xc2: {  	s28 =	sadd.s32 $0xB708, s2  }
0xc3: {  	s12 =	sadd.s32 $0xFFFFF880, s28;
	s17 =	sadd.s32 $0xFFFFF900, s28;
	s10 =	spop (v2sf);
	(v2sf) =	vpush v1, $0x7  }
0xc4: {  	s18 =	sadd.s32 $0xFFFFF980, s28;
	s11 =	sand.u32 $0x1FFFFFF0, s10;
	s14 =	spop (v2sf)  }
0xc5: {  	(v2sf) =	vpush v1, $0x8;
	s2 =	sadd.s32 s6, s11;
	s15 =	sand.u32 $0x1FFFFFF0, s14;
	s16 =	spop (v2sf)  }
0xc6: {  	[tilespmem:s12], [sflag:$0x9] =	stream.linear.gather [hbm4b:s2+s19], $0x40, $0x38;
	[tilespmem:$0x1EF88] =	vst v63  }
0xc7: {  	s5 =	sadd.s32 $0xFFFFFA00, s28;
	s2 =	sadd.s32 s6, s15;
	s3 =	sand.u32 $0x1FFFFFF0, s16  }
0xc8: {  	(v2sf) =	vpush v1, $0x9;
	[tilespmem:s17], [sflag:$0x9] =	stream.linear.gather [hbm4b:s2+s19], $0x40, $0x38;
	[tilespmem:$0x1EF88] =	vst v63  }
0xc9: {  	s7 =	sadd.s32 $0xFFFFFA80, s28;
	s22 =	spop (v2sf);
	s3 =	sadd.s32 s6, s3  }
0xca: {  	(v2sf) =	vpush v1, $0xA;
	[tilespmem:s18], [sflag:$0x9] =	stream.linear.gather [hbm4b:s3+s19], $0x40, $0x38;
	[tilespmem:$0x1EF88] =	vst v63  }
0xcb: {  	s11 =	sadd.s32 $0xFFFFFB00, s28;
	s4 =	spop (v2sf);
	(v2sf) =	vpush v1, $0xB;
	s3 =	sand.u32 $0x1FFFFFF0, s22  }
0xcc: {  	s8 =	spop (v2sf);
	s2 =	sadd.s32 s6, s3;
	s3 =	sand.u32 $0x1FFFFFF0, s4  }
0xcd: {  	(v2sf) =	vpush v1, $0xC;
	[tilespmem:s5], [sflag:$0x9] =	stream.linear.gather [hbm4b:s2+s19], $0x40, $0x38;
	[tilespmem:$0x1EF88] =	vst v63  }
0xce: {  	s9 =	sand.u32 $0x1FFFFFF0, s8;
	s10 =	spop (v2sf);
	s3 =	sadd.s32 s6, s3  }
0xcf: {  	(v2sf) =	vpush v1, $0xD;
	[tilespmem:s7], [sflag:$0x9] =	stream.linear.gather [hbm4b:s3+s19], $0x40, $0x38;
	[tilespmem:$0x1EF88] =	vst v63  }
0xd0: {  	s12 =	sadd.s32 $0xFFFFFB80, s28;
	s2 =	sadd.s32 s6, s9;
	s3 =	sand.u32 $0x1FFFFFF0, s10  }
0xd1: {  	[tilespmem:s11], [sflag:$0x9] =	stream.linear.gather [hbm4b:s2+s19], $0x40, $0x38;
	[tilespmem:$0x1EF88] =	vst v63  }
0xd2: {  	s17 =	sadd.s32 $0xFFFFFC00, s28;
	s3 =	sadd.s32 s6, s3;
	s14 =	spop (v2sf)  }
0xd3: {  	[tilespmem:s12], [sflag:$0x9] =	stream.linear.gather [hbm4b:s3+s19], $0x40, $0x38;
	(v2sf) =	vpush v1, $0xE;
	[tilespmem:$0x1EF88] =	vst v63  }
0xd4: {  	s18 =	sadd.s32 $0xFFFFFC80, s28;
	s15 =	sand.u32 $0x1FFFFFF0, s14;
	s16 =	spop (v2sf)  }
0xd5: {  	s5 =	sadd.s32 $0xFFFFFD00, s28;
	(v2sf) =	vpush v1, $0xF;
	s2 =	sadd.s32 s6, s15;
	s3 =	sand.u32 $0x1FFFFFF0, s16  }
0xd6: {  	[tilespmem:s17], [sflag:$0x9] =	stream.linear.gather [hbm4b:s2+s19], $0x40, $0x38;
	[tilespmem:$0x1EF88] =	vst v63  }
0xd7: {  	s7 =	sadd.s32 $0xFFFFFD80, s28;
	s22 =	spop (v2sf);
	s3 =	sadd.s32 s6, s3  }
0xd8: {  	[tilespmem:s18], [sflag:$0x9] =	stream.linear.gather [hbm4b:s3+s19], $0x40, $0x38;
	[tilespmem:$0x1EF88] =	vst v63  }
0xd9: {  	s11 =	sadd.s32 $0xFFFFFE00, s28;
	s4 =	spop (v2sf);
	s3 =	sand.u32 $0x1FFFFFF0, s22  }
0xda: {  	s8 =	spop (v2sf);
	s2 =	sadd.s32 s6, s3;
	s3 =	sand.u32 $0x1FFFFFF0, s4  }
0xdb: {  	[tilespmem:s5], [sflag:$0x9] =	stream.linear.gather [hbm4b:s2+s19], $0x40, $0x38;
	[tilespmem:$0x1EF88] =	vst v63  }
0xdc: {  	s9 =	sand.u32 $0x1FFFFFF0, s8;
	s10 =	spop (v2sf);
	s3 =	sadd.s32 s6, s3  }
0xdd: {  	[tilespmem:s7], [sflag:$0x9] =	stream.linear.gather [hbm4b:s3+s19], $0x40, $0x38;
	[tilespmem:$0x1EF88] =	vst v63  }
0xde: {  	s14 =	spop (v2sf);
	s2 =	sadd.s32 s6, s9;
	s3 =	sand.u32 $0x1FFFFFF0, s10  }
0xdf: {  	[tilespmem:s11], [sflag:$0x9] =	stream.linear.gather [hbm4b:s2+s19], $0x40, $0x38;
	[tilespmem:$0x1EF88] =	vst v63  }
0xe0: {  	s12 =	sadd.s32 $0xFFFFFE80, s28;
	s15 =	sand.u32 $0x1FFFFFF0, s14;
	s3 =	sadd.s32 s6, s3  }
0xe1: {  	[tilespmem:s12], [sflag:$0x9] =	stream.linear.gather [hbm4b:s3+s19], $0x40, $0x38;
	[tilespmem:$0x1EF88] =	vst v63  }
0xe2: {  	s17 =	sadd.s32 $0xFFFFFF00, s28;
	s2 =	sadd.s32 s6, s15;
	s16 =	spop (v2sf)  }
0xe3: {  	[tilespmem:s17], [sflag:$0x9] =	stream.linear.gather [hbm4b:s2+s19], $0x40, $0x38;
	[tilespmem:$0x1EF88] =	vst v63  }
0xe4: {  	s29 =	simm.s32 $0x0;
	s3 =	sand.u32 $0x1FFFFFF0, s16;
	s18 =	spop (v2sf)  }
0xe5: {  	s22 =	sadd.s32 $0xFFFFFF80, s28;
	s3 =	sadd.s32 s6, s3;
	s2 =	sand.u32 $0x1FFFFFF0, s18  }
0xe6: {  	[tilespmem:s22], [sflag:$0x9] =	stream.linear.gather [hbm4b:s3+s19], $0x40, $0x38;
	[tilespmem:$0x1EF88] =	vst v63  }
0xe7: {  	s31 =	sadd.s32 $0x10, s0;
	s30 =	sadd.s32 $0x800, s28;
	s2 =	sadd.s32 s6, s2  }
.LBB3_5:
0xe8: {  	[tilespmem:s28], [sflag:$0x9] =	stream.linear.gather [hbm4b:s2+s19], $0x40, $0x38;
	[tilespmem:$0x1EF88] =	vst v63  }
0xe9: {  	s29 =	sadd.s32 $0x10, s29;
	s28 =	smov.u32 s30  }
0xea: {  	p2 =	slt.u32 s29, $0x130;
	v1 =	vld.msk [tilespmem:s31+$0x0], $0xffff;
	_ =	sdelay $0x4  }
0xeb: {  	v1 =	vshll.u32 v1, $0x4  }
0xec: {  	(v2sf) =	vpush v1, $0x0  }
0xed: {  	(v2sf) =	vpush v1, $0x1  }
0xee: {  	(v2sf) =	vpush v1, $0x2;
	_ =	sdelay $0x1  }
0xef: {  	(v2sf) =	vpush v1, $0x3;
	_ =	sdelay $0x1  }
0xf0: {  	(v2sf) =	vpush v1, $0x4;
	_ =	sdelay $0x1  }
0xf1: {  	(v2sf) =	vpush v1, $0x5;
	_ =	sdelay $0x1  }
0xf2: {  	(v2sf) =	vpush v1, $0x6  }
0xf3: {  	s4 =	sadd.s32 $0xFFFFFE80, s30;
	s0 =	sadd.s32 $0xFFFFFF00, s30  }
0xf4: {  	s3 =	sadd.s32 $0xFFFFFD00, s30;
	s2 =	sadd.s32 $0xFFFFFD80, s30;
	s5 =	sadd.s32 $0xFFFFFE00, s30;
	(v2sf) =	vpush v1, $0x7  }
0xf5: {  	s10 =	sadd.s32 $0xFFFFFB80, s30;
	s9 =	sadd.s32 $0xFFFFFC00, s30;
	s16 =	sadd.s32 $0xFFFFFC80, s30  }
0xf6: {  	s11 =	sadd.s32 $0xFFFFFA00, s30;
	s12 =	sadd.s32 $0xFFFFFA80, s30;
	s15 =	sadd.s32 $0xFFFFFB00, s30;
	(v2sf) =	vpush v1, $0x8  }
0xf7: {  	s18 =	sadd.s32 $0xFFFFF900, s30;
	s7 =	sadd.s32 $0xFFFFF980, s30;
	s22 =	spop (v2sf)  }
0xf8: {  	s8 =	sadd.s32 $0xFFFFF880, s30;
	s22 =	sand.u32 $0x1FFFFFF0, s22;
	s14 =	spop (v2sf);
	(v2sf) =	vpush v1, $0x9  }
0xf9: {  	s22 =	sadd.s32 s6, s22;
	s14 =	sand.u32 $0x1FFFFFF0, s14;
	s17 =	spop (v2sf)  }
0xfa: {  	[tilespmem:s8], [sflag:$0x9] =	stream.linear.gather [hbm4b:s22+s19], $0x40, $0x38;
	(v2sf) =	vpush v1, $0xA;
	[tilespmem:$0x1EF88] =	vst v63  }
0xfb: {  	s8 =	sadd.s32 s6, s14;
	s14 =	sand.u32 $0x1FFFFFF0, s17;
	s17 =	spop (v2sf)  }
0xfc: {  	[tilespmem:s18], [sflag:$0x9] =	stream.linear.gather [hbm4b:s8+s19], $0x40, $0x38;
	(v2sf) =	vpush v1, $0xB;
	[tilespmem:$0x1EF88] =	vst v63  }
0xfd: {  	s8 =	sadd.s32 s6, s14;
	s14 =	sand.u32 $0x1FFFFFF0, s17;
	s17 =	spop (v2sf)  }
0xfe: {  	[tilespmem:s7], [sflag:$0x9] =	stream.linear.gather [hbm4b:s8+s19], $0x40, $0x38;
	(v2sf) =	vpush v1, $0xC;
	[tilespmem:$0x1EF88] =	vst v63  }
0xff: {  	s7 =	sadd.s32 s6, s14;
	s8 =	sand.u32 $0x1FFFFFF0, s17;
	s14 =	spop (v2sf)  }
0x100: {  	[tilespmem:s11], [sflag:$0x9] =	stream.linear.gather [hbm4b:s7+s19], $0x40, $0x38;
	(v2sf) =	vpush v1, $0xD;
	[tilespmem:$0x1EF88] =	vst v63  }
0x101: {  	s7 =	sadd.s32 s6, s8;
	s8 =	sand.u32 $0x1FFFFFF0, s14;
	s11 =	spop (v2sf)  }
0x102: {  	[tilespmem:s12], [sflag:$0x9] =	stream.linear.gather [hbm4b:s7+s19], $0x40, $0x38;
	(v2sf) =	vpush v1, $0xE;
	[tilespmem:$0x1EF88] =	vst v63  }
0x103: {  	s7 =	sadd.s32 s6, s8;
	s8 =	sand.u32 $0x1FFFFFF0, s11;
	s11 =	spop (v2sf)  }
0x104: {  	[tilespmem:s15], [sflag:$0x9] =	stream.linear.gather [hbm4b:s7+s19], $0x40, $0x38;
	(v2sf) =	vpush v1, $0xF;
	[tilespmem:$0x1EF88] =	vst v63  }
0x105: {  	s7 =	sadd.s32 s6, s8;
	s8 =	sand.u32 $0x1FFFFFF0, s11;
	s11 =	spop (v2sf)  }
0x106: {  	[tilespmem:s10], [sflag:$0x9] =	stream.linear.gather [hbm4b:s7+s19], $0x40, $0x38;
	[tilespmem:$0x1EF88] =	vst v63  }
0x107: {  	s7 =	sadd.s32 s6, s8;
	s8 =	sand.u32 $0x1FFFFFF0, s11;
	s10 =	spop (v2sf)  }
0x108: {  	[tilespmem:s9], [sflag:$0x9] =	stream.linear.gather [hbm4b:s7+s19], $0x40, $0x38;
	[tilespmem:$0x1EF88] =	vst v63  }
0x109: {  	s7 =	sadd.s32 s6, s8;
	s8 =	sand.u32 $0x1FFFFFF0, s10;
	s9 =	spop (v2sf)  }
0x10a: {  	[tilespmem:s16], [sflag:$0x9] =	stream.linear.gather [hbm4b:s7+s19], $0x40, $0x38;
	[tilespmem:$0x1EF88] =	vst v63  }
0x10b: {  	s7 =	sadd.s32 s6, s8;
	s8 =	sand.u32 $0x1FFFFFF0, s9;
	s9 =	spop (v2sf)  }
0x10c: {  	[tilespmem:s3], [sflag:$0x9] =	stream.linear.gather [hbm4b:s7+s19], $0x40, $0x38;
	[tilespmem:$0x1EF88] =	vst v63  }
0x10d: {  	s3 =	sadd.s32 s6, s8;
	s7 =	sand.u32 $0x1FFFFFF0, s9;
	s8 =	spop (v2sf)  }
0x10e: {  	[tilespmem:s2], [sflag:$0x9] =	stream.linear.gather [hbm4b:s3+s19], $0x40, $0x38;
	[tilespmem:$0x1EF88] =	vst v63  }
0x10f: {  	s2 =	sadd.s32 s6, s7;
	s3 =	sand.u32 $0x1FFFFFF0, s8;
	s7 =	spop (v2sf)  }
0x110: {  	[tilespmem:s5], [sflag:$0x9] =	stream.linear.gather [hbm4b:s2+s19], $0x40, $0x38;
	[tilespmem:$0x1EF88] =	vst v63  }
0x111: {  	s2 =	sadd.s32 s6, s3;
	s3 =	sand.u32 $0x1FFFFFF0, s7;
	s5 =	spop (v2sf)  }
0x112: {  	[tilespmem:s4], [sflag:$0x9] =	stream.linear.gather [hbm4b:s2+s19], $0x40, $0x38;
	[tilespmem:$0x1EF88] =	vst v63  }
0x113: {  	s2 =	sadd.s32 s6, s3  }
.Ltmp11:
0x114: {  	s3 =	sand.u32 $0x1FFFFFF0, s5;
	s4 =	spop (v2sf);
	(pc) =	sbr.rel @p2 .LBB3_5-.Ltmp11, $4  }
0x115: {  	[tilespmem:s0], [sflag:$0x9] =	stream.linear.gather [hbm4b:s2+s19], $0x40, $0x38;
	[tilespmem:$0x1EF88] =	vst v63  }
0x116: {  	s0 =	sadd.s32 s6, s3;
	s2 =	sadd.s32 $0xFFFFFF80, s30;
	s3 =	sand.u32 $0x1FFFFFF0, s4  }
0x117: {  	[tilespmem:s2], [sflag:$0x9] =	stream.linear.gather [hbm4b:s0+s19], $0x40, $0x38;
	[tilespmem:$0x1EF88] =	vst v63  }
0x118: {  	s31 =	sadd.s32 $0x10, s31;
	s30 =	sadd.s32 $0x800, s30;
	s2 =	sadd.s32 s6, s3  }
0x119: {  	[tilespmem:s28], [sflag:$0x9] =	stream.linear.gather [hbm4b:s2+s19], $0x40, $0x38;
	[tilespmem:$0x1EF88] =	vst v63  }
0x11a: {  	s12 =	rddreg [dreg:$0x5]  }
0x11b: {  	s14 =	rddreg [dreg:$0x6]  }
0x11c: {  	s15 =	rddreg [dreg:$0x7]  }
0x11d: {  	s17 =	rddreg [dreg:$0x8]  }
0x11e: {  	s18 =	rddreg [dreg:$0xa]  }
0x11f: {  	s22 =	rddreg [dreg:$0xb]  }
.LBB3_7:
0x120: {  	p2 =	slt.u32 s25, $0x2  }
.Ltmp12:
0x121: {  	_ = 	snop;
	(pc) =	sbr.rel @p2 .LBB3_25-.Ltmp12, $1  }
0x122: {  	_ =	sdelay $0x3  }
0x123: {  	p2 =	sgt.s32 s26, $0x61940;
	s0 =	smov.u32 s26;
	s2 =	sshra.s32 s26, $0x1F  }
0x124: {  	s0 =	simm.s32 @!p2 $0x61940;
	s2 =	sand.u32 s2, s26  }
0x125: {  	s0 =	ssub.s32 s0, s2  }
0x126: {  	s0 =	sadd.s32 $0xFFF9E6C0, s0  }
0x127: {  	s3 =	simm.s32 $0x9;
	s29 =	sshll.u32 s0, $0x2  }
0x128: {  	_ =	swait.ge [sflag:s3], $0x5000;
	s2 =	ssub.s32 $0x500, s29  }
0x129: {  	[sflag:s3] =	ssyncset.done $0x0;
	p2 =	sgt.s32 s0, $0x13F;
	s0 =	sshrl.u32 s2, $0x2  }
0x12a: {  	s30 =	simm.s32 $0xB;
	[sflag:s3] =	ssyncadd.s32 $0xFFFFB000;
	s0 =	simm.s32 @p2 $0x0  }
0x12b: {  	_ =	swait.ge [sflag:s30], s0  }
0x12c: {  	s0 =	ssub.s32 $0x0, s0;
	[sflag:s30] =	ssyncset.done $0x0  }
0x12d: {  	[sflag:s30] =	ssyncadd.s32 s0  }
0x12e: {  	v1 =	vld [tilespmem:$0xA108];
	_ =	sdelay $0x4  }
0x12f: {  	(v2sf) =	vpush v1, $0x0  }
0x130: {  	(v2sf) =	vpush v1, $0x1  }
0x131: {  	(v2sf) =	vpush v1, $0x2;
	_ =	sdelay $0x3  }
0x132: {  	s0 =	sadd.s32 $0x140, s26  }
0x133: {  	s4 =	ssub.s32 $0xC3500, s26;
	p2 =	slt.s32 s14, s0  }
0x134: {  	s0 =	smov.u32 @p2 s14;
	p2 =	sgt.s32 s4, $0x0  }
0x135: {  	s0 =	ssub.s32 s0, s26;
	s4 =	simm.s32 @!p2 $0x0  }
0x136: {  	p2 =	slt.s32 s4, s0  }
0x137: {  	s0 =	smov.u32 @p2 s4  }
0x138: {  	s2 =	simm.s32 $0x1;
	p2 =	slt.s32 s0, $0x1  }
.Ltmp13:
0x139: {  	s2 =	simm.s32 @!p1 $0x0;
	(pc) =	sbr.rel @p2 .LBB3_12-.Ltmp13, $4  }
0x13a: {  	s7 =	smul.u32 $0x500, s2  }
0x13b: {  	s3 =	spop (v2sf)  }
0x13c: {  	s31 =	sshrl.u32 s7, $0x2;
	s5 =	spop (v2sf)  }
0x13d: {  	s28 =	sadd.s32 $0xAD08, s31;
	s26 =	spop (v2sf)  }
0x13e: {  	s4 =	smin.u32 s0, $0x10  }
0x13f: {  	v1 =	vmov s4  }
0x140: {  	p3 =	sgt.s32 s0, $0x10;
	vm1 =	vgt.u32 v1, v0  }
.Ltmp14:
0x141: {  	_ = 	snop;
	(pc) =	sbr.rel @!p3 .LBB3_11-.Ltmp14, $2  }
0x142: {  	_ =	sdelay $0x2  }
0x143: {  	s9 =	simm.s32 $0x10;
	s10 =	sadd.s32 $0xFFFFFFF0, s0;
	s4 =	smov.u32 s28;
	vm0 =	vmmov vm1  }
.LBB3_10:
0x144: {  	s7 =	smin.u32 s10, $0x10;
	s9 =	sadd.s32 $0x10, s9;
	v1 =	vld.msk [tilespmem:s4+$0x0 ss:$0x1], vm1  }
0x145: {  	v2 =	vmov s7;
	p3 =	slt.s32 s9, s0  }
0x146: {  	vm1 =	vgt.u32 v2, v0  }
.Ltmp15:
0x147: {  	(pc) =	sbr.rel @p3 .LBB3_10-.Ltmp15, $3  }
0x148: {  	_ =	sdelay $0x1  }
0x149: {  	v1 =	vshll.u32 v1, $0x4  }
0x14a: {  	s10 =	sadd.s32 $0xFFFFFFF0, s10;
	[tilespmem:s4+$0x0] =	vst.msk vm0, v1;
	s4 =	sadd.s32 $0x10, s4;
	vm0 =	vmmov vm1  }
.LBB3_11:
0x14b: {  	_ =	sdelay $0x4  }
0x14c: {  	v1 =	vld.msk [tilespmem:s4+$0x0 ss:$0x1], vm1;
	_ =	sdelay $0x4  }
0x14d: {  	v1 =	vshll.u32 v1, $0x4  }
0x14e: {  	[tilespmem:s4+$0x0] =	vst.msk vm0, v1  }
.LBB3_12:
0x14f: {  	s4 =	sand.u32 $0x1, s25  }
0x150: {  	s4 =	smul.u32 $0x140, s4  }
0x151: {  	p3 =	sne.s32 s5, $0xFFFFFFFF  }
0x152: {  	v1 =	vld.msk @!p3 [tilespmem:s4+$0xAD08], $0x1;
	_ =	sdelay $0x4  }
0x153: {  	(v2sf) =	vpush @!p3 v1, $0x0;
	_ =	sdelay $0xc  }
.Ltmp16:
0x154: {  	_ = 	snop;
	(pc) =	sbr.rel @p2 .LBB3_23-.Ltmp16, $4  }
0x155: {  	_ = 	snop  }
0x156: {  	s29 =	spop @!p3 (v2sf)  }
0x157: {  	s31 =	simm.s32 $0xC;
	s26 =	simm.s32 @!p3 $0x0;
	s4 =	smov.u32 s29  }
0x158: {  	[sflag:s31] =	ssyncpa.u1 $0x0;
	s29 =	smov.u32 @p3 s3;
	s4 =	smov.u32 @p3 s5  }
0x159: {  	v1 =	vld.msk [tilespmem:s28+$0x0], $0x1;
	_ =	sdelay $0x4  }
0x15a: {  	(v2sf) =	vpush v1, $0x0;
	_ =	sdelay $0xe  }
0x15b: {  	s2 =	smul.u32 $0x28000, s2;
	s5 =	spop (v2sf)  }
0x15c: {  	s31 =	ssub.s32 $0x0, s0;
	p2 =	seq.s32 s29, s5  }
0x15d: {  	s3 =	smov.u32 s29;
	s2 =	sshrl.u32 s2, $0x2;
	p3 =	sgt.s32 @!p2 s29, $0x0  }
0x15e: {  	s30 =	sadd.s32 $0xAFA8, s2;
	s2 =	sadd.s32 $0x1, s31;
	p3 =	por !p3, p2  }
0x15f: {  	s3 =	simm.s32 @p3 $0x0;
	p3 =	seq.s32 s2, $0x0  }
.Ltmp17:
0x160: {  	_ = 	snop;
	(pc) =	sbr.rel @p3 .LBB3_15-.Ltmp17, $4  }
0x161: {  	_ = 	snop  }
0x162: {  	s0 =	simm.s32 $0x0;
	s9 =	simm.s32 @!p2 $0x1;
	s3 =	smin.u32 @!p2 s3, $0xC34F8  }
0x163: {  	s10 =	simm.s32 @!p2 $0x50C8;
	s9 =	smov.u32 @p2 s0;
	s7 =	sand.u32 @!p2 $0xFFFF8, s3  }
0x164: {  	s16 =	sand.u32 @!p2 $0x7, s3;
	s3 =	sadd.s32 $0x1, s28;
	s11 =	sadd.s32 @!p2 s1, s7  }
.LBB3_14:
0x165: {  	s7 =	smov.u32 s9  }
0x166: {  	[tilespmem:s10], [sflag:$0x2] =	stream.linear.gather @!p2 [hbm4b:s11+s16], $0x40, $0x38;
	[tilespmem:$0x1EF88] =	vst v63  }
0x167: {  	s2 =	sadd.s32 $0x1, s2;
	s8 =	smov.u32 s5;
	v1 =	vld.msk [tilespmem:s3+$0x0], $0x1  }
0x168: {  	p3 =	seq.s32 s2, $0x0;
	_ =	sdelay $0x3  }
0x169: {  	(v2sf) =	vpush v1, $0x0;
	_ =	sdelay $0xe  }
0x16a: {  	s5 =	spop (v2sf)  }
0x16b: {  	p2 =	seq.s32 s8, s5  }
0x16c: {  	p4 =	sgt.s32 @!p2 s8, $0x0;
	s10 =	sshll.u32 @!p2 s9, $0x8;
	s9 =	sadd.s32 @!p2 $0x1, s9  }
.Ltmp18:
0x16d: {  	p4 =	por !p4, p2;
	s10 =	sshra.s32 @!p2 s10, $0x2;
	(pc) =	sbr.rel @!p3 .LBB3_14-.Ltmp18, $4  }
0x16e: {  	s9 =	smov.u32 @p2 s7;
	s8 =	simm.s32 @p4 $0x0;
	s10 =	sadd.s32 @!p2 $0x50C8, s10  }
0x16f: {  	s7 =	smin.u32 @!p2 s8, $0xC34F8  }
0x170: {  	s8 =	sand.u32 @!p2 $0xFFFF8, s7;
	s16 =	sand.u32 @!p2 $0x7, s7  }
0x171: {  	s3 =	sadd.s32 $0x1, s3;
	s11 =	sadd.s32 @!p2 s1, s8  }
.LBB3_15:
0x172: {  	[tilespmem:s10], [sflag:$0x2] =	stream.linear.gather @!p2 [hbm4b:s11+s16], $0x40, $0x38;
	[tilespmem:$0x1EF88] =	vst v63  }
.Ltmp19:
0x173: {  	s2 =	sshll.u32 s9, $0x6;
	(pc) =	sbr.rel .LBB3_16-.Ltmp19, $4  }
0x174: {  	s3 =	simm.s32 $0x2;
	s2 =	sand.u32 $0x3FFFFFC0, s2  }
0x175: {  	_ =	swait.ge [sflag:s3], s2  }
0x176: {  	s2 =	ssub.s32 $0x0, s2;
	[sflag:s3] =	ssyncset.done $0x0  }
0x177: {  	[sflag:s3] =	ssyncadd.s32 s2;
	s3 =	simm.s32 $0x0  }
.LBB3_17:
0x178: {  	v1 =	vld [tilespmem:s30+$0xFFFFFFE0];
	_ =	sdelay $0x4  }
0x179: {  	[tilespmem:s5+$0x88] =	vst.add.f32.msk $0xffff, v1  }
0x17a: {  	v1 =	vld [tilespmem:s30+$0xFFFFFFF0];
	_ =	sdelay $0x4  }
0x17b: {  	[tilespmem:s5+$0x98] =	vst.add.f32.msk $0xffff, v1  }
0x17c: {  	v1 =	vld [tilespmem:s30+$0x0];
	_ =	sdelay $0x4  }
0x17d: {  	[tilespmem:s5+$0xA8] =	vst.add.f32.msk $0xffff, v1  }
0x17e: {  	v1 =	vld [tilespmem:s30+$0x10];
	_ =	sdelay $0x4  }
0x17f: {  	[tilespmem:s5+$0xB8] =	vst.add.f32.msk $0xffff, v1  }
.LBB3_21:
0x180: {  	s31 =	sadd.s32 $0x1, s31  }
0x181: {  	p2 =	seq.s32 s31, $0x0  }
.Ltmp20:
0x182: {  	_ = 	snop;
	(pc) =	sbr.rel @p2 .LBB3_22-.Ltmp20, $2  }
0x183: {  	_ =	sdelay $0x2  }
0x184: {  	s30 =	sadd.s32 $0x80, s30;
	s28 =	sadd.s32 $0x1, s28;
	s29 =	smov.u32 s2  }
.LBB3_16:
0x185: {  	v1 =	vld.msk [tilespmem:s28+$0x0], $0x1;
	_ =	sdelay $0x4  }
0x186: {  	(v2sf) =	vpush v1, $0x0;
	_ =	sdelay $0xe  }
0x187: {  	s2 =	spop (v2sf)  }
0x188: {  	p2 =	sne.s32 s29, s2  }
.Ltmp21:
0x189: {  	_ = 	snop;
	(pc) =	sbr.rel @!p2 .LBB3_17-.Ltmp21, $3  }
0x18a: {  	_ =	sdelay $0x1  }
0x18b: {  	s5 =	sshll.u32 s26, $0x8  }
0x18c: {  	s5 =	sshra.s32 s5, $0x2  }
0x18d: {  	p2 =	seq.s32 s29, s4  }
.Ltmp22:
0x18e: {  	_ = 	snop;
	(pc) =	sbr.rel @!p2 .LBB3_19-.Ltmp22, $1  }
0x18f: {  	_ =	sdelay $0x3  }
.Ltmp23:
0x190: {  	s5 =	sadd.s32 $0x88, s5;
	(pc) =	sbr.rel .LBB3_20-.Ltmp23, $4  }
0x191: {  	[spmem:s18] =	stream.linear.scatter [tilespmem:s5], [sflag:$0x1], $0x40, $0x38;
	[tilespmem:$0x1EF88] =	vst v63  }
0x192: {  	_ =	swait.ge [sflag:s13], $0x40  }
0x193: {  	[sflag:s13] =	ssyncset.done $0x0  }
0x194: {  	[sflag:s13] =	ssyncadd.s32 $0xFFFFFFC0  }
.LBB3_19:
0x195: {  	s7 =	sshll.u32 s0, $0x8  }
0x196: {  	s7 =	sshra.s32 s7, $0x2  }
0x197: {  	v1 =	vld [tilespmem:s7+$0x50C8];
	_ =	sdelay $0x4  }
0x198: {  	[tilespmem:s5+$0x88] =	vst.add.f32.msk $0xffff, v1  }
0x199: {  	v1 =	vld [tilespmem:s7+$0x50D8];
	_ =	sdelay $0x4  }
0x19a: {  	[tilespmem:s5+$0x98] =	vst.add.f32.msk $0xffff, v1  }
0x19b: {  	v1 =	vld [tilespmem:s7+$0x50E8];
	_ =	sdelay $0x4  }
0x19c: {  	[tilespmem:s5+$0xA8] =	vst.add.f32.msk $0xffff, v1  }
0x19d: {  	v1 =	vld [tilespmem:s7+$0x50F8];
	_ =	sdelay $0x2  }
0x19e: {  	p2 =	sgt.u32 s29, $0xC34F8  }
0x19f: {  	s7 =	sand.u32 @!p2 $0xFFFF8, s29  }
0x1a0: {  	s8 =	sadd.s32 $0x88, s5;
	[tilespmem:s5+$0xB8] =	vst.add.f32.msk $0xffff, v1;
	s5 =	sadd.s32 @!p2 s1, s7;
	s7 =	sand.u32 @!p2 $0x7, s29  }
0x1a1: {  	[hbm4b:s5+s7] =	stream.linear.scatter @!p2 [tilespmem:s8], [sflag:$0xC], $0x40, $0x38;
	[tilespmem:$0x1EF88] =	vst v63  }
0x1a2: {  	s5 =	simm.s32 $0x0  }
0x1a3: {  	s5 =	simm.s32 @!p2 $0x100  }
0x1a4: {  	s3 =	sadd.s32 s5, s3  }
.LBB3_20:
0x1a5: {  	s5 =	sadd.s32 $0x1, s26  }
0x1a6: {  	s7 =	smulhi.u32 $0xCCCCCCCD, s5;
	_ =	sdelay $0x1  }
0x1a7: {  	v1 =	vld [tilespmem:s30+$0xFFFFFFE0];
	s7 =	sshrl.u32 s7, $0x8  }
0x1a8: {  	s7 =	smul.u32 $0x140, s7;
	_ =	sdelay $0x1  }
0x1a9: {  	s26 =	ssub.s32 s5, s7  }
0x1aa: {  	s5 =	sshll.u32 s26, $0x6  }
0x1ab: {  	[tilespmem:s5+$0x88] =	vst v1  }
0x1ac: {  	v1 =	vld [tilespmem:s30+$0xFFFFFFF0];
	_ =	sdelay $0x4  }
0x1ad: {  	[tilespmem:s5+$0x98] =	vst v1  }
0x1ae: {  	v1 =	vld [tilespmem:s30+$0x0];
	_ =	sdelay $0x4  }
0x1af: {  	[tilespmem:s5+$0xA8] =	vst v1  }
0x1b0: {  	v1 =	vld [tilespmem:s30+$0x10]  }
.Ltmp24:
0x1b1: {  	_ = 	snop;
	(pc) =	sbr.rel .LBB3_21-.Ltmp24, $2  }
0x1b2: {  	_ =	sdelay $0x2  }
0x1b3: {  	s0 =	sadd.s32 $0x1, s0;
	[tilespmem:s5+$0xB8] =	vst v1  }
.LBB3_23:
.Ltmp25:
0x1b4: {  	(pc) =	sbr.rel .LBB3_24-.Ltmp25, $4  }
0x1b5: {  	_ = 	snop  }
0x1b6: {  	s0 =	simm.s32 $0x2  }
0x1b7: {  	_ =	swait.ge [sflag:s0], $0x0  }
0x1b8: {  	s2 =	smov.u32 s29;
	[sflag:s0] =	ssyncset.done $0x0;
	s0 =	simm.s32 $0x0  }
.LBB3_26:
0x1b9: {  	_ =	sfence.sel $0x180000  }
0x1ba: {  	s0 =	simm.s32 $0x9;
	[bflag:$0x0] =	sbarrier.arrive $0xFFFF  }
0x1bb: {  	s24 =	simm.s32 $0xA;
	[sflag:s0] =	ssyncpa.u1 $0x1  }
0x1bc: {  	s25 =	simm.s32 $0xB;
	[sflag:s24] =	ssyncpa.u1 $0x1  }
0x1bd: {  	s26 =	simm.s32 $0x2;
	[sflag:s25] =	ssyncpa.u1 $0x1  }
0x1be: {  	[sflag:s26] =	ssyncpa.u1 $0x1  }
0x1bf: {  	v0 =	vld [tilespmem:$0xA108];
	_ =	sdelay $0x4  }
0x1c0: {  	(v2sf) =	vpush v0, $0x0  }
0x1c1: {  	(v2sf) =	vpush v0, $0x1;
	_ =	sdelay $0x1  }
0x1c2: {  	(v2sf) =	vpush v0, $0x2;
	_ =	sdelay $0xb  }
0x1c3: {  	s0 =	spop (v2sf)  }
0x1c4: {  	s2 =	spop (v2sf)  }
0x1c5: {  	s3 =	smov.u32 s0;
	p0 =	sne.s32 s0, s2  }
0x1c6: {  	s4 =	spop (v2sf);
	s3 =	simm.s32 @!p0 $0xFFFFFFFF  }
0x1c7: {  	v2 =	vimm.s32 $0x1;
	v3 =	vlaneseq.u32;
	p0 =	seq.s32 s4, $0xFFFFFFFF;
	v1 =	vmov s3  }
0x1c8: {  	s14 =	stileid.u32;
	v0 =	vperm.xlane v0, v2;
	p1 =	sne.s32 @!p0 s0, s2;
	v1 =	vperm.xlane v1, v3  }
0x1c9: {  	vm0 =	vcmask $0x3F04;
	s6 =	simm.s32 $0xA108;
	s0 =	simm.s32 @!p0 $0x1;
	p1 =	por !p1, p0  }
0x1ca: {  	s3 =	sshll.u32 s14, $0x1;
	s2 =	sshll.u32 @!p0 s4, $0x8;
	s0 =	simm.s32 @p1 $0x0;
	v0 =	vsel vm0, v1, v0  }
0x1cb: {  	s5 =	sor.u32 $0x800, s3;
	s2 =	sshra.s32 @!p0 s2, $0x2;
	s0 =	sor.u32 @!p0 s0, s3;
	[tilespmem:$0xA108] =	vst v0  }
0x1cc: {  	[spmem:s5] =	stream.linear.scatter [tilespmem:s6], [sflag:$0x1], $0x2, $0x38;
	[tilespmem:$0x1EF88] =	vst v63  }
0x1cd: {  	s2 =	sadd.s32 @!p0 $0x88, s2;
	s0 =	sshll.u32 @!p0 s0, $0x6  }
0x1ce: {  	[spmem:s0] =	stream.linear.scatter @!p0 [tilespmem:s2], [sflag:$0x1], $0x40, $0x38;
	[tilespmem:$0x1EF88] =	vst v63  }
0x1cf: {  	s0 =	simm.s32 @!p0 $0x42  }
0x1d0: {  	s28 =	simm.s32 $0x1;
	s0 =	simm.s32 @p0 $0x2  }
0x1d1: {  	_ =	swait.ge [sflag:s28], s0  }
0x1d2: {  	s0 =	ssub.s32 $0x0, s0;
	[sflag:s28] =	ssyncset.done $0x0  }
0x1d3: {  	p0 =	sne.s32 s14, $0x0;
	[sflag:s28] =	ssyncadd.s32 s0  }
.Ltmp26:
0x1d4: {  	_ =	sfence.stream.spmem;
	(pc) =	sbr.rel @p0 .LBB3_43-.Ltmp26, $4  }
0x1d5: {  	s29 =	simm.s32 $0x3;
	[bflag:$0x0] =	sbarrier.arrive $0xFFFF  }
0x1d6: {  	s30 =	simm.s32 $0x4;
	[sflag:s29] =	ssyncpa.u1 $0x1  }
0x1d7: {  	s31 =	simm.s32 $0x3C;
	[sflag:s30] =	ssyncpa.u1 $0x1  }
0x1d8: {  	s13 =	rddreg [dreg:$0x4];
	[sflag:s31] =	ssyncpa.u1 $0x1  }
0x1d9: {  	_ =	sfence.stream.spmem;
	s0 =	simm.s32 $0x5  }
0x1da: {  	s2 =	simm.s32 $0x800;
	s3 =	simm.s32 $0xA118;
	[sflag:s0] =	ssyncpa.u1 $0x0  }
0x1db: {  	[tilespmem:s3], [sflag:$0x5] =	stream.linear.gather [spmem:s2], $0x20, $0x38;
	[tilespmem:$0x1EF88] =	vst v63  }
0x1dc: {  	s26 =	simm.s32 $0x0;
	s28 =	simm.s32 $0xA138  }
0x1dd: {  	[tilespmem:s28], [sflag:$0x5] =	stream.linear.gather [spmem:s26], $0x800, $0x38;
	[tilespmem:$0x1EF88] =	vst v63  }
0x1de: {  	_ =	swait.ge [sflag:s0], $0x820  }
0x1df: {  	[sflag:s0] =	ssyncset.done $0x0  }
0x1e0: {  	s29 =	simm.s32 $0x0;
	[sflag:s0] =	ssyncadd.s32 $0xFFFFF7E0  }
0x1e1: {  	v0 =	vld.msk [tilespmem:s29+$0xA118], $0x1;
	_ =	sdelay $0x1  }
0x1e2: {  	s30 =	simm.s32 $0x1  }
0x1e3: {  	v1 =	vld.msk [tilespmem:s30+$0xA118], $0x1;
	_ =	sdelay $0x1  }
0x1e4: {  	(v2sf) =	vpush v0, $0x0;
	_ =	sdelay $0x2  }
0x1e5: {  	(v2sf) =	vpush v1, $0x0;
	_ =	sdelay $0x2  }
0x1e6: {  	s31 =	simm.s32 $0x2  }
0x1e7: {  	v0 =	vld.msk [tilespmem:s31+$0xA118], $0x1;
	_ =	sdelay $0x2  }
0x1e8: {  	s2 =	simm.s32 $0xFFFFFFFF;
	s3 =	simm.s32 $0xFFFFFFFF;
	s0 =	simm.s32 $0xC  }
.LBB3_28:
0x1e9: {  	s4 =	smov.u32 s3;
	s5 =	smov.u32 s2  }
0x1ea: {  	s2 =	sshra.s32 s0, $0x2;
	p1 =	sne.s32 s0, $0x7C;
	s0 =	sadd.s32 $0x4, s0;
	(v2sf) =	vpush v0, $0x0  }
0x1eb: {  	v0 =	vld.msk [tilespmem:s2+$0xA118], $0x1  }
.Ltmp27:
0x1ec: {  	(pc) =	sbr.rel @p1 .LBB3_28-.Ltmp27, $4  }
0x1ed: {  	s3 =	spop (v2sf)  }
0x1ee: {  	p2 =	sne.s32 s5, $0xFFFFFFFF;
	s2 =	smov.u32 s3  }
0x1ef: {  	p3 =	seq.s32 s3, $0xFFFFFFFF;
	s2 =	smov.u32 @p2 s5  }
0x1f0: {  	s3 =	smov.u32 @p3 s4;
	s2 =	smov.u32 @p3 s5  }
0x1f1: {  	(v2sf) =	vpush v0, $0x0;
	_ =	sdelay $0x8  }
0x1f2: {  	s0 =	spop (v2sf)  }
0x1f3: {  	p1 =	sne.s32 s2, $0xFFFFFFFF;
	s4 =	smov.u32 s0  }
0x1f4: {  	s6 =	simm.s32 $0x0;
	p2 =	seq.s32 s0, $0xFFFFFFFF;
	s4 =	smov.u32 @p1 s2  }
0x1f5: {  	s9 =	simm.s32 $0xA0C8;
	s4 =	smov.u32 @p2 s2;
	s2 =	spop (v2sf)  }
0x1f6: {  	s0 =	smov.u32 @p2 s3;
	p1 =	sne.s32 s4, $0xFFFFFFFF;
	s5 =	smov.u32 s2  }
.Ltmp28:
0x1f7: {  	p2 =	seq.s32 s2, $0xFFFFFFFF;
	s5 =	smov.u32 @p1 s4;
	(pc) =	sbr.rel .LBB3_30-.Ltmp28, $4  }
0x1f8: {  	s10 =	simm.s32 $0x0;
	s5 =	smov.u32 @p2 s4;
	s7 =	spop (v2sf)  }
0x1f9: {  	s2 =	smov.u32 @p2 s0;
	p1 =	sne.s32 s5, $0xFFFFFFFF;
	s8 =	smov.u32 s7  }
0x1fa: {  	s0 =	simm.s32 $0x6;
	p2 =	seq.s32 s7, $0xFFFFFFFF;
	s8 =	smov.u32 @p1 s5  }
0x1fb: {  	[sflag:s0] =	ssyncpa.u1 $0x0;
	s7 =	smov.u32 @p2 s2;
	s8 =	smov.u32 @p2 s5  }
.LBB3_36:
0x1fc: {  	p1 =	sgt.u32 s2, $0xC34F8  }
0x1fd: {  	p2 =	seq.s32 @!p1 s2, s8  }
0x1fe: {  	p1 =	por p1, p2  }
0x1ff: {  	p2 =	sne.s32 @!p1 s2, s7  }
0x200: {  	p1 =	por p1, !p2  }
0x201: {  	s2 =	sshll.u32 @p1 s10, $0x8  }
0x202: {  	s3 =	sand.u32 @!p1 $0xFFFF8, s2  }
0x203: {  	s2 =	sand.u32 @!p1 $0x7, s2;
	s3 =	sadd.s32 @!p1 s1, s3  }
0x204: {  	[tilespmem:s9], [sflag:$0x6] =	stream.linear.gather @!p1 [hbm4b:s3+s2], $0x40, $0x38;
	[tilespmem:$0x1EF88] =	vst v63  }
0x205: {  	_ =	swait.ge @!p1 [sflag:s0], $0x40  }
0x206: {  	[sflag:s0] =	ssyncset.done @!p1 $0x0  }
0x207: {  	[sflag:s0] =	ssyncadd.s32 @!p1 $0xFFFFFFC0  }
0x208: {  	v1 =	vld @!p1 [tilespmem:$0xA0C8];
	_ =	sdelay $0x2  }
0x209: {  	s2 =	sshll.u32 @!p1 s10, $0x8  }
0x20a: {  	s3 =	sshrl.u32 @!p1 s2, $0x2  }
0x20b: {  	[tilespmem:s3+$0xA138] =	vst.add.f32.msk @!p1 $0xffff, v1  }
0x20c: {  	v1 =	vld @!p1 [tilespmem:$0xA0D8];
	_ =	sdelay $0x4  }
0x20d: {  	[tilespmem:s3+$0xA148] =	vst.add.f32.msk @!p1 $0xffff, v1  }
0x20e: {  	v1 =	vld @!p1 [tilespmem:$0xA0E8];
	_ =	sdelay $0x4  }
0x20f: {  	[tilespmem:s3+$0xA158] =	vst.add.f32.msk @!p1 $0xffff, v1  }
0x210: {  	v1 =	vld @!p1 [tilespmem:$0xA0F8];
	_ =	sdelay $0x4  }
0x211: {  	[tilespmem:s3+$0xA168] =	vst.add.f32.msk @!p1 $0xffff, v1  }
0x212: {  	s2 =	sshrl.u32 s2, $0x2;
	[tilespmem:s6+$0xA118] =	vst.msk $0x1, v0  }
0x213: {  	v0 =	vld [tilespmem:s2+$0xA138];
	_ =	sdelay $0x2  }
0x214: {  	s31 =	sshll.u32 s6, $0x8  }
0x215: {  	s3 =	sshra.s32 s31, $0x2  }
0x216: {  	[tilespmem:s3+$0xA138] =	vst v0  }
0x217: {  	v0 =	vld [tilespmem:s2+$0xA148];
	_ =	sdelay $0x4  }
0x218: {  	[tilespmem:s3+$0xA148] =	vst v0  }
0x219: {  	v0 =	vld [tilespmem:s2+$0xA158];
	_ =	sdelay $0x4  }
0x21a: {  	[tilespmem:s3+$0xA158] =	vst v0  }
0x21b: {  	v0 =	vld [tilespmem:s2+$0xA168];
	_ =	sdelay $0x4  }
0x21c: {  	s6 =	sadd.s32 $0x1, s6;
	[tilespmem:s3+$0xA168] =	vst v0  }
.LBB3_37:
0x21d: {  	s10 =	sadd.s32 $0x1, s10  }
0x21e: {  	p1 =	sne.s32 s10, $0x20  }
.Ltmp29:
0x21f: {  	_ = 	snop;
	(pc) =	sbr.rel @!p1 .LBB3_38-.Ltmp29, $1  }
0x220: {  	_ =	sdelay $0x3  }
.LBB3_30:
0x221: {  	v0 =	vld.msk [tilespmem:s10+$0xA118], $0x1;
	_ =	sdelay $0x4  }
0x222: {  	(v2sf) =	vpush v0, $0x0;
	_ =	sdelay $0xe  }
0x223: {  	s2 =	spop (v2sf)  }
0x224: {  	p1 =	seq.s32 s2, $0xFFFFFFFF  }
.Ltmp30:
0x225: {  	_ = 	snop;
	(pc) =	sbr.rel @p1 .LBB3_37-.Ltmp30, $1  }
0x226: {  	_ =	sdelay $0x3  }
0x227: {  	p1 =	slt.s32 s6, $0x1  }
.Ltmp31:
0x228: {  	_ = 	snop;
	(pc) =	sbr.rel @p1 .LBB3_36-.Ltmp31, $1  }
0x229: {  	_ =	sdelay $0x3  }
0x22a: {  	s3 =	simm.s32 $0xA118;
	p1 =	por $0x0, $0x0  }
0x22b: {  	v1 =	vld.msk @!p1 [tilespmem:s3+$0x0], $0x1;
	_ =	sdelay $0x4  }
0x22c: {  	(v2sf) =	vpush @!p1 v1, $0x0;
	_ =	sdelay $0xd  }
0x22d: {  	p3 =	sne.s32 s6, $0x1  }
.Ltmp32:
0x22e: {  	s4 =	spop @!p1 (v2sf);
	(pc) =	sbr.rel @!p3 .LBB3_34-.Ltmp32, $4  }
0x22f: {  	p2 =	seq.s32 @!p1 s2, s4  }
0x230: {  	s4 =	simm.s32 $0x0;
	p2 =	por !p2, p1  }
0x231: {  	s11 =	simm.s32 $0xFFFFFFFF;
	s4 =	simm.s32 @p2 $0xFFFFFFFF  }
0x232: {  	s5 =	simm.s32 $0x1;
	s4 =	smov.u32 @p1 s11  }
.LBB3_33:
0x233: {  	s11 =	smov.u32 s4;
	p1 =	sne.s32 s4, $0xFFFFFFFF  }
0x234: {  	s3 =	sadd.s32 $0x1, s3;
	s4 =	smov.u32 s5;
	s5 =	sadd.s32 $0x1, s5  }
0x235: {  	p2 =	sne.s32 s6, s5;
	v1 =	vld.msk @!p1 [tilespmem:s3+$0x0], $0x1;
	_ =	sdelay $0x4  }
0x236: {  	(v2sf) =	vpush @!p1 v1, $0x0;
	_ =	sdelay $0xe  }
.Ltmp33:
0x237: {  	s12 =	spop @!p1 (v2sf);
	(pc) =	sbr.rel @p2 .LBB3_33-.Ltmp33, $4  }
0x238: {  	p3 =	seq.s32 @!p1 s2, s12  }
0x239: {  	p3 =	por !p3, p1  }
0x23a: {  	s4 =	simm.s32 @p3 $0xFFFFFFFF  }
0x23b: {  	s4 =	smov.u32 @p1 s11  }
.LBB3_34:
0x23c: {  	p1 =	seq.s32 s4, $0xFFFFFFFF  }
.Ltmp34:
0x23d: {  	_ = 	snop;
	(pc) =	sbr.rel @p1 .LBB3_36-.Ltmp34, $1  }
0x23e: {  	_ =	sdelay $0x3  }
0x23f: {  	s2 =	sshll.u32 s10, $0x6  }
0x240: {  	s2 =	sand.u32 $0x3FFFFFC0, s2  }
0x241: {  	v0 =	vld [tilespmem:s2+$0xA138];
	_ =	sdelay $0x2  }
0x242: {  	s3 =	sshll.u32 s4, $0x8  }
0x243: {  	s3 =	sshra.s32 s3, $0x2  }
0x244: {  	[tilespmem:s3+$0xA138] =	vst.add.f32.msk $0xffff, v0  }
0x245: {  	v0 =	vld [tilespmem:s2+$0xA148];
	_ =	sdelay $0x4  }
0x246: {  	[tilespmem:s3+$0xA148] =	vst.add.f32.msk $0xffff, v0  }
0x247: {  	v0 =	vld [tilespmem:s2+$0xA158];
	_ =	sdelay $0x4  }
0x248: {  	[tilespmem:s3+$0xA158] =	vst.add.f32.msk $0xffff, v0  }
0x249: {  	v0 =	vld [tilespmem:s2+$0xA168]  }
.Ltmp35:
0x24a: {  	_ = 	snop;
	(pc) =	sbr.rel .LBB3_37-.Ltmp35, $2  }
0x24b: {  	_ =	sdelay $0x2  }
0x24c: {  	[tilespmem:s3+$0xA168] =	vst.add.f32.msk $0xffff, v0  }
.LBB3_38:
0x24d: {  	s0 =	simm.s32 $0x6;
	p1 =	seq.s32 s6, $0x0  }
0x24e: {  	[sflag:s0] =	ssyncpa.u1 $0x1;
	v0 =	vimm.s32 @p1 $0xFFFFFFFF  }
0x24f: {  	s0 =	sadd.s32 $0xFFFFFFFF, s6;
	[tilespmem:$0xA938] =	vst @p1 v0  }
0x250: {  	v0 =	vld.msk @!p1 [tilespmem:s0+$0xA118], $0x1;
	_ =	sdelay $0x1  }
0x251: {  	v1 =	vld.msk @!p1 [tilespmem:$0xA118], $0x1;
	_ =	sdelay $0x2  }
0x252: {  	p2 =	seq.s32 @!p1 s0, $0x0;
	v0 =	vbroadcast @!p1 v0, $0x0  }
0x253: {  	vm0 =	vmmov @!p1 $0x1;
	p2 =	por !p2, p1  }
0x254: {  	v1 =	vnsel @!p1 vm0, $0xFFFFFFFF, v1;
	vm0 =	vcmask @!p1 $0x308;
	v0 =	vpsel !p2, $0xFFFFFFFF, v0  }
0x255: {  	p2 =	sne.s32 @!p1 s8, s7;
	v0 =	vsel @!p1 vm0, v1, v0  }
0x256: {  	s2 =	simm.s32 @!p1 $0xA138;
	s3 =	simm.s32 @!p1 $0x0;
	p3 =	por !p2, p1;
	[tilespmem:$0xA938] =	vst @!p1 v0  }
0x257: {  	[spmem:s3] =	stream.linear.scatter @!p1 [tilespmem:s2], [sflag:$0x1], $0x40, $0x38;
	[tilespmem:$0x1EF88] =	vst v63  }
0x258: {  	s2 =	sshll.u32 @!p3 s0, $0x8  }
0x259: {  	s2 =	sshra.s32 @!p3 s2, $0x2  }
0x25a: {  	s3 =	simm.s32 @!p3 $0x40;
	s2 =	sadd.s32 @!p3 $0xA138, s2  }
0x25b: {  	[spmem:s3] =	stream.linear.scatter @!p3 [tilespmem:s2], [sflag:$0x1], $0x40, $0x38;
	[tilespmem:$0x1EF88] =	vst v63  }
0x25c: {  	s2 =	simm.s32 @!p3 $0x1  }
0x25d: {  	_ =	swait.ge @!p3 [sflag:s2], $0x80  }
0x25e: {  	p1 =	por p2, p1;
	[sflag:s2] =	ssyncset.done @!p3 $0x0  }
0x25f: {  	[sflag:s2] =	ssyncadd.s32 @!p3 $0xFFFFFF80;
	s2 =	simm.s32 @!p1 $0x1  }
0x260: {  	_ =	swait.ge @!p1 [sflag:s2], $0x40  }
0x261: {  	s29 =	simm.s32 $0xA938;
	[sflag:s2] =	ssyncset.done @!p1 $0x0  }
0x262: {  	s30 =	simm.s32 $0x800;
	s31 =	simm.s32 $0x1;
	[sflag:s2] =	ssyncadd.s32 @!p1 $0xFFFFFFC0  }
0x263: {  	[spmem:s30] =	stream.linear.scatter [tilespmem:s29], [sflag:$0x1], $0x10, $0x38;
	[tilespmem:$0x1EF88] =	vst v63  }
0x264: {  	_ =	swait.ge [sflag:s31], $0x10  }
0x265: {  	[sflag:s31] =	ssyncset.done $0x0  }
0x266: {  	p1 =	seq.s32 s13, $0x0;
	s9 =	rddreg [dreg:$0x1];
	[sflag:s31] =	ssyncadd.s32 $0xFFFFFFF0  }
0x267: {  	s3 =	sshll.u32 @p1 s9, $0xE;
	s8 =	rddreg [dreg:$0x2]  }
0x268: {  	s2 =	sadd.s32 @p1 $0x15C3C, s3;
	s3 =	sshll.u32 @p1 s8, $0x11  }
0x269: {  	_ =	sfence.stream.spmem;
	s2 =	sor.u32 @p1 s3, s2  }
0x26a: {  	[sflag:s2] =	ssyncadd.remote.s32 @p1 $0x1;
	s2 =	simm.s32 @p1 $0x4  }
0x26b: {  	s4 =	simm.s32 @!p1 $0x3C;
	s3 =	sand.u32 $0xFFFFFFFE, s9;
	_ =	swait.ge @p1 [sflag:s2], $0x12  }
0x26c: {  	s5 =	simm.s32 @!p1 $0x0;
	s3 =	sadd.s32 @!p1 $0x4, s3;
	[sflag:s2] =	ssyncset.done @p1 $0x0  }
0x26d: {  	s7 =	simm.s32 @!p1 $0x80;
	[sflag:s2] =	ssyncadd.s32 @p1 $0xFFFFFFEE;
	s2 =	sshll.u32 @!p1 s3, $0x1A  }
0x26e: {  	s3 =	sshll.u32 @!p1 s3, $0xD;
	s2 =	sor.u32 @!p1 s2, s8;
	_ =	swait.eq @!p1 [sflag:s4], $0x1  }
0x26f: {  	s3 =	sor.u32 @!p1 $0x1C04, s3;
	s4 =	simm.s32 @!p1 $0x1C03;
	s2 =	sor.u32 @!p1 $0x80004000, s2  }
0x270: {  	[spmem:s7], [sflag:s3] =	dma.general @!p1 [spmem:s5], [sflag:s4], length:$0x10, [dreg:$0x0], stride_count:$0x0, ici_dest:s2, dma_misc:DstOpCode:WRITE  }
0x271: {  	p2 =	slt.s32 s0, $0x2;
	s5 =	simm.s32 @!p1 $0x100;
	s7 =	simm.s32 @!p1 $0x102  }
0x272: {  	[spmem:s7], [sflag:s3] =	dma.general @!p1 [spmem:s5], [sflag:s4], length:$0x2, [dreg:$0x0], stride_count:$0x0, ici_dest:s2, dma_misc:DstOpCode:WRITE  }
.Ltmp36:
0x273: {  	s2 =	simm.s32 @!p1 $0x3;
	(pc) =	sbr.rel @p2 .LBB3_42-.Ltmp36, $4  }
0x274: {  	s3 =	sshll.u32 @!p1 s9, $0xE;
	_ =	swait.ge @!p1 [sflag:s2], $0x12  }
0x275: {  	s4 =	sshll.u32 @!p1 s8, $0x11;
	s3 =	sadd.s32 @!p1 $0x11C3C, s3;
	[sflag:s2] =	ssyncset.done @!p1 $0x0  }
0x276: {  	[sflag:s2] =	ssyncadd.s32 @!p1 $0xFFFFFFEE;
	s2 =	sor.u32 @!p1 s4, s3  }
0x277: {  	s0 =	simm.s32 $0x0;
	[sflag:s2] =	ssyncadd.remote.s32 @!p1 $0xFFFFFFFF  }
0x278: {  	s0 =	simm.s32 $0xA119  }
0x279: {  	v0 =	vld.msk [tilespmem:s0+$0x0], $0x1;
	_ =	sdelay $0x4  }
0x27a: {  	(v2sf) =	vpush v0, $0x0;
	_ =	sdelay $0xc  }
0x27b: {  	s2 =	sadd.s32 $0xFFFFFFFE, s6  }
0x27c: {  	s2 =	sadd.s32 $0xFFFFFFFF, s2  }
0x27d: {  	p2 =	sne.s32 s2, $0x0;
	s3 =	spop (v2sf)  }
.Ltmp37:
0x27e: {  	p1 =	sgt.u32 s3, $0xC34F8;
	(pc) =	sbr.rel @!p2 .LBB3_41-.Ltmp37, $4  }
0x27f: {  	s5 =	simm.s32 $0x0;
	s4 =	sand.u32 @!p1 $0xFFFF8, s3  }
0x280: {  	s0 =	simm.s32 $0xA178;
	s3 =	sand.u32 @!p1 $0x7, s3;
	s4 =	sadd.s32 @!p1 s1, s4  }
0x281: {  	[hbm4b:s4+s3] =	stream.linear.scatter @!p1 [tilespmem:s0], [sflag:$0x5], $0x40, $0x38;
	[tilespmem:$0x1EF88] =	vst v63  }
0x282: {  	s5 =	simm.s32 @!p1 $0x100;
	s3 =	simm.s32 $0x0;
	s4 =	simm.s32 $0xA11A  }
.LBB3_40:
0x283: {  	v0 =	vld.msk [tilespmem:s4+$0x0], $0x1;
	s2 =	sadd.s32 $0xFFFFFFFF, s2;
	s3 =	sadd.s32 s3, s5  }
0x284: {  	p1 =	sne.s32 s2, $0x0;
	_ =	sdelay $0x3  }
0x285: {  	(v2sf) =	vpush v0, $0x0;
	_ =	sdelay $0xe  }
.Ltmp38:
0x286: {  	s6 =	spop (v2sf);
	(pc) =	sbr.rel @p1 .LBB3_40-.Ltmp38, $4  }
0x287: {  	s5 =	simm.s32 $0x0;
	p2 =	sgt.u32 s6, $0xC34F8  }
0x288: {  	s0 =	sadd.s32 $0x40, s0;
	s5 =	simm.s32 @!p2 $0x100;
	s7 =	sand.u32 @!p2 $0xFFFF8, s6  }
0x289: {  	s4 =	sadd.s32 $0x1, s4;
	s6 =	sand.u32 @!p2 $0x7, s6;
	s7 =	sadd.s32 @!p2 s1, s7  }
0x28a: {  	[hbm4b:s7+s6] =	stream.linear.scatter @!p2 [tilespmem:s0], [sflag:$0x5], $0x40, $0x38;
	[tilespmem:$0x1EF88] =	vst v63  }
.LBB3_41:
0x28b: {  	s0 =	sadd.s32 s3, s5  }
0x28c: {  	s0 =	sshrl.u32 s0, $0x2  }
.LBB3_42:
0x28d: {  	s2 =	simm.s32 $0x5  }
0x28e: {  	_ =	swait.ge [sflag:s2], s0  }
0x28f: {  	s31 =	ssub.s32 $0x0, s0;
	[sflag:s2] =	ssyncset.done $0x0  }
0x290: {  	[sflag:s2] =	ssyncadd.s32 s31  }
0x291: {  	[sflag:s2] =	ssyncpa.u1 $0x1  }
.LBB3_43:
0x292: {  	s0 =	sor.u32 s13, s14  }
0x293: {  	p1 =	sne.s32 s0, $0x0  }
.Ltmp39:
0x294: {  	_ = 	snop;
	(pc) =	sbr.rel @p1 .LBB3_58-.Ltmp39, $3  }
0x295: {  	_ =	sdelay $0x1  }
0x296: {  	[bflag:$0x0] =	sbarrier.arrive $0xFFFF  }
0x297: {  	_ =	sfence  }
0x298: {  	s2 =	simm.s32 $0x7  }
0x299: {  	s0 =	simm.s32 $0x800;
	s3 =	simm.s32 $0xA118;
	[sflag:s2] =	ssyncpa.u1 $0x0  }
0x29a: {  	[tilespmem:s3], [sflag:$0x7] =	stream.linear.gather [spmem:s0], $0x20, $0x38;
	[tilespmem:$0x1EF88] =	vst v63  }
0x29b: {  	s30 =	simm.s32 $0xA138;
	s0 =	simm.s32 $0x0  }
0x29c: {  	[tilespmem:s30], [sflag:$0x7] =	stream.linear.gather [spmem:s0], $0x800, $0x38;
	[tilespmem:$0x1EF88] =	vst v63  }
.Ltmp40:
0x29d: {  	_ = 	snop;
	(pc) =	sbr.rel .LBB3_45-.Ltmp40, $4  }
0x29e: {  	_ =	swait.ge [sflag:s2], $0x820  }
0x29f: {  	[sflag:s2] =	ssyncset.done $0x0  }
0x2a0: {  	s31 =	simm.s32 $0x8;
	[sflag:s2] =	ssyncadd.s32 $0xFFFFF7E0  }
0x2a1: {  	s2 =	simm.s32 $0x0;
	[sflag:s31] =	ssyncpa.u1 $0x0  }
.LBB3_51:
0x2a2: {  	p1 =	slt.u32 s3, $0xC34F9  }
0x2a3: {  	s4 =	sand.u32 @p1 $0xFFFF8, s3  }
0x2a4: {  	s3 =	sand.u32 @p1 $0x7, s3;
	s5 =	simm.s32 @p1 $0xA0C8;
	s4 =	sadd.s32 @p1 s1, s4  }
0x2a5: {  	[tilespmem:s5], [sflag:$0x8] =	stream.linear.gather @p1 [hbm4b:s4+s3], $0x40, $0x38;
	[tilespmem:$0x1EF88] =	vst v63  }
0x2a6: {  	s3 =	simm.s32 @p1 $0x8  }
0x2a7: {  	_ =	swait.ge @p1 [sflag:s3], $0x40  }
0x2a8: {  	[sflag:s3] =	ssyncset.done @p1 $0x0  }
0x2a9: {  	[sflag:s3] =	ssyncadd.s32 @p1 $0xFFFFFFC0  }
0x2aa: {  	v1 =	vld @p1 [tilespmem:$0xA0C8];
	_ =	sdelay $0x2  }
0x2ab: {  	s3 =	sshll.u32 @p1 s2, $0x8  }
0x2ac: {  	s4 =	sshrl.u32 @p1 s3, $0x2  }
0x2ad: {  	[tilespmem:s4+$0xA138] =	vst.add.f32.msk @p1 $0xffff, v1  }
0x2ae: {  	v1 =	vld @p1 [tilespmem:$0xA0D8];
	_ =	sdelay $0x4  }
0x2af: {  	[tilespmem:s4+$0xA148] =	vst.add.f32.msk @p1 $0xffff, v1  }
0x2b0: {  	v1 =	vld @p1 [tilespmem:$0xA0E8];
	_ =	sdelay $0x4  }
0x2b1: {  	[tilespmem:s4+$0xA158] =	vst.add.f32.msk @p1 $0xffff, v1  }
0x2b2: {  	v1 =	vld @p1 [tilespmem:$0xA0F8];
	_ =	sdelay $0x3  }
0x2b3: {  	s5 =	sshll.u32 @!p1 s2, $0x8  }
0x2b4: {  	s5 =	smov.u32 @p1 s3;
	[tilespmem:s4+$0xA168] =	vst.add.f32.msk @p1 $0xffff, v1  }
0x2b5: {  	s3 =	sshrl.u32 s5, $0x2;
	[tilespmem:s0+$0xA118] =	vst.msk $0x1, v0  }
0x2b6: {  	v0 =	vld [tilespmem:s3+$0xA138];
	_ =	sdelay $0x2  }
0x2b7: {  	s31 =	sshll.u32 s0, $0x8  }
0x2b8: {  	s4 =	sshra.s32 s31, $0x2  }
0x2b9: {  	[tilespmem:s4+$0xA138] =	vst v0  }
0x2ba: {  	v0 =	vld [tilespmem:s3+$0xA148];
	_ =	sdelay $0x4  }
0x2bb: {  	[tilespmem:s4+$0xA148] =	vst v0  }
0x2bc: {  	v0 =	vld [tilespmem:s3+$0xA158];
	_ =	sdelay $0x4  }
0x2bd: {  	[tilespmem:s4+$0xA158] =	vst v0  }
0x2be: {  	v0 =	vld [tilespmem:s3+$0xA168];
	_ =	sdelay $0x4  }
0x2bf: {  	s0 =	sadd.s32 $0x1, s0;
	[tilespmem:s4+$0xA168] =	vst v0  }
.LBB3_52:
0x2c0: {  	s2 =	sadd.s32 $0x1, s2  }
0x2c1: {  	p1 =	sne.s32 s2, $0x20  }
.Ltmp41:
0x2c2: {  	_ = 	snop;
	(pc) =	sbr.rel @!p1 .LBB3_53-.Ltmp41, $1  }
0x2c3: {  	_ =	sdelay $0x3  }
.LBB3_45:
0x2c4: {  	v0 =	vld.msk [tilespmem:s2+$0xA118], $0x1;
	_ =	sdelay $0x4  }
0x2c5: {  	(v2sf) =	vpush v0, $0x0;
	_ =	sdelay $0xe  }
0x2c6: {  	s3 =	spop (v2sf)  }
0x2c7: {  	p1 =	seq.s32 s3, $0xFFFFFFFF  }
.Ltmp42:
0x2c8: {  	_ = 	snop;
	(pc) =	sbr.rel @p1 .LBB3_52-.Ltmp42, $1  }
0x2c9: {  	_ =	sdelay $0x3  }
0x2ca: {  	p1 =	slt.s32 s0, $0x1  }
.Ltmp43:
0x2cb: {  	_ = 	snop;
	(pc) =	sbr.rel @p1 .LBB3_51-.Ltmp43, $1  }
0x2cc: {  	_ =	sdelay $0x3  }
0x2cd: {  	s4 =	simm.s32 $0xA118;
	p1 =	por $0x0, $0x0  }
0x2ce: {  	v1 =	vld.msk @!p1 [tilespmem:s4+$0x0], $0x1;
	_ =	sdelay $0x4  }
0x2cf: {  	(v2sf) =	vpush @!p1 v1, $0x0;
	_ =	sdelay $0xd  }
0x2d0: {  	p3 =	sne.s32 s0, $0x1  }
.Ltmp44:
0x2d1: {  	s5 =	spop @!p1 (v2sf);
	(pc) =	sbr.rel @!p3 .LBB3_49-.Ltmp44, $4  }
0x2d2: {  	p2 =	seq.s32 @!p1 s3, s5  }
0x2d3: {  	s5 =	simm.s32 $0x0;
	p2 =	por !p2, p1  }
0x2d4: {  	s7 =	simm.s32 $0xFFFFFFFF;
	s5 =	simm.s32 @p2 $0xFFFFFFFF  }
0x2d5: {  	s6 =	simm.s32 $0x1;
	s5 =	smov.u32 @p1 s7  }
.LBB3_48:
0x2d6: {  	s7 =	smov.u32 s5;
	p1 =	sne.s32 s5, $0xFFFFFFFF  }
0x2d7: {  	s4 =	sadd.s32 $0x1, s4;
	s5 =	smov.u32 s6;
	s6 =	sadd.s32 $0x1, s6  }
0x2d8: {  	p2 =	sne.s32 s0, s6;
	v1 =	vld.msk @!p1 [tilespmem:s4+$0x0], $0x1;
	_ =	sdelay $0x4  }
0x2d9: {  	(v2sf) =	vpush @!p1 v1, $0x0;
	_ =	sdelay $0xe  }
.Ltmp45:
0x2da: {  	s8 =	spop @!p1 (v2sf);
	(pc) =	sbr.rel @p2 .LBB3_48-.Ltmp45, $4  }
0x2db: {  	p3 =	seq.s32 @!p1 s3, s8  }
0x2dc: {  	p3 =	por !p3, p1  }
0x2dd: {  	s5 =	simm.s32 @p3 $0xFFFFFFFF  }
0x2de: {  	s5 =	smov.u32 @p1 s7  }
.LBB3_49:
0x2df: {  	p1 =	seq.s32 s5, $0xFFFFFFFF  }
.Ltmp46:
0x2e0: {  	_ = 	snop;
	(pc) =	sbr.rel @p1 .LBB3_51-.Ltmp46, $1  }
0x2e1: {  	_ =	sdelay $0x3  }
0x2e2: {  	s3 =	sshll.u32 s2, $0x6  }
0x2e3: {  	s3 =	sand.u32 $0x3FFFFFC0, s3  }
0x2e4: {  	v0 =	vld [tilespmem:s3+$0xA138];
	_ =	sdelay $0x2  }
0x2e5: {  	s4 =	sshll.u32 s5, $0x8  }
0x2e6: {  	s4 =	sshra.s32 s4, $0x2  }
0x2e7: {  	[tilespmem:s4+$0xA138] =	vst.add.f32.msk $0xffff, v0  }
0x2e8: {  	v0 =	vld [tilespmem:s3+$0xA148];
	_ =	sdelay $0x4  }
0x2e9: {  	[tilespmem:s4+$0xA148] =	vst.add.f32.msk $0xffff, v0  }
0x2ea: {  	v0 =	vld [tilespmem:s3+$0xA158];
	_ =	sdelay $0x4  }
0x2eb: {  	[tilespmem:s4+$0xA158] =	vst.add.f32.msk $0xffff, v0  }
0x2ec: {  	v0 =	vld [tilespmem:s3+$0xA168]  }
.Ltmp47:
0x2ed: {  	_ = 	snop;
	(pc) =	sbr.rel .LBB3_52-.Ltmp47, $2  }
0x2ee: {  	_ =	sdelay $0x2  }
0x2ef: {  	[tilespmem:s4+$0xA168] =	vst.add.f32.msk $0xffff, v0  }
.LBB3_53:
0x2f0: {  	p1 =	slt.s32 s0, $0x1  }
.Ltmp48:
0x2f1: {  	_ = 	snop;
	(pc) =	sbr.rel @p1 .LBB3_57-.Ltmp48, $3  }
0x2f2: {  	_ =	sdelay $0x1  }
0x2f3: {  	s2 =	simm.s32 $0x8  }
0x2f4: {  	[sflag:s2] =	ssyncpa.u1 $0x1;
	s2 =	simm.s32 $0x0  }
0x2f5: {  	s3 =	simm.s32 $0xA118  }
0x2f6: {  	v0 =	vld.msk [tilespmem:s3+$0x0], $0x1;
	_ =	sdelay $0x4  }
0x2f7: {  	(v2sf) =	vpush v0, $0x0;
	_ =	sdelay $0xe  }
0x2f8: {  	s0 =	sadd.s32 $0xFFFFFFFF, s0;
	s4 =	spop (v2sf)  }
0x2f9: {  	p2 =	sne.s32 s0, $0x0;
	p1 =	sgt.u32 s4, $0xC34F8  }
.Ltmp49:
0x2fa: {  	s5 =	sand.u32 @!p1 $0xFFFF8, s4;
	(pc) =	sbr.rel @!p2 .LBB3_56-.Ltmp49, $4  }
0x2fb: {  	s3 =	simm.s32 $0xA138;
	s4 =	sand.u32 @!p1 $0x7, s4;
	s5 =	sadd.s32 @!p1 s1, s5  }
0x2fc: {  	[hbm4b:s5+s4] =	stream.linear.scatter @!p1 [tilespmem:s3], [sflag:$0x7], $0x40, $0x38;
	[tilespmem:$0x1EF88] =	vst v63  }
0x2fd: {  	s5 =	simm.s32 $0x0  }
0x2fe: {  	s4 =	simm.s32 $0xA119;
	s5 =	simm.s32 @!p1 $0x100  }
.LBB3_55:
0x2ff: {  	v0 =	vld.msk [tilespmem:s4+$0x0], $0x1;
	s0 =	sadd.s32 $0xFFFFFFFF, s0;
	s2 =	sadd.s32 s2, s5  }
0x300: {  	p1 =	sne.s32 s0, $0x0;
	_ =	sdelay $0x3  }
0x301: {  	(v2sf) =	vpush v0, $0x0;
	_ =	sdelay $0xe  }
.Ltmp50:
0x302: {  	s6 =	spop (v2sf);
	(pc) =	sbr.rel @p1 .LBB3_55-.Ltmp50, $4  }
0x303: {  	s5 =	simm.s32 $0x0;
	p2 =	sgt.u32 s6, $0xC34F8  }
0x304: {  	s3 =	sadd.s32 $0x40, s3;
	s5 =	simm.s32 @!p2 $0x100;
	s7 =	sand.u32 @!p2 $0xFFFF8, s6  }
0x305: {  	s4 =	sadd.s32 $0x1, s4;
	s6 =	sand.u32 @!p2 $0x7, s6;
	s7 =	sadd.s32 @!p2 s1, s7  }
0x306: {  	[hbm4b:s7+s6] =	stream.linear.scatter @!p2 [tilespmem:s3], [sflag:$0x7], $0x40, $0x38;
	[tilespmem:$0x1EF88] =	vst v63  }
.LBB3_56:
0x307: {  	s0 =	sadd.s32 s2, s5  }
0x308: {  	s2 =	sshrl.u32 s0, $0x2  }
.LBB3_57:
0x309: {  	s0 =	simm.s32 $0x7  }
0x30a: {  	_ =	swait.ge [sflag:s0], s2  }
0x30b: {  	s1 =	ssub.s32 $0x0, s2;
	[sflag:s0] =	ssyncset.done $0x0  }
0x30c: {  	[sflag:s0] =	ssyncadd.s32 s1  }
0x30d: {  	[sflag:s0] =	ssyncpa.u1 $0x1  }
.LBB3_58:
0x30e: {  	_ =	sfence;
	s0 =	simm.s32 $0x1  }
0x30f: {  	[sflag:s0] =	ssyncpa.u1 $0x1  }
0x310: {  	_ =	strace $0x9000004A  }
0x311: {  	[bflag:$0x2] =	sbarrier.arrive $0xFFFF  }
0x312: {  	s0 =	rddreg [dreg:$0x3]  }
0x313: {  	s0 =	sadd.s32 @!p0 $0x100000, s0  }
0x314: {  	[sflag:s0] =	ssyncadd.tile.s32 @!p0 $0x1;
	_ =	shalt  }
.Lfunc_end3:
_tile_overlayer_lowered:
.L_overlay_start_3:
0x315: {  	(tag) =	ssettag $0x3  }
0x316: {  	s0 =	rddreg [dreg:$0x0];
	s2 =	stileid.u32  }
0x317: {  	s1 =	rddreg [dreg:$0x1];
	p0 =	sne.s32 s2, $0x0  }
0x318: {  	s3 =	rddreg [dreg:$0x2];
	[bflag:$0x3] =	sbarrier.arrive $0xFFFF;
	s2 =	simm.s32 @!p0 $0x1C01  }
0x319: {  	[timem:s3], [sflag:s2] =	dma.local @!p0 [hbm:s0], s1  }
0x31a: {  	s0 =	simm.s32 @!p0 $0x1  }
0x31b: {  	_ =	swait.ge @!p0 [sflag:s0], s1  }
0x31c: {  	s1 =	ssub.s32 @!p0 $0x0, s1;
	[sflag:s0] =	ssyncset.done @!p0 $0x0  }
0x31d: {  	[sflag:s0] =	ssyncadd.s32 @!p0 s1  }
0x31e: {  	[bflag:$0x3] =	sbarrier.arrive $0xFFFF  }
0x31f: {  	_ =	shalt  }

// kernel: scatter_offload_async_start.2
scs
__scs_entry_jumppad:
0x0: {  	(pc) =	sbr.rel $0x88, $3  }
0x1: {  	(tag) =	ssettag $0x0;
	lr =	simm.s32 $0x1  }
0x2: {  	[smem:$0x3F95] =	sst lr;
	_ =	strace $0xD0000000  }
0x3: {  	_ = 	snop  }
0x4: {  	_ = 	snop  }
0x5: {  	_ = 	snop  }
0x6: {  	_ = 	snop  }
0x7: {  	_ = 	snop  }
__scs_overlays_trampoline_lowered:
0x8: {  	[smem:$0x3FA4] =	sst s0  }
0x9: {  	[smem:$0x3FA5] =	sst s1  }
0xa: {  	[smem:$0x3FA6] =	sst s2  }
0xb: {  	[smem:$0x3FA7] =	sst s3  }
0xc: {  	[smem:$0x3FA8] =	sst s4  }
0xd: {  	[smem:$0x3FA9] =	sst s5  }
0xe: {  	[smem:$0x3FAA] =	sst s6  }
0xf: {  	[smem:$0x3FAB] =	sst s7  }
0x10: {  	[smem:$0x3FAC] =	sst s8  }
0x11: {  	[smem:$0x3FAD] =	sst s9;
	s0 =	simm.s32 @!p0 $0x0  }
0x12: {  	s1 =	sld [smem:$0x3F93];
	s0 =	simm.s32 @p0 $0x1  }
0x13: {  	[smem:$0x3FAE] =	sst s0;
	s0 =	simm.s32 @!p1 $0x0  }
0x14: {  	s2 =	sld [smem:$0x3F92];
	s0 =	simm.s32 @p1 $0x1  }
0x15: {  	[smem:$0x3FAF] =	sst s0;
	s0 =	simm.s32 @!p2 $0x0  }
0x16: {  	s3 =	sld [smem:$0x3FDB];
	s0 =	simm.s32 @p2 $0x1  }
0x17: {  	s4 =	simm.s32 $0x1BF5;
	[smem:$0x3FB1] =	sst s0  }
0x18: {  	s0 =	sld [smem:$0x3F94];
	_ =	swait.ge [sflag:s4], $0x0  }
0x19: {  	s7 =	sld [smem:$0x3F95]  }
0x1a: {  	s8 =	sadd.s32 $0xFFFFE003, lr  }
0x1b: {  	s9 =	sadd.s32 $0xFFFFFEF7, lr;
	s5 =	simm.s32 $0xFFFFFFFF;
	p2 =	slt.u32 s8, $0xFFFFF086  }
0x1c: {  	p1 =	slt.u32 s9, $0xF7A;
	s5 =	simm.s32 @!p2 $0x0  }
0x1d: {  	s5 =	simm.s32 @p1 $0x1;
	p0 =	seq.s32 s7, s2  }
0x1e: {  	s7 =	smul.u32 @!p0 $0xF7A, s2;
	p2 =	seq.s32 @!p0 s5, $0x0  }
0x1f: {  	s9 =	smul.u32 $0xF7A, s1;
	s8 =	simm.s32 @!p0 $0x1BF5;
	p2 =	por !p2, p0  }
0x20: {  	[sflag:s8] =	ssyncset.s32 @!p0 $0xFFFFF086;
	s6 =	sadd.s32 @!p0 s3, s7;
	s7 =	simm.s32 @!p0 $0x108  }
0x21: {  	s3 =	sadd.s32 s3, s9;
	s6 =	sadd.s32 @!p0 $0x88, s6;
	s7 =	simm.s32 @p2 $0x1082  }
0x22: {  	[simem:s7], [sflag:s8] =	dma.local @!p0 [hbm:s6], $0xF7A  }
0x23: {  	s9 =	sor.u32 $0xD0000000, s2;
	s6 =	simm.s32 $0x108;
	_ =	swait.ge @!p0 [sflag:s8], $0x0  }
0x24: {  	s3 =	sadd.s32 $0x88, s3;
	s6 =	simm.s32 @!p1 $0x1082;
	[sflag:s4] =	ssyncset.s32 $0xFFFFF086  }
0x25: {  	[simem:s6], [sflag:s4] =	dma.local [hbm:s3], $0xF7A  }
0x26: {  	[smem:$0x3F95] =	sst s1;
	(tag) =	ssettag s2;
	_ =	strace s9  }
0x27: {  	s1 =	sld [smem:$0x3FA5]  }
0x28: {  	s2 =	sld [smem:$0x3FA6]  }
0x29: {  	s4 =	sld [smem:$0x3FA8]  }
0x2a: {  	p0 =	seq.s32 s5, $0x0;
	s5 =	sld [smem:$0x3FA9]  }
0x2b: {  	s6 =	sld [smem:$0x3FAA]  }
0x2c: {  	s7 =	sld [smem:$0x3FAB]  }
0x2d: {  	s3 =	simm.s32 $0x108;
	s8 =	sld [smem:$0x3FAC]  }
0x2e: {  	s3 =	simm.s32 @!p0 $0x1082;
	s9 =	sld [smem:$0x3FAD]  }
0x2f: {  	lr =	sadd.s32 s0, s3;
	s0 =	sld [smem:$0x3FA4]  }
0x30: {  	s3 =	sld [smem:$0x3FA7]  }
0x31: {  	[smem:$0x3FB0] =	sst s10  }
0x32: {  	s10 =	sld [smem:$0x3FAE];
	_ =	sdelay $0x3  }
0x33: {  	p0 =	seq.s32 s10, $0x1;
	s10 =	sld [smem:$0x3FB0];
	_ =	sdelay $0x3  }
0x34: {  	[smem:$0x3FB0] =	sst s10  }
0x35: {  	s10 =	sld [smem:$0x3FAF];
	_ =	sdelay $0x3  }
0x36: {  	p1 =	seq.s32 s10, $0x1;
	s10 =	sld [smem:$0x3FB0];
	_ =	sdelay $0x3  }
0x37: {  	[smem:$0x3FB0] =	sst s10  }
0x38: {  	s10 =	sld [smem:$0x3FB1]  }
0x39: {  	_ = 	snop;
	(pc) =	sbr.ind lr, $3  }
0x3a: {  	_ = 	snop  }
0x3b: {  	_ = 	snop  }
0x3c: {  	p2 =	seq.s32 s10, $0x1;
	s10 =	sld [smem:$0x3FB0]  }
0x3d: {  	_ =	shalt  }
0x3e: {  	_ =	shalt  }
0x3f: {  	_ =	shalt  }
0x40: {  	_ =	shalt  }
0x41: {  	_ =	shalt  }
0x42: {  	_ =	shalt  }
0x43: {  	_ =	shalt  }
0x44: {  	_ =	shalt  }
0x45: {  	_ =	shalt  }
0x46: {  	_ =	shalt  }
0x47: {  	_ =	shalt  }
0x48: {  	_ =	shalt  }
0x49: {  	_ =	shalt  }
0x4a: {  	_ =	shalt  }
0x4b: {  	_ =	shalt  }
0x4c: {  	_ =	shalt  }
0x4d: {  	_ =	shalt  }
0x4e: {  	_ =	shalt  }
0x4f: {  	_ =	shalt  }
0x50: {  	_ =	shalt  }
0x51: {  	_ =	shalt  }
0x52: {  	_ =	shalt  }
0x53: {  	_ =	shalt  }
0x54: {  	_ =	shalt  }
0x55: {  	_ =	shalt  }
0x56: {  	_ =	shalt  }
0x57: {  	_ =	shalt  }
0x58: {  	_ =	shalt  }
0x59: {  	_ =	shalt  }
0x5a: {  	_ =	shalt  }
0x5b: {  	_ =	shalt  }
0x5c: {  	_ =	shalt  }
0x5d: {  	_ =	shalt  }
0x5e: {  	_ =	shalt  }
0x5f: {  	_ =	shalt  }
0x60: {  	_ =	shalt  }
0x61: {  	_ =	shalt  }
0x62: {  	_ =	shalt  }
0x63: {  	_ =	shalt  }
0x64: {  	_ =	shalt  }
0x65: {  	_ =	shalt  }
0x66: {  	_ =	shalt  }
0x67: {  	_ =	shalt  }
0x68: {  	_ =	shalt  }
0x69: {  	_ =	shalt  }
0x6a: {  	_ =	shalt  }
0x6b: {  	_ =	shalt  }
0x6c: {  	_ =	shalt  }
0x6d: {  	_ =	shalt  }
0x6e: {  	_ =	shalt  }
0x6f: {  	_ =	shalt  }
0x70: {  	_ =	shalt  }
0x71: {  	_ =	shalt  }
0x72: {  	_ =	shalt  }
0x73: {  	_ =	shalt  }
0x74: {  	_ =	shalt  }
0x75: {  	_ =	shalt  }
0x76: {  	_ =	shalt  }
0x77: {  	_ =	shalt  }
0x78: {  	_ =	shalt  }
0x79: {  	_ =	shalt  }
0x7a: {  	_ =	shalt  }
0x7b: {  	_ =	shalt  }
0x7c: {  	_ =	shalt  }
0x7d: {  	_ =	shalt  }
0x7e: {  	_ =	shalt  }
0x7f: {  	_ =	shalt  }
0x80: {  	_ =	shalt  }
0x81: {  	_ =	shalt  }
0x82: {  	_ =	shalt  }
0x83: {  	_ =	shalt  }
0x84: {  	_ =	shalt  }
0x85: {  	_ =	shalt  }
0x86: {  	_ =	shalt  }
0x87: {  	_ =	shalt  }
.Lfunc_end0:
.L_simem_size_0:
called_computation.2_lowered:
.L_overlay_start_0:
0x88: {  	s2 =	sld [smem:$0x3FD9]  }
0x89: {  	s3 =	sld [smem:$0x3FFE];
	_ =	sdelay $0x1  }
0x8a: {  	s1 =	srdreg.scid  }
0x8b: {  	s0 =	sand.u32 $0x1, s1  }
0x8c: {  	s17 =	sshll.u32 s0, $0xA;
	s2 =	sadd.s32 s3, s2  }
0x8d: {  	s2 =	sadd.s32 s2, s17  }
0x8e: {  	[smem:$0x3FBC] =	sst s2  }
0x8f: {  	_ = 	snop  }
0x90: {  	(tm) =	ssettm $0x1  }
0x91: {  	s18 =	sld [smem:$0x3FFB];
	_ =	sdelay $0x3  }
0x92: {  	_ =	strace s18  }
0x93: {  	s2 =	sld [smem:$0x3FFC];
	_ =	sdelay $0x3  }
0x94: {  	_ =	strace s2  }
0x95: {  	s2 =	sld [smem:$0x3FFD];
	_ =	sdelay $0x3  }
0x96: {  	_ =	strace s2  }
0x97: {  	_ =	strace $0x8FFFFFFF  }
0x98: {  	s19 =	sld [smem:$0x3FDB];
	_ =	sdelay $0x1  }
0x99: {  	s20 =	simm.s32 $_scs_section_size  }
0x9a: {  	s4 =	simm.s32 $_size__tile_overlayer_lowered;
	s5 =	simm.s32 $_tile_overlayer_lowered  }
0x9b: {  	s6 =	simm.s32 $0x1BFF;
	s21 =	sshll.u32 s5, $0x1;
	s3 =	sadd.s32 s20, s19  }
0x9c: {  	s22 =	simm.s32 $0x0;
	s4 =	sshll.u32 s4, $0x1;
	s5 =	sadd.s32 s21, s3  }
0x9d: {  	[timem:s22], [sflag:s6] =	dma.local [hbm:s5], s4  }
0x9e: {  	_ =	swait.ge [sflag:s6], s4  }
0x9f: {  	s4 =	ssub.s32 $0x0, s4;
	[sflag:s6] =	ssyncset.done $0x0  }
0xa0: {  	[sflag:s6] =	ssyncadd.s32 s4;
	_ =	sdelay $0x1  }
0xa1: {  	s23 =	simm.s32 $0x1B8B  }
0xa2: {  	_ =	swait.ge [sflag:s23], $0x1  }
0xa3: {  	[sflag:s23] =	ssyncset.done $0x0  }
0xa4: {  	[sflag:s23] =	ssyncadd.s32 $0xFFFFFFFF  }
0xa5: {  	s4 =	sld [smem:$0x0]  }
0xa6: {  	s5 =	sand.u32 $0xFFFFFFFE, s1  }
0xa7: {  	p0 =	sne.s32 s1, s5  }
0xa8: {  	s5 =	sshll.u32 @p0 s5, $0xE  }
0xa9: {  	s5 =	sadd.s32 @p0 $0x11B8D, s5;
	s6 =	sshll.u32 @p0 s4, $0x11  }
0xaa: {  	s5 =	sor.u32 @p0 s6, s5  }
0xab: {  	[sflag:s5] =	ssyncadd.remote.s32 @p0 $0x1;
	_ =	sdelay $0x1  }
0xac: {  	s5 =	simm.s32 @p0 $0x1B8D  }
0xad: {  	_ =	swait.eq @p0 [sflag:s5], $0x1  }
0xae: {  	[sflag:s5] =	ssyncadd.s32 @p0 $0xFFFFFFFF  }
0xaf: {  	s6 =	sshll.u32 @!p0 s1, $0xE  }
0xb0: {  	s6 =	sor.u32 @!p0 $0x4000, s6;
	s5 =	simm.s32 @!p0 $0x1B8D  }
0xb1: {  	s7 =	sshll.u32 @!p0 s4, $0x11;
	s6 =	sadd.s32 @!p0 $0x11B8D, s6;
	_ =	swait.eq @!p0 [sflag:s5], $0x1  }
0xb2: {  	[sflag:s5] =	ssyncadd.s32 @!p0 $0xFFFFFFFF;
	s5 =	sor.u32 @!p0 s7, s6  }
0xb3: {  	s25 =	simm.s32 $0x1B8E;
	s24 =	sld [smem:$0x3FFE];
	[sflag:s5] =	ssyncadd.remote.s32 @!p0 $0x1  }
0xb4: {  	s26 =	simm.s32 $execute0_lowered;
	[smem:$0x3FD2] =	sst s25  }
0xb5: {  	s6 =	sshll.u32 s26, $0x1;
	_ =	strace $0x80000052;
	[dreg:$0x1] =	wrdreg $0xFFFFFFFF  }
0xb6: {  	s28 =	simm.s32 $_size_execute0_lowered;
	s3 =	sadd.s32 s3, s6;
	[dreg:$0x0] =	wrdreg $0x0  }
0xb7: {  	s6 =	sshll.u32 s28, $0x1;
	[dreg:$0x2] =	wrdreg s3  }
0xb8: {  	[dreg:$0x3] =	wrdreg s6  }
0xb9: {  	[dreg:$0x4] =	wrdreg $0xC0  }
0xba: {  	_ =	task [dreg:s22], $0x5FFFF  }
0xbb: {  	[dreg:$0x1] =	wrdreg $0xFFFFFFFF  }
0xbc: {  	[dreg:$0x0] =	wrdreg $0x60  }
0xbd: {  	[dreg:$0x2] =	wrdreg s24  }
0xbe: {  	[dreg:$0x3] =	wrdreg s1  }
0xbf: {  	[dreg:$0x4] =	wrdreg s4  }
0xc0: {  	[dreg:$0x5] =	wrdreg $0xA  }
0xc1: {  	_ =	task.clear_ibuf [dreg:s22], $0x6FFFF;
	_ =	strace $0x90000052  }
0xc2: {  	s29 =	simm.s32 $0xA;
	_ =	strace $0x80000054  }
0xc3: {  	_ =	swait.ge [sflag:s29], $0x1  }
0xc4: {  	[sflag:s29] =	ssyncadd.s32 $0xFFFFFFFF  }
0xc5: {  	_ =	strace $0x90000054  }
0xc6: {  	_ =	sfence  }
0xc7: {  	s30 =	sld [smem:$0x0];
	_ =	sdelay $0x2  }
0xc8: {  	s31 =	sshll.u32 s1, $0xD;
	s1 =	sshrl.u32 s1, $0x2  }
0xc9: {  	s4 =	sand.u32 $0x4000, s31;
	s1 =	sadd.s32 s1, s30  }
0xca: {  	s0 =	sor.u32 s4, s0;
	s1 =	sshll.u32 s1, $0x11  }
0xcb: {  	s0 =	sor.u32 s1, s0  }
0xcc: {  	s0 =	sadd.s32 $0x8F2B, s0  }
0xcd: {  	[sflag:s0] =	ssyncadd.remote.s32 $0x1  }
0xce: {  	_ =	sfence.sel $0xFFFF  }
0xcf: {  	[dreg:$0x0] =	wrdreg $0xFFFFFFFF;
	(pc) =	sbr.abs _section_cstart, $3  }
0xd0: {  	[dreg:$0x1] =	wrdreg $0xFFFFFFFF  }
0xd1: {  	_ =	task.clear_ibuf [dreg:s22], $0x2FFFF;
	_ =	strace $0x9FFFFFFF  }
0xd2: {  	(tm) =	ssettm $0x7FFFFFFF  }
0xd3: {  	_ =	shalt  }
tec
execute0_lowered:
.L_overlay_start_1:
0x0: {  	(tag) =	ssettag $0x1  }
0x1: {  	s2 =	rddreg [dreg:$0x0]  }
0x2: {  	s3 =	rddreg [dreg:$0x1];
	_ =	strace $0x80000053;
	s0 =	simm.s32 $0x1  }
0x3: {  	s5 =	simm.s32 $0x208;
	v0 =	vimm.s32 $0x0;
	[sflag:s0] =	ssyncpa.u1 $0x0  }
0x4: {  	[tilespmem:s5+$0x70] =	vst v0  }
0x5: {  	[tilespmem:s5+$0x60] =	vst v0  }
0x6: {  	[tilespmem:s5+$0x50] =	vst v0  }
0x7: {  	[tilespmem:s5+$0x40] =	vst v0  }
0x8: {  	s1 =	sadd.s32 $0x119600, s2;
	[tilespmem:s5+$0x30] =	vst v0  }
0x9: {  	s0 =	sadd.s32 $0x25000, s2;
	s6 =	sadd.s32 $0x33A5200, s2;
	[tilespmem:s5+$0x20] =	vst v0  }
0xa: {  	s4 =	sadd.s32 $0x3D800, s2;
	s10 =	sand.u32 $0x1, s3;
	s2 =	simm.s32 $0x40;
	[tilespmem:s5+$0x10] =	vst v0  }
.LBB2_1:
0xb: {  	s2 =	sadd.s32 $0x40, s2;
	[tilespmem:s5+$0x0] =	vst v0;
	s5 =	sadd.s32 $0x80, s5  }
0xc: {  	p0 =	slt.u32 s2, $0x3880;
	[tilespmem:s5+$0x70] =	vst v0  }
0xd: {  	[tilespmem:s5+$0x60] =	vst v0  }
.Ltmp0:
0xe: {  	[tilespmem:s5+$0x50] =	vst v0;
	(pc) =	sbr.rel @p0 .LBB2_1-.Ltmp0, $4  }
0xf: {  	[tilespmem:s5+$0x40] =	vst v0  }
0x10: {  	[tilespmem:s5+$0x30] =	vst v0  }
0x11: {  	[tilespmem:s5+$0x20] =	vst v0  }
0x12: {  	[tilespmem:s5+$0x10] =	vst v0  }
0x13: {  	s11 =	stileid.u32  }
0x14: {  	s2 =	smul.u32 $0xDF, s11  }
0x15: {  	s3 =	smin.u32 s11, $0x4  }
0x16: {  	s2 =	sadd.s32 s3, s2  }
0x17: {  	p0 =	slt.u32 s11, $0x4;
	s20 =	smul.u32 $0x70, s2;
	s2 =	simm.s32 $0x6200  }
0x18: {  	s2 =	simm.s32 @!p0 $0x6190  }
0x19: {  	s2 =	sadd.s32 s2, s20  }
0x1a: {  	s8 =	smin.u32 s2, $0x61A80  }
0x1b: {  	s26 =	simm.s32 $0x2;
	s2 =	ssub.s32 s8, s20  }
0x1c: {  	s9 =	simm.s32 $0x9;
	s29 =	simm.s32 $0xA;
	p0 =	sgt.s32 s2, $0x0  }
0x1d: {  	s30 =	simm.s32 $0xB;
	s31 =	smul.u32 $0xC350, s10;
	s2 =	simm.s32 @!p0 $0x0  }
0x1e: {  	[dreg:$0x4] =	wrdreg s10;
	s12 =	simm.s32 $0x1;
	s25 =	smulhi.u32 $0x92492493, s2  }
0x1f: {  	s24 =	simm.s32 $0x0;
	p1 =	por $0x0, $0x0;
	s18 =	simm.s32 $0x80  }
0x20: {  	s19 =	simm.s32 $0x400;
	s17 =	simm.s32 $0xC;
	s3 =	sshrl.u32 s25, $0x6  }
0x21: {  	s21 =	simm.s32 $0x0;
	s23 =	simm.s32 $0x0;
	s28 =	smul.u32 $0x70, s3  }
.Ltmp1:
0x22: {  	[tilespmem:s5+$0x0] =	vst v0;
	v0 =	vimm.s32 $0xFFFFFFFF;
	[sflag:s26] =	ssyncpa.u1 $0x0;
	s16 =	sshll.u32 s11, $0x9;
	(pc) =	sbr.rel .LBB2_3-.Ltmp1, $4  }
0x23: {  	[tilespmem:$0xE408] =	vst v0;
	[sflag:s9] =	ssyncpa.u1 $0x0;
	p0 =	sne.s32 s2, s28;
	s2 =	simm.s32 $0x1  }
0x24: {  	s14 =	sadd.s32 s31, s4;
	[sflag:s29] =	ssyncpa.u1 $0x0;
	s2 =	simm.s32 @!p0 $0x0  }
0x25: {  	s15 =	sadd.s32 s31, s0;
	[sflag:s30] =	ssyncpa.u1 $0x0;
	s13 =	sadd.s32 s2, s3  }
0x26: {  	v0 =	vlaneseq.u32;
	s22 =	smov.u32 s20;
	p0 =	por $0x1, $0x1;
	s11 =	sadd.s32 $0x1, s13  }
.LBB2_24:
0x27: {  	s2 =	sshrl.u32 s4, $0x2  }
.LBB2_26:
0x28: {  	_ =	swait.ge [sflag:s17], s2  }
0x29: {  	s31 =	ssub.s32 $0x0, s2;
	v1 =	vmov s26;
	vm0 =	veq.s32 v0, $0x0;
	[sflag:s17] =	ssyncset.done $0x0  }
0x2a: {  	vm15 =	veq.s32 v0, $0x2;
	v1 =	vsel vm0, s0, v1;
	[sflag:s17] =	ssyncadd.s32 s31  }
0x2b: {  	v1 =	vsel vm15, s24, v1;
	[sflag:s17] =	ssyncpa.u1 $0x1  }
0x2c: {  	[tilespmem:$0xE408] =	vst v1  }
.LBB2_27:
0x2d: {  	s0 =	sadd.s32 $0x70, s22  }
0x2e: {  	s2 =	smov.u32 s20;
	p2 =	slt.s32 s0, s8  }
0x2f: {  	s2 =	smov.u32 @p2 s0;
	p2 =	sne.s32 s23, s11  }
.Ltmp2:
0x30: {  	_ = 	snop;
	(pc) =	sbr.rel @!p2 .LBB2_28-.Ltmp2, $4  }
0x31: {  	_ = 	snop  }
0x32: {  	s24 =	smov.u32 s21  }
0x33: {  	s31 =	sadd.s32 $0x1, s23;
	s21 =	smov.u32 s22;
	p0 =	por !p0, !p0  }
0x34: {  	p1 =	por !p1, !p1;
	s23 =	smov.u32 s31;
	s22 =	smov.u32 s2  }
.LBB2_3:
0x35: {  	p2 =	sge.u32 s23, s13  }
0x36: {  	s0 =	smulhi.u32 @!p2 $0xAAAAAAAB, s23  }
0x37: {  	s2 =	smov.u32 s22;
	p3 =	sgt.s32 @!p2 s22, $0x61A10  }
0x38: {  	s3 =	sshra.s32 @!p2 s22, $0x1F;
	p3 =	por !p3, p2;
	s0 =	sshrl.u32 @!p2 s0, $0x1  }
0x39: {  	s3 =	sand.u32 @!p2 s3, s22;
	s2 =	simm.s32 @p3 $0x61A10;
	s0 =	smul.u32 @!p2 $0x3, s0  }
0x3a: {  	s2 =	ssub.s32 @!p2 s2, s3  }
0x3b: {  	s2 =	sadd.s32 @!p2 $0xFFF9E5F0, s2;
	s0 =	ssub.s32 @!p2 s23, s0  }
0x3c: {  	s3 =	sshll.u32 @!p2 s2, $0x2;
	p3 =	sgt.s32 @!p2 s2, $0x6F;
	s0 =	smul.u32 @!p2 $0x1C0, s0  }
0x3d: {  	s4 =	sand.u32 @!p2 $0x7, s22;
	s2 =	ssub.s32 @!p2 $0x1C0, s3;
	p3 =	por !p3, p2  }
0x3e: {  	s3 =	sshrl.u32 @!p2 s22, $0x3;
	s2 =	sshrl.u32 @!p2 s2, $0x2;
	s0 =	sshrl.u32 @!p2 s0, $0x2  }
0x3f: {  	s3 =	sadd.s32 @!p2 s3, s14;
	s2 =	simm.s32 @!p3 $0x0;
	s0 =	sadd.s32 @!p2 $0x10448, s0  }
0x40: {  	[tilespmem:s0], [sflag:$0xA] =	stream.linear.gather @!p2 [hbm4b:s3+s4], s2, $0x38;
	[tilespmem:$0x1E678] =	vst v63  }
0x41: {  	s2 =	sadd.s32 $0xFFFFFFFF, s23  }
0x42: {  	p2 =	sge.u32 s2, s13  }
0x43: {  	p3 =	sgt.s32 @!p2 s21, $0x61A10  }
0x44: {  	s0 =	smov.u32 s21;
	s3 =	sshra.s32 @!p2 s21, $0x1F;
	p3 =	por !p3, p2  }
0x45: {  	s3 =	sand.u32 @!p2 s3, s21;
	s0 =	simm.s32 @p3 $0x61A10  }
0x46: {  	s0 =	ssub.s32 @!p2 s0, s3  }
0x47: {  	s0 =	sadd.s32 @!p2 $0xFFF9E5F0, s0  }
0x48: {  	s3 =	sshll.u32 @!p2 s0, $0x2  }
0x49: {  	p3 =	sgt.s32 @!p2 s0, $0x6F;
	s0 =	ssub.s32 @!p2 $0x1C0, s3  }
0x4a: {  	p3 =	por !p3, p2;
	s0 =	sshrl.u32 @!p2 s0, $0x2  }
0x4b: {  	s4 =	simm.s32 @!p2 $0xA;
	s3 =	sand.u32 @!p2 $0x1, s2;
	s0 =	simm.s32 @!p3 $0x0  }
0x4c: {  	s3 =	smul.u32 @!p2 $0x1C0, s3;
	_ =	swait.ge @!p2 [sflag:s4], s0  }
0x4d: {  	s5 =	ssub.s32 @!p2 $0x0, s0;
	[sflag:s4] =	ssyncset.done @!p2 $0x0  }
0x4e: {  	s3 =	sshrl.u32 @!p2 s3, $0x2;
	[sflag:s4] =	ssyncadd.s32 @!p2 s5;
	s4 =	sshrl.u32 @!p2 s21, $0x3  }
0x4f: {  	s3 =	sadd.s32 @!p2 $0x10598, s3;
	s5 =	sand.u32 @!p2 $0x7, s21;
	s4 =	sadd.s32 @!p2 s4, s15  }
0x50: {  	[tilespmem:s3], [sflag:$0xB] =	stream.linear.gather @!p2 [hbm4b:s4+s5], s0, $0x38;
	[tilespmem:$0x1E678] =	vst v63  }
0x51: {  	s0 =	ssub.s32 @!p2 $0x61A80, s21  }
0x52: {  	p3 =	slt.s32 @!p2 s0, $0x1  }
0x53: {  	p3 =	por p2, p3  }
.Ltmp3:
0x54: {  	_ = 	snop;
	(pc) =	sbr.rel @p3 .LBB2_9-.Ltmp3, $1  }
0x55: {  	_ =	sdelay $0x3  }
0x56: {  	s3 =	smulhi.u32 $0xAAAAAAAB, s2;
	_ =	sdelay $0x1  }
0x57: {  	s3 =	sshrl.u32 s3, $0x1  }
0x58: {  	s3 =	smul.u32 $0x3, s3;
	_ =	sdelay $0x1  }
0x59: {  	s30 =	ssub.s32 s2, s3  }
0x5a: {  	s4 =	simm.s32 $0x1;
	s2 =	smul.u32 $0x1C0, s30  }
.Ltmp4:
0x5b: {  	s4 =	simm.s32 @!p0 $0x0;
	(pc) =	sbr.rel .LBB2_6-.Ltmp4, $4  }
0x5c: {  	s31 =	smul.u32 $0x1C000, s4  }
0x5d: {  	p3 =	slt.s32 @!p2 s0, $0x70;
	s2 =	sshrl.u32 s2, $0x2  }
0x5e: {  	p2 =	por !p3, p2;
	s3 =	sshrl.u32 s31, $0x2;
	s5 =	sadd.s32 $0x10448, s2  }
0x5f: {  	s0 =	simm.s32 @p2 $0x70;
	s4 =	sor.u32 $0x10678, s3;
	s2 =	simm.s32 $0x0;
	v1 =	vmov s5  }
.LBB2_5:
0x60: {  	p2 =	sge.s32 s2, s0  }
.Ltmp5:
0x61: {  	_ = 	snop;
	(pc) =	sbr.rel @p2 .LBB2_9-.Ltmp5, $2  }
0x62: {  	_ =	sdelay $0x2  }
0x63: {  	s4 =	sadd.s32 $0x1000, s4  }
.LBB2_6:
0x64: {  	p2 =	sle.s32 s0, s2  }
.Ltmp6:
0x65: {  	_ = 	snop;
	(pc) =	sbr.rel @p2 .LBB2_5-.Ltmp6, $2  }
0x66: {  	_ =	sdelay $0x2  }
0x67: {  	s5 =	smov.u32 s2;
	s2 =	sadd.s32 $0x10, s2  }
0x68: {  	s3 =	ssub.s32 s0, s5  }
0x69: {  	p2 =	slt.s32 s3, $0x10  }
0x6a: {  	s3 =	simm.s32 @!p2 $0x10  }
0x6b: {  	v2 =	vmov s3  }
0x6c: {  	vm0 =	vgt.s32 v2, v0;
	_ =	sdelay $0x5  }
0x6d: {  	v2 =	vld.idx.msk [tilespmem:v1+s5+$0x0 ss:$0x1], vm0;
	_ =	sdelay $0x2  }
0x6e: {  	p2 =	slt.s32 s2, s0;
	s3 =	smov.u32 s0  }
0x6f: {  	s9 =	smov.u32 s4;
	s25 =	simm.s32 $0x0;
	s3 =	smov.u32 @p2 s2  }
.LBB2_8:
0x70: {  	(v2sf) =	vpush v2, s25;
	_ =	sdelay $0xe  }
0x71: {  	s25 =	sadd.s32 $0x1, s25;
	s10 =	spop (v2sf)  }
0x72: {  	s31 =	sadd.s32 s25, s5;
	s26 =	sshll.u32 s10, $0x8;
	s10 =	sshll.u32 s10, $0x7  }
0x73: {  	p2 =	slt.s32 s31, s3;
	s26 =	sand.u32 $0xFFFFF800, s26;
	s10 =	sand.u32 $0x380, s10  }
.Ltmp7:
0x74: {  	s10 =	sor.u32 s10, s26;
	(pc) =	sbr.rel @p2 .LBB2_8-.Ltmp7, $4  }
0x75: {  	s10 =	sshrl.u32 s10, $0x3  }
0x76: {  	s10 =	sadd.s32 s6, s10  }
0x77: {  	[tilespmem:s9], [sflag:$0x9] =	stream.strided.gather [hbm4b:s10+s18], $0x100, s19, s18, $0x38;
	[tilespmem:$0x1E678] =	vst v63  }
0x78: {  	s9 =	sadd.s32 $0x100, s9  }
.Ltmp8:
0x79: {  	_ = 	snop;
	(pc) =	sbr.rel .LBB2_5-.Ltmp8, $1  }
0x7a: {  	_ =	sdelay $0x3  }
.LBB2_9:
0x7b: {  	p2 =	slt.u32 s23, $0x2  }
.Ltmp9:
0x7c: {  	_ = 	snop;
	(pc) =	sbr.rel @p2 .LBB2_27-.Ltmp9, $1  }
0x7d: {  	_ =	sdelay $0x3  }
0x7e: {  	p2 =	sgt.s32 s24, $0x61A10  }
0x7f: {  	s0 =	smov.u32 s24;
	s2 =	sshra.s32 s24, $0x1F;
	s3 =	ssub.s32 $0x61A80, s24  }
0x80: {  	s0 =	simm.s32 @!p2 $0x61A10;
	s2 =	sand.u32 s2, s24;
	p2 =	slt.s32 s3, $0x70  }
0x81: {  	s0 =	ssub.s32 s0, s2;
	s3 =	simm.s32 @!p2 $0x70  }
0x82: {  	s0 =	sadd.s32 $0xFFF9E5F0, s0;
	s9 =	sshll.u32 s3, $0x8  }
0x83: {  	s26 =	simm.s32 $0x9;
	s10 =	sshll.u32 s0, $0x2;
	s2 =	sand.u32 $0x3FFFFF00, s9  }
0x84: {  	p2 =	sgt.s32 s0, $0x6F;
	s25 =	ssub.s32 $0x1C0, s10;
	_ =	swait.ge [sflag:s26], s2  }
0x85: {  	s2 =	ssub.s32 $0x0, s2;
	[sflag:s26] =	ssyncset.done $0x0;
	s0 =	sshrl.u32 s25, $0x2  }
0x86: {  	s29 =	simm.s32 $0xB;
	[sflag:s26] =	ssyncadd.s32 s2;
	s0 =	simm.s32 @p2 $0x0  }
0x87: {  	_ =	swait.ge [sflag:s29], s0  }
0x88: {  	s0 =	ssub.s32 $0x0, s0;
	[sflag:s29] =	ssyncset.done $0x0  }
0x89: {  	[sflag:s29] =	ssyncadd.s32 s0  }
0x8a: {  	v1 =	vld [tilespmem:$0xE408];
	_ =	sdelay $0x4  }
0x8b: {  	(v2sf) =	vpush v1, $0x0  }
0x8c: {  	(v2sf) =	vpush v1, $0x1  }
0x8d: {  	(v2sf) =	vpush v1, $0x2;
	_ =	sdelay $0x3  }
0x8e: {  	s0 =	sadd.s32 $0x70, s24  }
0x8f: {  	s2 =	ssub.s32 $0xC3500, s24;
	p2 =	slt.s32 s8, s0  }
0x90: {  	s0 =	smov.u32 @p2 s8;
	p2 =	sgt.s32 s2, $0x0  }
0x91: {  	s0 =	ssub.s32 s0, s24;
	s2 =	simm.s32 @!p2 $0x0  }
0x92: {  	p2 =	slt.s32 s2, s0  }
0x93: {  	s0 =	smov.u32 @p2 s2  }
0x94: {  	s4 =	simm.s32 $0x1;
	p2 =	slt.s32 s0, $0x1  }
.Ltmp10:
0x95: {  	s4 =	simm.s32 @!p1 $0x0;
	(pc) =	sbr.rel @p2 .LBB2_14-.Ltmp10, $4  }
0x96: {  	s30 =	smul.u32 $0x1C0, s4  }
0x97: {  	s5 =	spop (v2sf)  }
0x98: {  	s31 =	sshrl.u32 s30, $0x2;
	s28 =	spop (v2sf)  }
0x99: {  	s25 =	sadd.s32 $0x10598, s31;
	s24 =	spop (v2sf)  }
0x9a: {  	s2 =	smin.u32 s0, $0x10  }
0x9b: {  	v1 =	vmov s2  }
0x9c: {  	vm1 =	vgt.u32 v1, v0  }
0x9d: {  	p3 =	sgt.s32 s0, $0x10  }
.Ltmp11:
0x9e: {  	_ = 	snop;
	(pc) =	sbr.rel @!p3 .LBB2_13-.Ltmp11, $2  }
0x9f: {  	_ =	sdelay $0x2  }
0xa0: {  	s26 =	simm.s32 $0x10;
	s29 =	sadd.s32 $0xFFFFFFF0, s0;
	s2 =	smov.u32 s25;
	vm0 =	vmmov vm1;
	v1 =	vld.msk [tilespmem:s25+$0x0 ss:$0x1], vm1  }
.LBB2_12:
0xa1: {  	s3 =	smin.u32 s29, $0x10;
	s26 =	sadd.s32 $0x10, s26  }
0xa2: {  	v2 =	vmov s3;
	p3 =	slt.s32 s26, s0  }
0xa3: {  	vm1 =	vgt.u32 v2, v0;
	_ =	sdelay $0x1  }
0xa4: {  	v2 =	vshll.u32 v1, $0x5;
	v1 =	vshll.u32 v1, $0x4  }
.Ltmp12:
0xa5: {  	v2 =	vand.u32 $0xFFFFFF00, v2;
	v1 =	vand.u32 $0x70, v1;
	(pc) =	sbr.rel @p3 .LBB2_12-.Ltmp12, $4  }
0xa6: {  	v1 =	vor.u32 v1, v2  }
0xa7: {  	[tilespmem:s2+$0x0] =	vst.msk vm0, v1;
	s2 =	sadd.s32 $0x10, s2;
	vm0 =	vmmov vm1  }
0xa8: {  	v1 =	vld.msk [tilespmem:s2+$0x0 ss:$0x1], vm1  }
0xa9: {  	s29 =	sadd.s32 $0xFFFFFFF0, s29  }
.LBB2_13:
0xaa: {  	_ =	sdelay $0x3  }
0xab: {  	v2 =	vshll.u32 v1, $0x5;
	v1 =	vshll.u32 v1, $0x4  }
0xac: {  	v2 =	vand.u32 $0xFFFFFF00, v2;
	v1 =	vand.u32 $0x70, v1  }
0xad: {  	v1 =	vor.u32 v1, v2  }
0xae: {  	[tilespmem:s2+$0x0] =	vst.msk vm0, v1  }
.LBB2_14:
0xaf: {  	s2 =	sand.u32 $0x1, s23  }
0xb0: {  	s2 =	smul.u32 $0x70, s2  }
0xb1: {  	p3 =	sne.s32 s28, $0xFFFFFFFF  }
0xb2: {  	v1 =	vld.msk @!p3 [tilespmem:s2+$0x10598], $0x1;
	_ =	sdelay $0x4  }
0xb3: {  	(v2sf) =	vpush @!p3 v1, $0x0;
	_ =	sdelay $0xc  }
.Ltmp13:
0xb4: {  	_ = 	snop;
	(pc) =	sbr.rel @p2 .LBB2_25-.Ltmp13, $4  }
0xb5: {  	_ = 	snop  }
0xb6: {  	s31 =	spop @!p3 (v2sf)  }
0xb7: {  	s24 =	simm.s32 @!p3 $0x0;
	s26 =	smov.u32 s31  }
0xb8: {  	[sflag:s17] =	ssyncpa.u1 $0x0;
	s31 =	smov.u32 @p3 s5;
	s26 =	smov.u32 @p3 s28  }
0xb9: {  	v1 =	vld.msk [tilespmem:s25+$0x0], $0x1;
	_ =	sdelay $0x4  }
0xba: {  	(v2sf) =	vpush v1, $0x0;
	_ =	sdelay $0xe  }
0xbb: {  	s7 =	smov.u32 s11;
	s5 =	spop (v2sf)  }
0xbc: {  	s17 =	smov.u32 s15;
	s2 =	smul.u32 $0x1C000, s4;
	p2 =	seq.s32 s31, s5  }
0xbd: {  	s3 =	smov.u32 s31;
	s29 =	ssub.s32 $0x0, s0;
	p3 =	sgt.s32 @!p2 s31, $0x0  }
0xbe: {  	s30 =	simm.s32 $0x0;
	s2 =	sshrl.u32 s2, $0x2;
	p3 =	por !p3, p2  }
0xbf: {  	s0 =	sadd.s32 $0x1, s29;
	s28 =	sor.u32 $0x106F8, s2;
	s3 =	simm.s32 @p3 $0x0  }
0xc0: {  	s2 =	simm.s32 @!p2 $0x1;
	p3 =	seq.s32 s0, $0x0;
	s3 =	smin.u32 @!p2 s3, $0x186970  }
.Ltmp14:
0xc1: {  	s4 =	simm.s32 @!p2 $0x7308;
	s9 =	sand.u32 @!p2 $0x1FFFF8, s3;
	(pc) =	sbr.rel @p3 .LBB2_17-.Ltmp14, $4  }
0xc2: {  	s10 =	sadd.s32 @!p2 $0x80, s3;
	s11 =	sadd.s32 @!p2 s1, s9;
	s9 =	sand.u32 @!p2 $0x7, s3  }
0xc3: {  	[tilespmem:s4], [sflag:$0x2] =	stream.linear.gather @!p2 [hbm4b:s11+s9], $0x80, $0x38;
	[tilespmem:$0x1E678] =	vst v63  }
0xc4: {  	s15 =	smov.u32 s14;
	s2 =	smov.u32 @p2 s30;
	s4 =	sand.u32 @!p2 $0x3FFFF8, s10  }
0xc5: {  	s3 =	simm.s32 @!p2 $0x7388;
	s10 =	sadd.s32 @!p2 s1, s4;
	s4 =	sadd.s32 $0x1, s25  }
.LBB2_16:
0xc6: {  	s11 =	smov.u32 s2  }
0xc7: {  	[tilespmem:s3], [sflag:$0x2] =	stream.linear.gather @!p2 [hbm4b:s10+s9], $0x80, $0x38;
	[tilespmem:$0x1E678] =	vst v63  }
0xc8: {  	s0 =	sadd.s32 $0x1, s0;
	s9 =	smov.u32 s5;
	v1 =	vld.msk [tilespmem:s4+$0x0], $0x1  }
0xc9: {  	p3 =	seq.s32 s0, $0x0;
	_ =	sdelay $0x3  }
0xca: {  	(v2sf) =	vpush v1, $0x0;
	_ =	sdelay $0xe  }
0xcb: {  	s5 =	spop (v2sf)  }
0xcc: {  	p2 =	seq.s32 s9, s5  }
0xcd: {  	p4 =	sgt.s32 @!p2 s9, $0x0;
	s3 =	sshll.u32 @!p2 s2, $0xA;
	s2 =	sadd.s32 @!p2 $0x1, s2  }
0xce: {  	p4 =	por !p4, p2;
	s3 =	sshra.s32 @!p2 s3, $0x2;
	s2 =	smov.u32 @p2 s11  }
0xcf: {  	s9 =	simm.s32 @p4 $0x0;
	s10 =	sadd.s32 @!p2 $0x7308, s3;
	s3 =	sadd.s32 @!p2 $0x7388, s3  }
.Ltmp15:
0xd0: {  	s9 =	smin.u32 @!p2 s9, $0x186970;
	(pc) =	sbr.rel @!p3 .LBB2_16-.Ltmp15, $4  }
0xd1: {  	s11 =	sand.u32 @!p2 $0x1FFFF8, s9;
	s14 =	sadd.s32 @!p2 $0x80, s9  }
0xd2: {  	s9 =	sand.u32 @!p2 $0x7, s9;
	s11 =	sadd.s32 @!p2 s1, s11;
	s14 =	sand.u32 @!p2 $0x3FFFF8, s14  }
0xd3: {  	[tilespmem:s10], [sflag:$0x2] =	stream.linear.gather @!p2 [hbm4b:s11+s9], $0x80, $0x38;
	[tilespmem:$0x1E678] =	vst v63  }
0xd4: {  	s4 =	sadd.s32 $0x1, s4;
	s10 =	sadd.s32 @!p2 s1, s14  }
.LBB2_17:
0xd5: {  	[tilespmem:s3], [sflag:$0x2] =	stream.linear.gather @!p2 [hbm4b:s10+s9], $0x80, $0x38;
	[tilespmem:$0x1E678] =	vst v63  }
0xd6: {  	s0 =	sshll.u32 s2, $0x8  }
.Ltmp16:
0xd7: {  	s14 =	simm.s32 $0x2;
	s0 =	sand.u32 $0x3FFFFF00, s0;
	(pc) =	sbr.rel .LBB2_18-.Ltmp16, $4  }
0xd8: {  	_ =	swait.ge [sflag:s14], s0  }
0xd9: {  	s0 =	ssub.s32 $0x0, s0;
	[sflag:s14] =	ssyncset.done $0x0  }
0xda: {  	s4 =	simm.s32 $0x0;
	s11 =	smov.u32 s7;
	[sflag:s14] =	ssyncadd.s32 s0  }
0xdb: {  	s14 =	smov.u32 s15;
	s15 =	smov.u32 s17;
	s17 =	simm.s32 $0xC  }
.LBB2_19:
0xdc: {  	v1 =	vld [tilespmem:s28+$0xFFFFFF80];
	_ =	sdelay $0x4  }
0xdd: {  	[tilespmem:s5+$0x208] =	vst.add.f32.msk $0xffff, v1  }
0xde: {  	v1 =	vld [tilespmem:s28+$0xFFFFFF90];
	_ =	sdelay $0x4  }
0xdf: {  	[tilespmem:s5+$0x218] =	vst.add.f32.msk $0xffff, v1  }
0xe0: {  	v1 =	vld [tilespmem:s28+$0xFFFFFFA0];
	_ =	sdelay $0x4  }
0xe1: {  	[tilespmem:s5+$0x228] =	vst.add.f32.msk $0xffff, v1  }
0xe2: {  	v1 =	vld [tilespmem:s28+$0xFFFFFFB0];
	_ =	sdelay $0x4  }
0xe3: {  	[tilespmem:s5+$0x238] =	vst.add.f32.msk $0xffff, v1  }
0xe4: {  	v1 =	vld [tilespmem:s28+$0xFFFFFFC0];
	_ =	sdelay $0x4  }
0xe5: {  	[tilespmem:s5+$0x248] =	vst.add.f32.msk $0xffff, v1  }
0xe6: {  	v1 =	vld [tilespmem:s28+$0xFFFFFFD0];
	_ =	sdelay $0x4  }
0xe7: {  	[tilespmem:s5+$0x258] =	vst.add.f32.msk $0xffff, v1  }
0xe8: {  	v1 =	vld [tilespmem:s28+$0xFFFFFFE0];
	_ =	sdelay $0x4  }
0xe9: {  	[tilespmem:s5+$0x268] =	vst.add.f32.msk $0xffff, v1  }
0xea: {  	v1 =	vld [tilespmem:s28+$0xFFFFFFF0];
	_ =	sdelay $0x4  }
0xeb: {  	[tilespmem:s5+$0x278] =	vst.add.f32.msk $0xffff, v1  }
0xec: {  	v1 =	vld [tilespmem:s28+$0x0];
	_ =	sdelay $0x4  }
0xed: {  	[tilespmem:s5+$0x288] =	vst.add.f32.msk $0xffff, v1  }
0xee: {  	v1 =	vld [tilespmem:s28+$0x10];
	_ =	sdelay $0x4  }
0xef: {  	[tilespmem:s5+$0x298] =	vst.add.f32.msk $0xffff, v1  }
0xf0: {  	v1 =	vld [tilespmem:s28+$0x20];
	_ =	sdelay $0x4  }
0xf1: {  	[tilespmem:s5+$0x2A8] =	vst.add.f32.msk $0xffff, v1  }
0xf2: {  	v1 =	vld [tilespmem:s28+$0x30];
	_ =	sdelay $0x4  }
0xf3: {  	[tilespmem:s5+$0x2B8] =	vst.add.f32.msk $0xffff, v1  }
0xf4: {  	v1 =	vld [tilespmem:s28+$0x40];
	_ =	sdelay $0x4  }
0xf5: {  	[tilespmem:s5+$0x2C8] =	vst.add.f32.msk $0xffff, v1  }
0xf6: {  	v1 =	vld [tilespmem:s28+$0x50];
	_ =	sdelay $0x4  }
0xf7: {  	[tilespmem:s5+$0x2D8] =	vst.add.f32.msk $0xffff, v1  }
0xf8: {  	v1 =	vld [tilespmem:s28+$0x60];
	_ =	sdelay $0x4  }
0xf9: {  	[tilespmem:s5+$0x2E8] =	vst.add.f32.msk $0xffff, v1  }
0xfa: {  	v1 =	vld [tilespmem:s28+$0x70];
	_ =	sdelay $0x4  }
0xfb: {  	[tilespmem:s5+$0x2F8] =	vst.add.f32.msk $0xffff, v1  }
.LBB2_23:
0xfc: {  	s29 =	sadd.s32 $0x1, s29  }
0xfd: {  	p2 =	seq.s32 s29, $0x0  }
.Ltmp17:
0xfe: {  	_ = 	snop;
	(pc) =	sbr.rel @p2 .LBB2_24-.Ltmp17, $2  }
0xff: {  	_ =	sdelay $0x2  }
0x100: {  	s25 =	sadd.s32 $0x1, s25;
	s28 =	sadd.s32 $0x100, s28;
	s31 =	smov.u32 s0  }
.LBB2_18:
0x101: {  	v1 =	vld.msk [tilespmem:s25+$0x0], $0x1;
	_ =	sdelay $0x4  }
0x102: {  	(v2sf) =	vpush v1, $0x0;
	_ =	sdelay $0xe  }
0x103: {  	s0 =	spop (v2sf)  }
0x104: {  	p2 =	sne.s32 s31, s0  }
.Ltmp18:
0x105: {  	_ = 	snop;
	(pc) =	sbr.rel @!p2 .LBB2_19-.Ltmp18, $3  }
0x106: {  	_ =	sdelay $0x1  }
0x107: {  	s2 =	sshll.u32 s24, $0xA  }
0x108: {  	s5 =	sshra.s32 s2, $0x2  }
0x109: {  	p2 =	seq.s32 s31, s26  }
.Ltmp19:
0x10a: {  	_ = 	snop;
	(pc) =	sbr.rel @!p2 .LBB2_21-.Ltmp19, $1  }
0x10b: {  	_ =	sdelay $0x3  }
.Ltmp20:
0x10c: {  	s2 =	sadd.s32 $0x208, s5;
	(pc) =	sbr.rel .LBB2_22-.Ltmp20, $4  }
0x10d: {  	[spmem:s16] =	stream.linear.scatter [tilespmem:s2], [sflag:$0x1], $0x100, $0x38;
	[tilespmem:$0x1E678] =	vst v63  }
0x10e: {  	_ =	swait.ge [sflag:s12], $0x100  }
0x10f: {  	[sflag:s12] =	ssyncset.done $0x0  }
0x110: {  	[sflag:s12] =	ssyncadd.s32 $0xFFFFFF00  }
.LBB2_21:
0x111: {  	s2 =	sshll.u32 s30, $0xA  }
0x112: {  	s2 =	sshra.s32 s2, $0x2  }
0x113: {  	v1 =	vld [tilespmem:s2+$0x7308];
	_ =	sdelay $0x4  }
0x114: {  	[tilespmem:s5+$0x208] =	vst.add.f32.msk $0xffff, v1  }
0x115: {  	v1 =	vld [tilespmem:s2+$0x7318];
	_ =	sdelay $0x4  }
0x116: {  	[tilespmem:s5+$0x218] =	vst.add.f32.msk $0xffff, v1  }
0x117: {  	v1 =	vld [tilespmem:s2+$0x7328];
	_ =	sdelay $0x4  }
0x118: {  	[tilespmem:s5+$0x228] =	vst.add.f32.msk $0xffff, v1  }
0x119: {  	v1 =	vld [tilespmem:s2+$0x7338];
	_ =	sdelay $0x4  }
0x11a: {  	[tilespmem:s5+$0x238] =	vst.add.f32.msk $0xffff, v1  }
0x11b: {  	v1 =	vld [tilespmem:s2+$0x7348];
	_ =	sdelay $0x4  }
0x11c: {  	[tilespmem:s5+$0x248] =	vst.add.f32.msk $0xffff, v1  }
0x11d: {  	v1 =	vld [tilespmem:s2+$0x7358];
	_ =	sdelay $0x4  }
0x11e: {  	[tilespmem:s5+$0x258] =	vst.add.f32.msk $0xffff, v1  }
0x11f: {  	v1 =	vld [tilespmem:s2+$0x7368];
	_ =	sdelay $0x4  }
0x120: {  	[tilespmem:s5+$0x268] =	vst.add.f32.msk $0xffff, v1  }
0x121: {  	v1 =	vld [tilespmem:s2+$0x7378];
	_ =	sdelay $0x4  }
0x122: {  	[tilespmem:s5+$0x278] =	vst.add.f32.msk $0xffff, v1  }
0x123: {  	v1 =	vld [tilespmem:s2+$0x7388];
	_ =	sdelay $0x4  }
0x124: {  	[tilespmem:s5+$0x288] =	vst.add.f32.msk $0xffff, v1  }
0x125: {  	v1 =	vld [tilespmem:s2+$0x7398];
	_ =	sdelay $0x4  }
0x126: {  	[tilespmem:s5+$0x298] =	vst.add.f32.msk $0xffff, v1  }
0x127: {  	v1 =	vld [tilespmem:s2+$0x73A8];
	_ =	sdelay $0x4  }
0x128: {  	[tilespmem:s5+$0x2A8] =	vst.add.f32.msk $0xffff, v1  }
0x129: {  	v1 =	vld [tilespmem:s2+$0x73B8];
	_ =	sdelay $0x4  }
0x12a: {  	[tilespmem:s5+$0x2B8] =	vst.add.f32.msk $0xffff, v1  }
0x12b: {  	v1 =	vld [tilespmem:s2+$0x73C8];
	_ =	sdelay $0x4  }
0x12c: {  	[tilespmem:s5+$0x2C8] =	vst.add.f32.msk $0xffff, v1  }
0x12d: {  	v1 =	vld [tilespmem:s2+$0x73D8];
	_ =	sdelay $0x4  }
0x12e: {  	[tilespmem:s5+$0x2D8] =	vst.add.f32.msk $0xffff, v1  }
0x12f: {  	v1 =	vld [tilespmem:s2+$0x73E8];
	_ =	sdelay $0x4  }
0x130: {  	[tilespmem:s5+$0x2E8] =	vst.add.f32.msk $0xffff, v1  }
0x131: {  	v1 =	vld [tilespmem:s2+$0x73F8];
	_ =	sdelay $0x2  }
0x132: {  	p2 =	sgt.u32 s31, $0x186970  }
0x133: {  	s2 =	sand.u32 @!p2 $0x1FFFF8, s31  }
0x134: {  	s3 =	sadd.s32 $0x208, s5;
	s9 =	sand.u32 @!p2 $0x7, s31;
	s2 =	sadd.s32 @!p2 s1, s2;
	[tilespmem:s5+$0x2F8] =	vst.add.f32.msk $0xffff, v1  }
0x135: {  	[hbm4b:s2+s9] =	stream.linear.scatter @!p2 [tilespmem:s3], [sflag:$0xC], $0x80, $0x38;
	[tilespmem:$0x1E678] =	vst v63  }
0x136: {  	s2 =	sadd.s32 @!p2 $0x80, s31  }
0x137: {  	s2 =	sand.u32 @!p2 $0x3FFFF8, s2  }
0x138: {  	s3 =	sadd.s32 $0x288, s5;
	s2 =	sadd.s32 @!p2 s1, s2  }
0x139: {  	[hbm4b:s2+s9] =	stream.linear.scatter @!p2 [tilespmem:s3], [sflag:$0xC], $0x80, $0x38;
	[tilespmem:$0x1E678] =	vst v63  }
0x13a: {  	s2 =	simm.s32 $0x0  }
0x13b: {  	s2 =	simm.s32 @!p2 $0x400  }
0x13c: {  	s4 =	sadd.s32 s2, s4  }
.LBB2_22:
0x13d: {  	s2 =	sadd.s32 $0x1, s24  }
0x13e: {  	s3 =	sshrl.u32 s2, $0x4  }
0x13f: {  	s3 =	smulhi.u32 $0x24924925, s3  }
0x140: {  	v1 =	vld [tilespmem:s28+$0xFFFFFF80]  }
0x141: {  	s3 =	smul.u32 $0x70, s3;
	_ =	sdelay $0x1  }
0x142: {  	s24 =	ssub.s32 s2, s3  }
0x143: {  	s2 =	sshll.u32 s24, $0x8  }
0x144: {  	[tilespmem:s2+$0x208] =	vst v1  }
0x145: {  	v1 =	vld [tilespmem:s28+$0xFFFFFF90];
	_ =	sdelay $0x4  }
0x146: {  	[tilespmem:s2+$0x218] =	vst v1  }
0x147: {  	v1 =	vld [tilespmem:s28+$0xFFFFFFA0];
	_ =	sdelay $0x4  }
0x148: {  	[tilespmem:s2+$0x228] =	vst v1  }
0x149: {  	v1 =	vld [tilespmem:s28+$0xFFFFFFB0];
	_ =	sdelay $0x4  }
0x14a: {  	[tilespmem:s2+$0x238] =	vst v1  }
0x14b: {  	v1 =	vld [tilespmem:s28+$0xFFFFFFC0];
	_ =	sdelay $0x4  }
0x14c: {  	[tilespmem:s2+$0x248] =	vst v1  }
0x14d: {  	v1 =	vld [tilespmem:s28+$0xFFFFFFD0];
	_ =	sdelay $0x4  }
0x14e: {  	[tilespmem:s2+$0x258] =	vst v1  }
0x14f: {  	v1 =	vld [tilespmem:s28+$0xFFFFFFE0];
	_ =	sdelay $0x4  }
0x150: {  	[tilespmem:s2+$0x268] =	vst v1  }
0x151: {  	v1 =	vld [tilespmem:s28+$0xFFFFFFF0];
	_ =	sdelay $0x4  }
0x152: {  	[tilespmem:s2+$0x278] =	vst v1  }
0x153: {  	v1 =	vld [tilespmem:s28+$0x0];
	_ =	sdelay $0x4  }
0x154: {  	[tilespmem:s2+$0x288] =	vst v1  }
0x155: {  	v1 =	vld [tilespmem:s28+$0x10];
	_ =	sdelay $0x4  }
0x156: {  	[tilespmem:s2+$0x298] =	vst v1  }
0x157: {  	v1 =	vld [tilespmem:s28+$0x20];
	_ =	sdelay $0x4  }
0x158: {  	[tilespmem:s2+$0x2A8] =	vst v1  }
0x159: {  	v1 =	vld [tilespmem:s28+$0x30];
	_ =	sdelay $0x4  }
0x15a: {  	[tilespmem:s2+$0x2B8] =	vst v1  }
0x15b: {  	v1 =	vld [tilespmem:s28+$0x40];
	_ =	sdelay $0x4  }
0x15c: {  	[tilespmem:s2+$0x2C8] =	vst v1  }
0x15d: {  	v1 =	vld [tilespmem:s28+$0x50];
	_ =	sdelay $0x4  }
0x15e: {  	[tilespmem:s2+$0x2D8] =	vst v1  }
0x15f: {  	v1 =	vld [tilespmem:s28+$0x60];
	_ =	sdelay $0x4  }
0x160: {  	[tilespmem:s2+$0x2E8] =	vst v1  }
0x161: {  	v1 =	vld [tilespmem:s28+$0x70]  }
.Ltmp21:
0x162: {  	_ = 	snop;
	(pc) =	sbr.rel .LBB2_23-.Ltmp21, $2  }
0x163: {  	_ =	sdelay $0x2  }
0x164: {  	s30 =	sadd.s32 $0x1, s30;
	[tilespmem:s2+$0x2F8] =	vst v1  }
.LBB2_25:
.Ltmp22:
0x165: {  	(pc) =	sbr.rel .LBB2_26-.Ltmp22, $4  }
0x166: {  	_ = 	snop  }
0x167: {  	s0 =	simm.s32 $0x2  }
0x168: {  	_ =	swait.ge [sflag:s0], $0x0  }
0x169: {  	s2 =	simm.s32 $0x0;
	[sflag:s0] =	ssyncset.done $0x0;
	s0 =	smov.u32 s31  }
.LBB2_28:
0x16a: {  	_ =	sfence.sel $0x180000  }
0x16b: {  	s0 =	simm.s32 $0x9;
	[bflag:$0x0] =	sbarrier.arrive $0xFFFF  }
0x16c: {  	s24 =	simm.s32 $0xA;
	[sflag:s0] =	ssyncpa.u1 $0x1  }
0x16d: {  	s25 =	simm.s32 $0xB;
	[sflag:s24] =	ssyncpa.u1 $0x1  }
0x16e: {  	s26 =	simm.s32 $0x2;
	[sflag:s25] =	ssyncpa.u1 $0x1  }
0x16f: {  	[sflag:s26] =	ssyncpa.u1 $0x1  }
0x170: {  	v0 =	vld [tilespmem:$0xE408];
	_ =	sdelay $0x4  }
0x171: {  	(v2sf) =	vpush v0, $0x0  }
0x172: {  	(v2sf) =	vpush v0, $0x1;
	_ =	sdelay $0x1  }
0x173: {  	(v2sf) =	vpush v0, $0x2;
	_ =	sdelay $0xb  }
0x174: {  	s0 =	spop (v2sf)  }
0x175: {  	s2 =	spop (v2sf)  }
0x176: {  	s3 =	smov.u32 s0;
	p0 =	sne.s32 s0, s2  }
0x177: {  	s4 =	spop (v2sf);
	s3 =	simm.s32 @!p0 $0xFFFFFFFF  }
0x178: {  	v2 =	vimm.s32 $0x1;
	v3 =	vlaneseq.u32;
	p0 =	seq.s32 s4, $0xFFFFFFFF;
	v1 =	vmov s3  }
0x179: {  	s15 =	stileid.u32;
	v0 =	vperm.xlane v0, v2;
	p1 =	sne.s32 @!p0 s0, s2;
	v1 =	vperm.xlane v1, v3  }
0x17a: {  	vm0 =	vcmask $0x3F04;
	s6 =	simm.s32 $0xE408;
	s0 =	simm.s32 @!p0 $0x1;
	p1 =	por !p1, p0  }
0x17b: {  	s3 =	sshll.u32 s15, $0x1;
	s2 =	sshll.u32 @!p0 s4, $0xA;
	s0 =	simm.s32 @p1 $0x0;
	v0 =	vsel vm0, v1, v0  }
0x17c: {  	s5 =	sor.u32 $0x2000, s3;
	s2 =	sshra.s32 @!p0 s2, $0x2;
	s0 =	sor.u32 @!p0 s0, s3;
	[tilespmem:$0xE408] =	vst v0  }
0x17d: {  	[spmem:s5] =	stream.linear.scatter [tilespmem:s6], [sflag:$0x1], $0x2, $0x38;
	[tilespmem:$0x1E678] =	vst v63  }
0x17e: {  	s2 =	sadd.s32 @!p0 $0x208, s2;
	s0 =	sshll.u32 @!p0 s0, $0x8  }
0x17f: {  	[spmem:s0] =	stream.linear.scatter @!p0 [tilespmem:s2], [sflag:$0x1], $0x100, $0x38;
	[tilespmem:$0x1E678] =	vst v63  }
0x180: {  	s0 =	simm.s32 @!p0 $0x102  }
0x181: {  	s28 =	simm.s32 $0x1;
	s0 =	simm.s32 @p0 $0x2  }
0x182: {  	_ =	swait.ge [sflag:s28], s0  }
0x183: {  	s0 =	ssub.s32 $0x0, s0;
	[sflag:s28] =	ssyncset.done $0x0  }
0x184: {  	p0 =	sne.s32 s15, $0x0;
	[sflag:s28] =	ssyncadd.s32 s0  }
.Ltmp23:
0x185: {  	_ =	sfence.stream.spmem;
	(pc) =	sbr.rel @p0 .LBB2_45-.Ltmp23, $4  }
0x186: {  	s29 =	simm.s32 $0x3;
	[bflag:$0x0] =	sbarrier.arrive $0xFFFF  }
0x187: {  	s30 =	simm.s32 $0x4;
	[sflag:s29] =	ssyncpa.u1 $0x1  }
0x188: {  	s31 =	simm.s32 $0x3C;
	[sflag:s30] =	ssyncpa.u1 $0x1  }
0x189: {  	s14 =	rddreg [dreg:$0x4];
	[sflag:s31] =	ssyncpa.u1 $0x1  }
0x18a: {  	_ =	sfence.stream.spmem;
	s0 =	simm.s32 $0x5  }
0x18b: {  	s2 =	simm.s32 $0x2000;
	s3 =	simm.s32 $0xE418;
	[sflag:s0] =	ssyncpa.u1 $0x0  }
0x18c: {  	[tilespmem:s3], [sflag:$0x5] =	stream.linear.gather [spmem:s2], $0x20, $0x38;
	[tilespmem:$0x1E678] =	vst v63  }
0x18d: {  	s26 =	simm.s32 $0x0;
	s28 =	simm.s32 $0xE438  }
0x18e: {  	[tilespmem:s28], [sflag:$0x5] =	stream.linear.gather [spmem:s26], $0x2000, $0x38;
	[tilespmem:$0x1E678] =	vst v63  }
0x18f: {  	_ =	swait.ge [sflag:s0], $0x2020  }
0x190: {  	[sflag:s0] =	ssyncset.done $0x0  }
0x191: {  	s29 =	simm.s32 $0x0;
	[sflag:s0] =	ssyncadd.s32 $0xFFFFDFE0  }
0x192: {  	v0 =	vld.msk [tilespmem:s29+$0xE418], $0x1;
	_ =	sdelay $0x1  }
0x193: {  	s30 =	simm.s32 $0x1  }
0x194: {  	v1 =	vld.msk [tilespmem:s30+$0xE418], $0x1;
	_ =	sdelay $0x1  }
0x195: {  	(v2sf) =	vpush v0, $0x0;
	_ =	sdelay $0x2  }
0x196: {  	(v2sf) =	vpush v1, $0x0;
	_ =	sdelay $0x2  }
0x197: {  	s31 =	simm.s32 $0x2  }
0x198: {  	v0 =	vld.msk [tilespmem:s31+$0xE418], $0x1;
	_ =	sdelay $0x2  }
0x199: {  	s2 =	simm.s32 $0xFFFFFFFF;
	s3 =	simm.s32 $0xFFFFFFFF;
	s0 =	simm.s32 $0xC  }
.LBB2_30:
0x19a: {  	s4 =	smov.u32 s3;
	s5 =	smov.u32 s2  }
0x19b: {  	s2 =	sshra.s32 s0, $0x2;
	p1 =	sne.s32 s0, $0x7C;
	s0 =	sadd.s32 $0x4, s0;
	(v2sf) =	vpush v0, $0x0  }
0x19c: {  	v0 =	vld.msk [tilespmem:s2+$0xE418], $0x1  }
.Ltmp24:
0x19d: {  	(pc) =	sbr.rel @p1 .LBB2_30-.Ltmp24, $4  }
0x19e: {  	s3 =	spop (v2sf)  }
0x19f: {  	p2 =	sne.s32 s5, $0xFFFFFFFF;
	s2 =	smov.u32 s3  }
0x1a0: {  	p3 =	seq.s32 s3, $0xFFFFFFFF;
	s2 =	smov.u32 @p2 s5  }
0x1a1: {  	s3 =	smov.u32 @p3 s4;
	s2 =	smov.u32 @p3 s5  }
0x1a2: {  	(v2sf) =	vpush v0, $0x0;
	_ =	sdelay $0x8  }
0x1a3: {  	s0 =	spop (v2sf)  }
0x1a4: {  	p1 =	sne.s32 s2, $0xFFFFFFFF;
	s9 =	simm.s32 $0x6;
	s4 =	smov.u32 s0  }
0x1a5: {  	s6 =	simm.s32 $0x0;
	p2 =	seq.s32 s0, $0xFFFFFFFF;
	s4 =	smov.u32 @p1 s2  }
0x1a6: {  	s10 =	simm.s32 $0xE308;
	s4 =	smov.u32 @p2 s2;
	s2 =	spop (v2sf)  }
0x1a7: {  	s0 =	smov.u32 @p2 s3;
	p1 =	sne.s32 s4, $0xFFFFFFFF;
	s5 =	smov.u32 s2  }
.Ltmp25:
0x1a8: {  	p2 =	seq.s32 s2, $0xFFFFFFFF;
	s5 =	smov.u32 @p1 s4;
	(pc) =	sbr.rel .LBB2_32-.Ltmp25, $4  }
0x1a9: {  	s11 =	simm.s32 $0xE388;
	s5 =	smov.u32 @p2 s4;
	s7 =	spop (v2sf)  }
0x1aa: {  	s12 =	simm.s32 $0x0;
	p1 =	sne.s32 s5, $0xFFFFFFFF;
	s8 =	smov.u32 s7  }
0x1ab: {  	s2 =	smov.u32 @p2 s0;
	p2 =	seq.s32 s7, $0xFFFFFFFF;
	s8 =	smov.u32 @p1 s5  }
0x1ac: {  	[sflag:s9] =	ssyncpa.u1 $0x0;
	s7 =	smov.u32 @p2 s2;
	s8 =	smov.u32 @p2 s5  }
.LBB2_38:
0x1ad: {  	p1 =	sgt.u32 s0, $0x186970  }
0x1ae: {  	p2 =	seq.s32 @!p1 s0, s8  }
0x1af: {  	p1 =	por p1, p2  }
0x1b0: {  	p2 =	sne.s32 @!p1 s0, s7  }
0x1b1: {  	p1 =	por p1, !p2  }
0x1b2: {  	s0 =	sshll.u32 @p1 s12, $0xA  }
0x1b3: {  	s2 =	sand.u32 @!p1 $0x1FFFF8, s0;
	s3 =	sand.u32 @!p1 $0x7, s0;
	s0 =	sadd.s32 @!p1 $0x80, s0  }
0x1b4: {  	s2 =	sadd.s32 @!p1 s1, s2;
	s0 =	sand.u32 @!p1 $0x3FFFF8, s0  }
0x1b5: {  	[tilespmem:s10], [sflag:$0x6] =	stream.linear.gather @!p1 [hbm4b:s2+s3], $0x80, $0x38;
	[tilespmem:$0x1E678] =	vst v63  }
0x1b6: {  	s0 =	sadd.s32 @!p1 s1, s0  }
0x1b7: {  	[tilespmem:s11], [sflag:$0x6] =	stream.linear.gather @!p1 [hbm4b:s0+s3], $0x80, $0x38;
	[tilespmem:$0x1E678] =	vst v63  }
0x1b8: {  	_ =	swait.ge @!p1 [sflag:s9], $0x100  }
0x1b9: {  	[sflag:s9] =	ssyncset.done @!p1 $0x0  }
0x1ba: {  	[sflag:s9] =	ssyncadd.s32 @!p1 $0xFFFFFF00  }
0x1bb: {  	v1 =	vld @!p1 [tilespmem:$0xE308];
	_ =	sdelay $0x2  }
0x1bc: {  	s0 =	sshll.u32 @!p1 s12, $0xA  }
0x1bd: {  	s2 =	sshrl.u32 @!p1 s0, $0x2  }
0x1be: {  	[tilespmem:s2+$0xE438] =	vst.add.f32.msk @!p1 $0xffff, v1  }
0x1bf: {  	v1 =	vld @!p1 [tilespmem:$0xE318];
	_ =	sdelay $0x4  }
0x1c0: {  	[tilespmem:s2+$0xE448] =	vst.add.f32.msk @!p1 $0xffff, v1  }
0x1c1: {  	v1 =	vld @!p1 [tilespmem:$0xE328];
	_ =	sdelay $0x4  }
0x1c2: {  	[tilespmem:s2+$0xE458] =	vst.add.f32.msk @!p1 $0xffff, v1  }
0x1c3: {  	v1 =	vld @!p1 [tilespmem:$0xE338];
	_ =	sdelay $0x4  }
0x1c4: {  	[tilespmem:s2+$0xE468] =	vst.add.f32.msk @!p1 $0xffff, v1  }
0x1c5: {  	v1 =	vld @!p1 [tilespmem:$0xE348];
	_ =	sdelay $0x4  }
0x1c6: {  	[tilespmem:s2+$0xE478] =	vst.add.f32.msk @!p1 $0xffff, v1  }
0x1c7: {  	v1 =	vld @!p1 [tilespmem:$0xE358];
	_ =	sdelay $0x4  }
0x1c8: {  	[tilespmem:s2+$0xE488] =	vst.add.f32.msk @!p1 $0xffff, v1  }
0x1c9: {  	v1 =	vld @!p1 [tilespmem:$0xE368];
	_ =	sdelay $0x4  }
0x1ca: {  	[tilespmem:s2+$0xE498] =	vst.add.f32.msk @!p1 $0xffff, v1  }
0x1cb: {  	v1 =	vld @!p1 [tilespmem:$0xE378];
	_ =	sdelay $0x4  }
0x1cc: {  	[tilespmem:s2+$0xE4A8] =	vst.add.f32.msk @!p1 $0xffff, v1  }
0x1cd: {  	v1 =	vld @!p1 [tilespmem:$0xE388];
	_ =	sdelay $0x4  }
0x1ce: {  	[tilespmem:s2+$0xE4B8] =	vst.add.f32.msk @!p1 $0xffff, v1  }
0x1cf: {  	v1 =	vld @!p1 [tilespmem:$0xE398];
	_ =	sdelay $0x4  }
0x1d0: {  	[tilespmem:s2+$0xE4C8] =	vst.add.f32.msk @!p1 $0xffff, v1  }
0x1d1: {  	v1 =	vld @!p1 [tilespmem:$0xE3A8];
	_ =	sdelay $0x4  }
0x1d2: {  	[tilespmem:s2+$0xE4D8] =	vst.add.f32.msk @!p1 $0xffff, v1  }
0x1d3: {  	v1 =	vld @!p1 [tilespmem:$0xE3B8];
	_ =	sdelay $0x4  }
0x1d4: {  	[tilespmem:s2+$0xE4E8] =	vst.add.f32.msk @!p1 $0xffff, v1  }
0x1d5: {  	v1 =	vld @!p1 [tilespmem:$0xE3C8];
	_ =	sdelay $0x4  }
0x1d6: {  	[tilespmem:s2+$0xE4F8] =	vst.add.f32.msk @!p1 $0xffff, v1  }
0x1d7: {  	v1 =	vld @!p1 [tilespmem:$0xE3D8];
	_ =	sdelay $0x4  }
0x1d8: {  	[tilespmem:s2+$0xE508] =	vst.add.f32.msk @!p1 $0xffff, v1  }
0x1d9: {  	v1 =	vld @!p1 [tilespmem:$0xE3E8];
	_ =	sdelay $0x4  }
0x1da: {  	[tilespmem:s2+$0xE518] =	vst.add.f32.msk @!p1 $0xffff, v1  }
0x1db: {  	v1 =	vld @!p1 [tilespmem:$0xE3F8];
	_ =	sdelay $0x4  }
0x1dc: {  	[tilespmem:s2+$0xE528] =	vst.add.f32.msk @!p1 $0xffff, v1  }
0x1dd: {  	s0 =	sshrl.u32 s0, $0x2;
	[tilespmem:s6+$0xE418] =	vst.msk $0x1, v0  }
0x1de: {  	v0 =	vld [tilespmem:s0+$0xE438];
	_ =	sdelay $0x2  }
0x1df: {  	s31 =	sshll.u32 s6, $0xA  }
0x1e0: {  	s2 =	sshra.s32 s31, $0x2  }
0x1e1: {  	[tilespmem:s2+$0xE438] =	vst v0  }
0x1e2: {  	v0 =	vld [tilespmem:s0+$0xE448];
	_ =	sdelay $0x4  }
0x1e3: {  	[tilespmem:s2+$0xE448] =	vst v0  }
0x1e4: {  	v0 =	vld [tilespmem:s0+$0xE458];
	_ =	sdelay $0x4  }
0x1e5: {  	[tilespmem:s2+$0xE458] =	vst v0  }
0x1e6: {  	v0 =	vld [tilespmem:s0+$0xE468];
	_ =	sdelay $0x4  }
0x1e7: {  	[tilespmem:s2+$0xE468] =	vst v0  }
0x1e8: {  	v0 =	vld [tilespmem:s0+$0xE478];
	_ =	sdelay $0x4  }
0x1e9: {  	[tilespmem:s2+$0xE478] =	vst v0  }
0x1ea: {  	v0 =	vld [tilespmem:s0+$0xE488];
	_ =	sdelay $0x4  }
0x1eb: {  	[tilespmem:s2+$0xE488] =	vst v0  }
0x1ec: {  	v0 =	vld [tilespmem:s0+$0xE498];
	_ =	sdelay $0x4  }
0x1ed: {  	[tilespmem:s2+$0xE498] =	vst v0  }
0x1ee: {  	v0 =	vld [tilespmem:s0+$0xE4A8];
	_ =	sdelay $0x4  }
0x1ef: {  	[tilespmem:s2+$0xE4A8] =	vst v0  }
0x1f0: {  	v0 =	vld [tilespmem:s0+$0xE4B8];
	_ =	sdelay $0x4  }
0x1f1: {  	[tilespmem:s2+$0xE4B8] =	vst v0  }
0x1f2: {  	v0 =	vld [tilespmem:s0+$0xE4C8];
	_ =	sdelay $0x4  }
0x1f3: {  	[tilespmem:s2+$0xE4C8] =	vst v0  }
0x1f4: {  	v0 =	vld [tilespmem:s0+$0xE4D8];
	_ =	sdelay $0x4  }
0x1f5: {  	[tilespmem:s2+$0xE4D8] =	vst v0  }
0x1f6: {  	v0 =	vld [tilespmem:s0+$0xE4E8];
	_ =	sdelay $0x4  }
0x1f7: {  	[tilespmem:s2+$0xE4E8] =	vst v0  }
0x1f8: {  	v0 =	vld [tilespmem:s0+$0xE4F8];
	_ =	sdelay $0x4  }
0x1f9: {  	[tilespmem:s2+$0xE4F8] =	vst v0  }
0x1fa: {  	v0 =	vld [tilespmem:s0+$0xE508];
	_ =	sdelay $0x4  }
0x1fb: {  	[tilespmem:s2+$0xE508] =	vst v0  }
0x1fc: {  	v0 =	vld [tilespmem:s0+$0xE518];
	_ =	sdelay $0x4  }
0x1fd: {  	[tilespmem:s2+$0xE518] =	vst v0  }
0x1fe: {  	v0 =	vld [tilespmem:s0+$0xE528];
	_ =	sdelay $0x4  }
0x1ff: {  	s6 =	sadd.s32 $0x1, s6;
	[tilespmem:s2+$0xE528] =	vst v0  }
.LBB2_39:
0x200: {  	s12 =	sadd.s32 $0x1, s12  }
0x201: {  	p1 =	sne.s32 s12, $0x20  }
.Ltmp26:
0x202: {  	_ = 	snop;
	(pc) =	sbr.rel @!p1 .LBB2_40-.Ltmp26, $1  }
0x203: {  	_ =	sdelay $0x3  }
.LBB2_32:
0x204: {  	v0 =	vld.msk [tilespmem:s12+$0xE418], $0x1;
	_ =	sdelay $0x4  }
0x205: {  	(v2sf) =	vpush v0, $0x0;
	_ =	sdelay $0xe  }
0x206: {  	s0 =	spop (v2sf)  }
0x207: {  	p1 =	seq.s32 s0, $0xFFFFFFFF  }
.Ltmp27:
0x208: {  	_ = 	snop;
	(pc) =	sbr.rel @p1 .LBB2_39-.Ltmp27, $1  }
0x209: {  	_ =	sdelay $0x3  }
0x20a: {  	p1 =	slt.s32 s6, $0x1  }
.Ltmp28:
0x20b: {  	_ = 	snop;
	(pc) =	sbr.rel @p1 .LBB2_38-.Ltmp28, $1  }
0x20c: {  	_ =	sdelay $0x3  }
0x20d: {  	s4 =	simm.s32 $0xE418;
	p1 =	por $0x0, $0x0  }
0x20e: {  	v1 =	vld.msk @!p1 [tilespmem:s4+$0x0], $0x1;
	_ =	sdelay $0x4  }
0x20f: {  	(v2sf) =	vpush @!p1 v1, $0x0;
	_ =	sdelay $0xd  }
0x210: {  	p3 =	sne.s32 s6, $0x1  }
.Ltmp29:
0x211: {  	s2 =	spop @!p1 (v2sf);
	(pc) =	sbr.rel @!p3 .LBB2_36-.Ltmp29, $4  }
0x212: {  	p2 =	seq.s32 @!p1 s0, s2  }
0x213: {  	s5 =	simm.s32 $0x0;
	p2 =	por !p2, p1  }
0x214: {  	s2 =	simm.s32 $0xFFFFFFFF;
	s5 =	simm.s32 @p2 $0xFFFFFFFF  }
0x215: {  	s13 =	simm.s32 $0x1;
	s5 =	smov.u32 @p1 s2  }
.LBB2_35:
0x216: {  	s2 =	smov.u32 s5;
	p1 =	sne.s32 s5, $0xFFFFFFFF  }
0x217: {  	s4 =	sadd.s32 $0x1, s4;
	s5 =	smov.u32 s13;
	s13 =	sadd.s32 $0x1, s13  }
0x218: {  	p2 =	sne.s32 s6, s13;
	v1 =	vld.msk @!p1 [tilespmem:s4+$0x0], $0x1;
	_ =	sdelay $0x4  }
0x219: {  	(v2sf) =	vpush @!p1 v1, $0x0;
	_ =	sdelay $0xe  }
.Ltmp30:
0x21a: {  	s3 =	spop @!p1 (v2sf);
	(pc) =	sbr.rel @p2 .LBB2_35-.Ltmp30, $4  }
0x21b: {  	p3 =	seq.s32 @!p1 s0, s3  }
0x21c: {  	p3 =	por !p3, p1  }
0x21d: {  	s5 =	simm.s32 @p3 $0xFFFFFFFF  }
0x21e: {  	s5 =	smov.u32 @p1 s2  }
.LBB2_36:
0x21f: {  	p1 =	seq.s32 s5, $0xFFFFFFFF  }
.Ltmp31:
0x220: {  	_ = 	snop;
	(pc) =	sbr.rel @p1 .LBB2_38-.Ltmp31, $1  }
0x221: {  	_ =	sdelay $0x3  }
0x222: {  	s0 =	sshll.u32 s12, $0x8  }
0x223: {  	s0 =	sand.u32 $0x3FFFFF00, s0  }
0x224: {  	v0 =	vld [tilespmem:s0+$0xE438];
	_ =	sdelay $0x2  }
0x225: {  	s2 =	sshll.u32 s5, $0xA  }
0x226: {  	s2 =	sshra.s32 s2, $0x2  }
0x227: {  	[tilespmem:s2+$0xE438] =	vst.add.f32.msk $0xffff, v0  }
0x228: {  	v0 =	vld [tilespmem:s0+$0xE448];
	_ =	sdelay $0x4  }
0x229: {  	[tilespmem:s2+$0xE448] =	vst.add.f32.msk $0xffff, v0  }
0x22a: {  	v0 =	vld [tilespmem:s0+$0xE458];
	_ =	sdelay $0x4  }
0x22b: {  	[tilespmem:s2+$0xE458] =	vst.add.f32.msk $0xffff, v0  }
0x22c: {  	v0 =	vld [tilespmem:s0+$0xE468];
	_ =	sdelay $0x4  }
0x22d: {  	[tilespmem:s2+$0xE468] =	vst.add.f32.msk $0xffff, v0  }
0x22e: {  	v0 =	vld [tilespmem:s0+$0xE478];
	_ =	sdelay $0x4  }
0x22f: {  	[tilespmem:s2+$0xE478] =	vst.add.f32.msk $0xffff, v0  }
0x230: {  	v0 =	vld [tilespmem:s0+$0xE488];
	_ =	sdelay $0x4  }
0x231: {  	[tilespmem:s2+$0xE488] =	vst.add.f32.msk $0xffff, v0  }
0x232: {  	v0 =	vld [tilespmem:s0+$0xE498];
	_ =	sdelay $0x4  }
0x233: {  	[tilespmem:s2+$0xE498] =	vst.add.f32.msk $0xffff, v0  }
0x234: {  	v0 =	vld [tilespmem:s0+$0xE4A8];
	_ =	sdelay $0x4  }
0x235: {  	[tilespmem:s2+$0xE4A8] =	vst.add.f32.msk $0xffff, v0  }
0x236: {  	v0 =	vld [tilespmem:s0+$0xE4B8];
	_ =	sdelay $0x4  }
0x237: {  	[tilespmem:s2+$0xE4B8] =	vst.add.f32.msk $0xffff, v0  }
0x238: {  	v0 =	vld [tilespmem:s0+$0xE4C8];
	_ =	sdelay $0x4  }
0x239: {  	[tilespmem:s2+$0xE4C8] =	vst.add.f32.msk $0xffff, v0  }
0x23a: {  	v0 =	vld [tilespmem:s0+$0xE4D8];
	_ =	sdelay $0x4  }
0x23b: {  	[tilespmem:s2+$0xE4D8] =	vst.add.f32.msk $0xffff, v0  }
0x23c: {  	v0 =	vld [tilespmem:s0+$0xE4E8];
	_ =	sdelay $0x4  }
0x23d: {  	[tilespmem:s2+$0xE4E8] =	vst.add.f32.msk $0xffff, v0  }
0x23e: {  	v0 =	vld [tilespmem:s0+$0xE4F8];
	_ =	sdelay $0x4  }
0x23f: {  	[tilespmem:s2+$0xE4F8] =	vst.add.f32.msk $0xffff, v0  }
0x240: {  	v0 =	vld [tilespmem:s0+$0xE508];
	_ =	sdelay $0x4  }
0x241: {  	[tilespmem:s2+$0xE508] =	vst.add.f32.msk $0xffff, v0  }
0x242: {  	v0 =	vld [tilespmem:s0+$0xE518];
	_ =	sdelay $0x4  }
0x243: {  	[tilespmem:s2+$0xE518] =	vst.add.f32.msk $0xffff, v0  }
0x244: {  	v0 =	vld [tilespmem:s0+$0xE528]  }
.Ltmp32:
0x245: {  	_ = 	snop;
	(pc) =	sbr.rel .LBB2_39-.Ltmp32, $2  }
0x246: {  	_ =	sdelay $0x2  }
0x247: {  	[tilespmem:s2+$0xE528] =	vst.add.f32.msk $0xffff, v0  }
.LBB2_40:
0x248: {  	s0 =	simm.s32 $0x6;
	p1 =	seq.s32 s6, $0x0  }
0x249: {  	[sflag:s0] =	ssyncpa.u1 $0x1;
	v0 =	vimm.s32 @p1 $0xFFFFFFFF  }
0x24a: {  	s0 =	sadd.s32 $0xFFFFFFFF, s6;
	[tilespmem:$0x10438] =	vst @p1 v0  }
0x24b: {  	v0 =	vld.msk @!p1 [tilespmem:s0+$0xE418], $0x1;
	_ =	sdelay $0x1  }
0x24c: {  	v1 =	vld.msk @!p1 [tilespmem:$0xE418], $0x1;
	_ =	sdelay $0x2  }
0x24d: {  	p2 =	seq.s32 @!p1 s0, $0x0;
	v0 =	vbroadcast @!p1 v0, $0x0  }
0x24e: {  	vm0 =	vmmov @!p1 $0x1;
	p2 =	por !p2, p1  }
0x24f: {  	v1 =	vnsel @!p1 vm0, $0xFFFFFFFF, v1;
	vm0 =	vcmask @!p1 $0x308;
	v0 =	vpsel !p2, $0xFFFFFFFF, v0  }
0x250: {  	p2 =	sne.s32 @!p1 s8, s7;
	v0 =	vsel @!p1 vm0, v1, v0  }
0x251: {  	s2 =	simm.s32 @!p1 $0xE438;
	s3 =	simm.s32 @!p1 $0x0;
	p3 =	por !p2, p1;
	[tilespmem:$0x10438] =	vst @!p1 v0  }
0x252: {  	[spmem:s3] =	stream.linear.scatter @!p1 [tilespmem:s2], [sflag:$0x1], $0x100, $0x38;
	[tilespmem:$0x1E678] =	vst v63  }
0x253: {  	s2 =	sshll.u32 @!p3 s0, $0xA  }
0x254: {  	s2 =	sshra.s32 @!p3 s2, $0x2  }
0x255: {  	s3 =	simm.s32 @!p3 $0x100;
	s2 =	sadd.s32 @!p3 $0xE438, s2  }
0x256: {  	[spmem:s3] =	stream.linear.scatter @!p3 [tilespmem:s2], [sflag:$0x1], $0x100, $0x38;
	[tilespmem:$0x1E678] =	vst v63  }
0x257: {  	s2 =	simm.s32 @!p3 $0x1  }
0x258: {  	_ =	swait.ge @!p3 [sflag:s2], $0x200  }
0x259: {  	p1 =	por p2, p1;
	[sflag:s2] =	ssyncset.done @!p3 $0x0  }
0x25a: {  	[sflag:s2] =	ssyncadd.s32 @!p3 $0xFFFFFE00;
	s2 =	simm.s32 @!p1 $0x1  }
0x25b: {  	_ =	swait.ge @!p1 [sflag:s2], $0x100  }
0x25c: {  	s29 =	simm.s32 $0x10438;
	[sflag:s2] =	ssyncset.done @!p1 $0x0  }
0x25d: {  	s30 =	simm.s32 $0x2000;
	s31 =	simm.s32 $0x1;
	[sflag:s2] =	ssyncadd.s32 @!p1 $0xFFFFFF00  }
0x25e: {  	[spmem:s30] =	stream.linear.scatter [tilespmem:s29], [sflag:$0x1], $0x10, $0x38;
	[tilespmem:$0x1E678] =	vst v63  }
0x25f: {  	_ =	swait.ge [sflag:s31], $0x10  }
0x260: {  	[sflag:s31] =	ssyncset.done $0x0  }
0x261: {  	p1 =	seq.s32 s14, $0x0;
	s9 =	rddreg [dreg:$0x1];
	[sflag:s31] =	ssyncadd.s32 $0xFFFFFFF0  }
0x262: {  	s3 =	sshll.u32 @p1 s9, $0xE;
	s8 =	rddreg [dreg:$0x2]  }
0x263: {  	s2 =	sadd.s32 @p1 $0x15C3C, s3;
	s3 =	sshll.u32 @p1 s8, $0x11  }
0x264: {  	_ =	sfence.stream.spmem;
	s2 =	sor.u32 @p1 s3, s2  }
0x265: {  	[sflag:s2] =	ssyncadd.remote.s32 @p1 $0x1;
	s2 =	simm.s32 @p1 $0x4  }
0x266: {  	s4 =	simm.s32 @!p1 $0x3C;
	s3 =	sand.u32 $0xFFFFFFFE, s9;
	_ =	swait.ge @p1 [sflag:s2], $0x42  }
0x267: {  	s5 =	simm.s32 @!p1 $0x0;
	s3 =	sadd.s32 @!p1 $0x4, s3;
	[sflag:s2] =	ssyncset.done @p1 $0x0  }
0x268: {  	s7 =	simm.s32 @!p1 $0x200;
	[sflag:s2] =	ssyncadd.s32 @p1 $0xFFFFFFBE;
	s2 =	sshll.u32 @!p1 s3, $0x1A  }
0x269: {  	s3 =	sshll.u32 @!p1 s3, $0xD;
	s2 =	sor.u32 @!p1 s2, s8;
	_ =	swait.eq @!p1 [sflag:s4], $0x1  }
0x26a: {  	s3 =	sor.u32 @!p1 $0x1C04, s3;
	s4 =	simm.s32 @!p1 $0x1C03;
	s2 =	sor.u32 @!p1 $0x80004000, s2  }
0x26b: {  	[spmem:s7], [sflag:s3] =	dma.general @!p1 [spmem:s5], [sflag:s4], length:$0x40, [dreg:$0x0], stride_count:$0x0, ici_dest:s2, dma_misc:DstOpCode:WRITE  }
0x26c: {  	p2 =	slt.s32 s0, $0x2;
	s5 =	simm.s32 @!p1 $0x400;
	s7 =	simm.s32 @!p1 $0x402  }
0x26d: {  	[spmem:s7], [sflag:s3] =	dma.general @!p1 [spmem:s5], [sflag:s4], length:$0x2, [dreg:$0x0], stride_count:$0x0, ici_dest:s2, dma_misc:DstOpCode:WRITE  }
.Ltmp33:
0x26e: {  	s2 =	simm.s32 @!p1 $0x3;
	(pc) =	sbr.rel @p2 .LBB2_44-.Ltmp33, $4  }
0x26f: {  	s3 =	sshll.u32 @!p1 s9, $0xE;
	_ =	swait.ge @!p1 [sflag:s2], $0x42  }
0x270: {  	s4 =	sshll.u32 @!p1 s8, $0x11;
	s3 =	sadd.s32 @!p1 $0x11C3C, s3;
	[sflag:s2] =	ssyncset.done @!p1 $0x0  }
0x271: {  	[sflag:s2] =	ssyncadd.s32 @!p1 $0xFFFFFFBE;
	s2 =	sor.u32 @!p1 s4, s3  }
0x272: {  	s0 =	simm.s32 $0x0;
	[sflag:s2] =	ssyncadd.remote.s32 @!p1 $0xFFFFFFFF  }
0x273: {  	s0 =	simm.s32 $0xE419  }
0x274: {  	v0 =	vld.msk [tilespmem:s0+$0x0], $0x1;
	_ =	sdelay $0x4  }
0x275: {  	(v2sf) =	vpush v0, $0x0;
	_ =	sdelay $0xd  }
0x276: {  	s31 =	sadd.s32 $0xFFFFFFFE, s6  }
0x277: {  	s6 =	simm.s32 $0x0;
	s0 =	sadd.s32 $0xFFFFFFFF, s31;
	s2 =	spop (v2sf)  }
0x278: {  	s3 =	simm.s32 $0xE538;
	p1 =	sne.s32 s0, $0x0;
	p2 =	sgt.u32 s2, $0x186970  }
.Ltmp34:
0x279: {  	s4 =	simm.s32 $0xE638;
	s5 =	sand.u32 @!p2 $0x1FFFF8, s2;
	(pc) =	sbr.rel @!p1 .LBB2_43-.Ltmp34, $4  }
0x27a: {  	s7 =	sadd.s32 @!p2 $0x80, s2;
	s2 =	sand.u32 @!p2 $0x7, s2;
	s6 =	simm.s32 @!p2 $0x400  }
0x27b: {  	s5 =	sadd.s32 @!p2 s1, s5;
	s7 =	sand.u32 @!p2 $0x3FFFF8, s7;
	s6 =	sadd.s32 $0x0, s6  }
0x27c: {  	[hbm4b:s5+s2] =	stream.linear.scatter @!p2 [tilespmem:s3], [sflag:$0x5], $0x80, $0x38;
	[tilespmem:$0x1E678] =	vst v63  }
0x27d: {  	s5 =	simm.s32 $0xE41A;
	s3 =	simm.s32 @!p2 $0xE5B8;
	s7 =	sadd.s32 @!p2 s1, s7  }
.LBB2_42:
0x27e: {  	[hbm4b:s7+s2] =	stream.linear.scatter @!p2 [tilespmem:s3], [sflag:$0x5], $0x80, $0x38;
	[tilespmem:$0x1E678] =	vst v63  }
0x27f: {  	s0 =	sadd.s32 $0xFFFFFFFF, s0;
	s3 =	smov.u32 s4;
	v0 =	vld.msk [tilespmem:s5+$0x0], $0x1  }
0x280: {  	p1 =	sne.s32 s0, $0x0;
	_ =	sdelay $0x3  }
0x281: {  	(v2sf) =	vpush v0, $0x0;
	_ =	sdelay $0xe  }
0x282: {  	s4 =	sadd.s32 $0x100, s4;
	s8 =	simm.s32 $0x0;
	s2 =	spop (v2sf)  }
.Ltmp35:
0x283: {  	s5 =	sadd.s32 $0x1, s5;
	p2 =	sgt.u32 s2, $0x186970;
	(pc) =	sbr.rel @p1 .LBB2_42-.Ltmp35, $4  }
0x284: {  	s8 =	simm.s32 @!p2 $0x400;
	s7 =	sand.u32 @!p2 $0x1FFFF8, s2;
	s9 =	sadd.s32 @!p2 $0x80, s2  }
0x285: {  	s2 =	sand.u32 @!p2 $0x7, s2;
	s7 =	sadd.s32 @!p2 s1, s7;
	s9 =	sand.u32 @!p2 $0x3FFFF8, s9  }
0x286: {  	[hbm4b:s7+s2] =	stream.linear.scatter @!p2 [tilespmem:s3], [sflag:$0x5], $0x80, $0x38;
	[tilespmem:$0x1E678] =	vst v63  }
0x287: {  	s6 =	sadd.s32 s6, s8;
	s3 =	sadd.s32 @!p2 $0x80, s3;
	s7 =	sadd.s32 @!p2 s1, s9  }
.LBB2_43:
0x288: {  	[hbm4b:s7+s2] =	stream.linear.scatter @!p2 [tilespmem:s3], [sflag:$0x5], $0x80, $0x38;
	[tilespmem:$0x1E678] =	vst v63  }
0x289: {  	s0 =	sshrl.u32 s6, $0x2  }
.LBB2_44:
0x28a: {  	s2 =	simm.s32 $0x5  }
0x28b: {  	_ =	swait.ge [sflag:s2], s0  }
0x28c: {  	s31 =	ssub.s32 $0x0, s0;
	[sflag:s2] =	ssyncset.done $0x0  }
0x28d: {  	[sflag:s2] =	ssyncadd.s32 s31  }
0x28e: {  	[sflag:s2] =	ssyncpa.u1 $0x1  }
.LBB2_45:
0x28f: {  	s0 =	sor.u32 s14, s15  }
0x290: {  	p1 =	sne.s32 s0, $0x0  }
.Ltmp36:
0x291: {  	_ = 	snop;
	(pc) =	sbr.rel @p1 .LBB2_60-.Ltmp36, $3  }
0x292: {  	_ =	sdelay $0x1  }
0x293: {  	[bflag:$0x0] =	sbarrier.arrive $0xFFFF  }
0x294: {  	_ =	sfence  }
0x295: {  	s0 =	simm.s32 $0x7  }
0x296: {  	s2 =	simm.s32 $0x2000;
	s3 =	simm.s32 $0xE418;
	[sflag:s0] =	ssyncpa.u1 $0x0  }
0x297: {  	[tilespmem:s3], [sflag:$0x7] =	stream.linear.gather [spmem:s2], $0x20, $0x38;
	[tilespmem:$0x1E678] =	vst v63  }
0x298: {  	s30 =	simm.s32 $0xE438;
	s2 =	simm.s32 $0x0  }
0x299: {  	[tilespmem:s30], [sflag:$0x7] =	stream.linear.gather [spmem:s2], $0x2000, $0x38;
	[tilespmem:$0x1E678] =	vst v63  }
.Ltmp37:
0x29a: {  	_ = 	snop;
	(pc) =	sbr.rel .LBB2_47-.Ltmp37, $4  }
0x29b: {  	_ =	swait.ge [sflag:s0], $0x2020  }
0x29c: {  	[sflag:s0] =	ssyncset.done $0x0  }
0x29d: {  	s31 =	simm.s32 $0x8;
	[sflag:s0] =	ssyncadd.s32 $0xFFFFDFE0  }
0x29e: {  	s3 =	simm.s32 $0x0;
	[sflag:s31] =	ssyncpa.u1 $0x0  }
.LBB2_53:
0x29f: {  	p1 =	slt.u32 s0, $0x186971  }
0x2a0: {  	s4 =	sand.u32 @p1 $0x1FFFF8, s0;
	s5 =	sand.u32 @p1 $0x7, s0;
	s0 =	sadd.s32 @p1 $0x80, s0  }
0x2a1: {  	s6 =	simm.s32 @p1 $0xE308;
	s4 =	sadd.s32 @p1 s1, s4;
	s0 =	sand.u32 @p1 $0x3FFFF8, s0  }
0x2a2: {  	[tilespmem:s6], [sflag:$0x8] =	stream.linear.gather @p1 [hbm4b:s4+s5], $0x80, $0x38;
	[tilespmem:$0x1E678] =	vst v63  }
0x2a3: {  	s0 =	sadd.s32 @p1 s1, s0;
	s4 =	simm.s32 @p1 $0xE388  }
0x2a4: {  	[tilespmem:s4], [sflag:$0x8] =	stream.linear.gather @p1 [hbm4b:s0+s5], $0x80, $0x38;
	[tilespmem:$0x1E678] =	vst v63  }
0x2a5: {  	s0 =	simm.s32 @p1 $0x8  }
0x2a6: {  	_ =	swait.ge @p1 [sflag:s0], $0x100  }
0x2a7: {  	[sflag:s0] =	ssyncset.done @p1 $0x0  }
0x2a8: {  	[sflag:s0] =	ssyncadd.s32 @p1 $0xFFFFFF00  }
0x2a9: {  	v1 =	vld @p1 [tilespmem:$0xE308];
	_ =	sdelay $0x2  }
0x2aa: {  	s0 =	sshll.u32 @p1 s3, $0xA  }
0x2ab: {  	s4 =	sshrl.u32 @p1 s0, $0x2  }
0x2ac: {  	[tilespmem:s4+$0xE438] =	vst.add.f32.msk @p1 $0xffff, v1  }
0x2ad: {  	v1 =	vld @p1 [tilespmem:$0xE318];
	_ =	sdelay $0x4  }
0x2ae: {  	[tilespmem:s4+$0xE448] =	vst.add.f32.msk @p1 $0xffff, v1  }
0x2af: {  	v1 =	vld @p1 [tilespmem:$0xE328];
	_ =	sdelay $0x4  }
0x2b0: {  	[tilespmem:s4+$0xE458] =	vst.add.f32.msk @p1 $0xffff, v1  }
0x2b1: {  	v1 =	vld @p1 [tilespmem:$0xE338];
	_ =	sdelay $0x4  }
0x2b2: {  	[tilespmem:s4+$0xE468] =	vst.add.f32.msk @p1 $0xffff, v1  }
0x2b3: {  	v1 =	vld @p1 [tilespmem:$0xE348];
	_ =	sdelay $0x4  }
0x2b4: {  	[tilespmem:s4+$0xE478] =	vst.add.f32.msk @p1 $0xffff, v1  }
0x2b5: {  	v1 =	vld @p1 [tilespmem:$0xE358];
	_ =	sdelay $0x4  }
0x2b6: {  	[tilespmem:s4+$0xE488] =	vst.add.f32.msk @p1 $0xffff, v1  }
0x2b7: {  	v1 =	vld @p1 [tilespmem:$0xE368];
	_ =	sdelay $0x4  }
0x2b8: {  	[tilespmem:s4+$0xE498] =	vst.add.f32.msk @p1 $0xffff, v1  }
0x2b9: {  	v1 =	vld @p1 [tilespmem:$0xE378];
	_ =	sdelay $0x4  }
0x2ba: {  	[tilespmem:s4+$0xE4A8] =	vst.add.f32.msk @p1 $0xffff, v1  }
0x2bb: {  	v1 =	vld @p1 [tilespmem:$0xE388];
	_ =	sdelay $0x4  }
0x2bc: {  	[tilespmem:s4+$0xE4B8] =	vst.add.f32.msk @p1 $0xffff, v1  }
0x2bd: {  	v1 =	vld @p1 [tilespmem:$0xE398];
	_ =	sdelay $0x4  }
0x2be: {  	[tilespmem:s4+$0xE4C8] =	vst.add.f32.msk @p1 $0xffff, v1  }
0x2bf: {  	v1 =	vld @p1 [tilespmem:$0xE3A8];
	_ =	sdelay $0x4  }
0x2c0: {  	[tilespmem:s4+$0xE4D8] =	vst.add.f32.msk @p1 $0xffff, v1  }
0x2c1: {  	v1 =	vld @p1 [tilespmem:$0xE3B8];
	_ =	sdelay $0x4  }
0x2c2: {  	[tilespmem:s4+$0xE4E8] =	vst.add.f32.msk @p1 $0xffff, v1  }
0x2c3: {  	v1 =	vld @p1 [tilespmem:$0xE3C8];
	_ =	sdelay $0x4  }
0x2c4: {  	[tilespmem:s4+$0xE4F8] =	vst.add.f32.msk @p1 $0xffff, v1  }
0x2c5: {  	v1 =	vld @p1 [tilespmem:$0xE3D8];
	_ =	sdelay $0x4  }
0x2c6: {  	[tilespmem:s4+$0xE508] =	vst.add.f32.msk @p1 $0xffff, v1  }
0x2c7: {  	v1 =	vld @p1 [tilespmem:$0xE3E8];
	_ =	sdelay $0x4  }
0x2c8: {  	[tilespmem:s4+$0xE518] =	vst.add.f32.msk @p1 $0xffff, v1  }
0x2c9: {  	v1 =	vld @p1 [tilespmem:$0xE3F8];
	_ =	sdelay $0x3  }
0x2ca: {  	s5 =	sshll.u32 @!p1 s3, $0xA  }
0x2cb: {  	s5 =	smov.u32 @p1 s0;
	[tilespmem:s4+$0xE528] =	vst.add.f32.msk @p1 $0xffff, v1  }
0x2cc: {  	s0 =	sshrl.u32 s5, $0x2;
	[tilespmem:s2+$0xE418] =	vst.msk $0x1, v0  }
0x2cd: {  	v0 =	vld [tilespmem:s0+$0xE438];
	_ =	sdelay $0x2  }
0x2ce: {  	s31 =	sshll.u32 s2, $0xA  }
0x2cf: {  	s4 =	sshra.s32 s31, $0x2  }
0x2d0: {  	[tilespmem:s4+$0xE438] =	vst v0  }
0x2d1: {  	v0 =	vld [tilespmem:s0+$0xE448];
	_ =	sdelay $0x4  }
0x2d2: {  	[tilespmem:s4+$0xE448] =	vst v0  }
0x2d3: {  	v0 =	vld [tilespmem:s0+$0xE458];
	_ =	sdelay $0x4  }
0x2d4: {  	[tilespmem:s4+$0xE458] =	vst v0  }
0x2d5: {  	v0 =	vld [tilespmem:s0+$0xE468];
	_ =	sdelay $0x4  }
0x2d6: {  	[tilespmem:s4+$0xE468] =	vst v0  }
0x2d7: {  	v0 =	vld [tilespmem:s0+$0xE478];
	_ =	sdelay $0x4  }
0x2d8: {  	[tilespmem:s4+$0xE478] =	vst v0  }
0x2d9: {  	v0 =	vld [tilespmem:s0+$0xE488];
	_ =	sdelay $0x4  }
0x2da: {  	[tilespmem:s4+$0xE488] =	vst v0  }
0x2db: {  	v0 =	vld [tilespmem:s0+$0xE498];
	_ =	sdelay $0x4  }
0x2dc: {  	[tilespmem:s4+$0xE498] =	vst v0  }
0x2dd: {  	v0 =	vld [tilespmem:s0+$0xE4A8];
	_ =	sdelay $0x4  }
0x2de: {  	[tilespmem:s4+$0xE4A8] =	vst v0  }
0x2df: {  	v0 =	vld [tilespmem:s0+$0xE4B8];
	_ =	sdelay $0x4  }
0x2e0: {  	[tilespmem:s4+$0xE4B8] =	vst v0  }
0x2e1: {  	v0 =	vld [tilespmem:s0+$0xE4C8];
	_ =	sdelay $0x4  }
0x2e2: {  	[tilespmem:s4+$0xE4C8] =	vst v0  }
0x2e3: {  	v0 =	vld [tilespmem:s0+$0xE4D8];
	_ =	sdelay $0x4  }
0x2e4: {  	[tilespmem:s4+$0xE4D8] =	vst v0  }
0x2e5: {  	v0 =	vld [tilespmem:s0+$0xE4E8];
	_ =	sdelay $0x4  }
0x2e6: {  	[tilespmem:s4+$0xE4E8] =	vst v0  }
0x2e7: {  	v0 =	vld [tilespmem:s0+$0xE4F8];
	_ =	sdelay $0x4  }
0x2e8: {  	[tilespmem:s4+$0xE4F8] =	vst v0  }
0x2e9: {  	v0 =	vld [tilespmem:s0+$0xE508];
	_ =	sdelay $0x4  }
0x2ea: {  	[tilespmem:s4+$0xE508] =	vst v0  }
0x2eb: {  	v0 =	vld [tilespmem:s0+$0xE518];
	_ =	sdelay $0x4  }
0x2ec: {  	[tilespmem:s4+$0xE518] =	vst v0  }
0x2ed: {  	v0 =	vld [tilespmem:s0+$0xE528];
	_ =	sdelay $0x4  }
0x2ee: {  	s2 =	sadd.s32 $0x1, s2;
	[tilespmem:s4+$0xE528] =	vst v0  }
.LBB2_54:
0x2ef: {  	s3 =	sadd.s32 $0x1, s3  }
0x2f0: {  	p1 =	sne.s32 s3, $0x20  }
.Ltmp38:
0x2f1: {  	_ = 	snop;
	(pc) =	sbr.rel @!p1 .LBB2_55-.Ltmp38, $1  }
0x2f2: {  	_ =	sdelay $0x3  }
.LBB2_47:
0x2f3: {  	v0 =	vld.msk [tilespmem:s3+$0xE418], $0x1;
	_ =	sdelay $0x4  }
0x2f4: {  	(v2sf) =	vpush v0, $0x0;
	_ =	sdelay $0xe  }
0x2f5: {  	s0 =	spop (v2sf)  }
0x2f6: {  	p1 =	seq.s32 s0, $0xFFFFFFFF  }
.Ltmp39:
0x2f7: {  	_ = 	snop;
	(pc) =	sbr.rel @p1 .LBB2_54-.Ltmp39, $1  }
0x2f8: {  	_ =	sdelay $0x3  }
0x2f9: {  	p1 =	slt.s32 s2, $0x1  }
.Ltmp40:
0x2fa: {  	_ = 	snop;
	(pc) =	sbr.rel @p1 .LBB2_53-.Ltmp40, $1  }
0x2fb: {  	_ =	sdelay $0x3  }
0x2fc: {  	s4 =	simm.s32 $0xE418;
	p1 =	por $0x0, $0x0  }
0x2fd: {  	v1 =	vld.msk @!p1 [tilespmem:s4+$0x0], $0x1;
	_ =	sdelay $0x4  }
0x2fe: {  	(v2sf) =	vpush @!p1 v1, $0x0;
	_ =	sdelay $0xd  }
0x2ff: {  	p3 =	sne.s32 s2, $0x1  }
.Ltmp41:
0x300: {  	s5 =	spop @!p1 (v2sf);
	(pc) =	sbr.rel @!p3 .LBB2_51-.Ltmp41, $4  }
0x301: {  	p2 =	seq.s32 @!p1 s0, s5  }
0x302: {  	s5 =	simm.s32 $0x0;
	p2 =	por !p2, p1  }
0x303: {  	s7 =	simm.s32 $0xFFFFFFFF;
	s5 =	simm.s32 @p2 $0xFFFFFFFF  }
0x304: {  	s6 =	simm.s32 $0x1;
	s5 =	smov.u32 @p1 s7  }
.LBB2_50:
0x305: {  	s7 =	smov.u32 s5;
	p1 =	sne.s32 s5, $0xFFFFFFFF  }
0x306: {  	s4 =	sadd.s32 $0x1, s4;
	s5 =	smov.u32 s6;
	s6 =	sadd.s32 $0x1, s6  }
0x307: {  	p2 =	sne.s32 s2, s6;
	v1 =	vld.msk @!p1 [tilespmem:s4+$0x0], $0x1;
	_ =	sdelay $0x4  }
0x308: {  	(v2sf) =	vpush @!p1 v1, $0x0;
	_ =	sdelay $0xe  }
.Ltmp42:
0x309: {  	s8 =	spop @!p1 (v2sf);
	(pc) =	sbr.rel @p2 .LBB2_50-.Ltmp42, $4  }
0x30a: {  	p3 =	seq.s32 @!p1 s0, s8  }
0x30b: {  	p3 =	por !p3, p1  }
0x30c: {  	s5 =	simm.s32 @p3 $0xFFFFFFFF  }
0x30d: {  	s5 =	smov.u32 @p1 s7  }
.LBB2_51:
0x30e: {  	p1 =	seq.s32 s5, $0xFFFFFFFF  }
.Ltmp43:
0x30f: {  	_ = 	snop;
	(pc) =	sbr.rel @p1 .LBB2_53-.Ltmp43, $1  }
0x310: {  	_ =	sdelay $0x3  }
0x311: {  	s0 =	sshll.u32 s3, $0x8  }
0x312: {  	s0 =	sand.u32 $0x3FFFFF00, s0  }
0x313: {  	v0 =	vld [tilespmem:s0+$0xE438];
	_ =	sdelay $0x2  }
0x314: {  	s4 =	sshll.u32 s5, $0xA  }
0x315: {  	s4 =	sshra.s32 s4, $0x2  }
0x316: {  	[tilespmem:s4+$0xE438] =	vst.add.f32.msk $0xffff, v0  }
0x317: {  	v0 =	vld [tilespmem:s0+$0xE448];
	_ =	sdelay $0x4  }
0x318: {  	[tilespmem:s4+$0xE448] =	vst.add.f32.msk $0xffff, v0  }
0x319: {  	v0 =	vld [tilespmem:s0+$0xE458];
	_ =	sdelay $0x4  }
0x31a: {  	[tilespmem:s4+$0xE458] =	vst.add.f32.msk $0xffff, v0  }
0x31b: {  	v0 =	vld [tilespmem:s0+$0xE468];
	_ =	sdelay $0x4  }
0x31c: {  	[tilespmem:s4+$0xE468] =	vst.add.f32.msk $0xffff, v0  }
0x31d: {  	v0 =	vld [tilespmem:s0+$0xE478];
	_ =	sdelay $0x4  }
0x31e: {  	[tilespmem:s4+$0xE478] =	vst.add.f32.msk $0xffff, v0  }
0x31f: {  	v0 =	vld [tilespmem:s0+$0xE488];
	_ =	sdelay $0x4  }
0x320: {  	[tilespmem:s4+$0xE488] =	vst.add.f32.msk $0xffff, v0  }
0x321: {  	v0 =	vld [tilespmem:s0+$0xE498];
	_ =	sdelay $0x4  }
0x322: {  	[tilespmem:s4+$0xE498] =	vst.add.f32.msk $0xffff, v0  }
0x323: {  	v0 =	vld [tilespmem:s0+$0xE4A8];
	_ =	sdelay $0x4  }
0x324: {  	[tilespmem:s4+$0xE4A8] =	vst.add.f32.msk $0xffff, v0  }
0x325: {  	v0 =	vld [tilespmem:s0+$0xE4B8];
	_ =	sdelay $0x4  }
0x326: {  	[tilespmem:s4+$0xE4B8] =	vst.add.f32.msk $0xffff, v0  }
0x327: {  	v0 =	vld [tilespmem:s0+$0xE4C8];
	_ =	sdelay $0x4  }
0x328: {  	[tilespmem:s4+$0xE4C8] =	vst.add.f32.msk $0xffff, v0  }
0x329: {  	v0 =	vld [tilespmem:s0+$0xE4D8];
	_ =	sdelay $0x4  }
0x32a: {  	[tilespmem:s4+$0xE4D8] =	vst.add.f32.msk $0xffff, v0  }
0x32b: {  	v0 =	vld [tilespmem:s0+$0xE4E8];
	_ =	sdelay $0x4  }
0x32c: {  	[tilespmem:s4+$0xE4E8] =	vst.add.f32.msk $0xffff, v0  }
0x32d: {  	v0 =	vld [tilespmem:s0+$0xE4F8];
	_ =	sdelay $0x4  }
0x32e: {  	[tilespmem:s4+$0xE4F8] =	vst.add.f32.msk $0xffff, v0  }
0x32f: {  	v0 =	vld [tilespmem:s0+$0xE508];
	_ =	sdelay $0x4  }
0x330: {  	[tilespmem:s4+$0xE508] =	vst.add.f32.msk $0xffff, v0  }
0x331: {  	v0 =	vld [tilespmem:s0+$0xE518];
	_ =	sdelay $0x4  }
0x332: {  	[tilespmem:s4+$0xE518] =	vst.add.f32.msk $0xffff, v0  }
0x333: {  	v0 =	vld [tilespmem:s0+$0xE528]  }
.Ltmp44:
0x334: {  	_ = 	snop;
	(pc) =	sbr.rel .LBB2_54-.Ltmp44, $2  }
0x335: {  	_ =	sdelay $0x2  }
0x336: {  	[tilespmem:s4+$0xE528] =	vst.add.f32.msk $0xffff, v0  }
.LBB2_55:
0x337: {  	p1 =	slt.s32 s2, $0x1  }
.Ltmp45:
0x338: {  	_ = 	snop;
	(pc) =	sbr.rel @p1 .LBB2_59-.Ltmp45, $3  }
0x339: {  	_ =	sdelay $0x1  }
0x33a: {  	s0 =	simm.s32 $0x8  }
0x33b: {  	s4 =	simm.s32 $0x0;
	[sflag:s0] =	ssyncpa.u1 $0x1  }
0x33c: {  	s0 =	simm.s32 $0xE418  }
0x33d: {  	v0 =	vld.msk [tilespmem:s0+$0x0], $0x1;
	_ =	sdelay $0x4  }
0x33e: {  	(v2sf) =	vpush v0, $0x0;
	_ =	sdelay $0xe  }
0x33f: {  	s0 =	sadd.s32 $0xFFFFFFFF, s2;
	s3 =	spop (v2sf)  }
0x340: {  	s6 =	simm.s32 $0xE438;
	p1 =	sne.s32 s0, $0x0;
	p2 =	sgt.u32 s3, $0x186970  }
.Ltmp46:
0x341: {  	s2 =	simm.s32 $0xE538;
	s5 =	sand.u32 @!p2 $0x1FFFF8, s3;
	(pc) =	sbr.rel @!p1 .LBB2_58-.Ltmp46, $4  }
0x342: {  	s7 =	sadd.s32 @!p2 $0x80, s3;
	s4 =	simm.s32 @!p2 $0x400;
	s8 =	sadd.s32 @!p2 s1, s5  }
0x343: {  	s5 =	sand.u32 @!p2 $0x7, s3;
	s3 =	simm.s32 $0xE419;
	s7 =	sand.u32 @!p2 $0x3FFFF8, s7  }
0x344: {  	[hbm4b:s8+s5] =	stream.linear.scatter @!p2 [tilespmem:s6], [sflag:$0x7], $0x80, $0x38;
	[tilespmem:$0x1E678] =	vst v63  }
0x345: {  	s4 =	sadd.s32 $0x0, s4;
	s6 =	simm.s32 @!p2 $0xE4B8;
	s7 =	sadd.s32 @!p2 s1, s7  }
.LBB2_57:
0x346: {  	[hbm4b:s7+s5] =	stream.linear.scatter @!p2 [tilespmem:s6], [sflag:$0x7], $0x80, $0x38;
	[tilespmem:$0x1E678] =	vst v63  }
0x347: {  	s0 =	sadd.s32 $0xFFFFFFFF, s0;
	s6 =	smov.u32 s2;
	v0 =	vld.msk [tilespmem:s3+$0x0], $0x1  }
0x348: {  	p1 =	sne.s32 s0, $0x0;
	_ =	sdelay $0x3  }
0x349: {  	(v2sf) =	vpush v0, $0x0;
	_ =	sdelay $0xe  }
0x34a: {  	s2 =	sadd.s32 $0x100, s2;
	s8 =	simm.s32 $0x0;
	s5 =	spop (v2sf)  }
.Ltmp47:
0x34b: {  	s3 =	sadd.s32 $0x1, s3;
	p2 =	sgt.u32 s5, $0x186970;
	(pc) =	sbr.rel @p1 .LBB2_57-.Ltmp47, $4  }
0x34c: {  	s8 =	simm.s32 @!p2 $0x400;
	s7 =	sand.u32 @!p2 $0x1FFFF8, s5;
	s9 =	sadd.s32 @!p2 $0x80, s5  }
0x34d: {  	s5 =	sand.u32 @!p2 $0x7, s5;
	s7 =	sadd.s32 @!p2 s1, s7;
	s9 =	sand.u32 @!p2 $0x3FFFF8, s9  }
0x34e: {  	[hbm4b:s7+s5] =	stream.linear.scatter @!p2 [tilespmem:s6], [sflag:$0x7], $0x80, $0x38;
	[tilespmem:$0x1E678] =	vst v63  }
0x34f: {  	s4 =	sadd.s32 s4, s8;
	s6 =	sadd.s32 @!p2 $0x80, s6;
	s7 =	sadd.s32 @!p2 s1, s9  }
.LBB2_58:
0x350: {  	[hbm4b:s7+s5] =	stream.linear.scatter @!p2 [tilespmem:s6], [sflag:$0x7], $0x80, $0x38;
	[tilespmem:$0x1E678] =	vst v63  }
0x351: {  	s4 =	sshrl.u32 s4, $0x2  }
.LBB2_59:
0x352: {  	s0 =	simm.s32 $0x7  }
0x353: {  	_ =	swait.ge [sflag:s0], s4  }
0x354: {  	s1 =	ssub.s32 $0x0, s4;
	[sflag:s0] =	ssyncset.done $0x0  }
0x355: {  	[sflag:s0] =	ssyncadd.s32 s1  }
0x356: {  	[sflag:s0] =	ssyncpa.u1 $0x1  }
.LBB2_60:
0x357: {  	_ =	sfence;
	s0 =	simm.s32 $0x1  }
0x358: {  	[sflag:s0] =	ssyncpa.u1 $0x1  }
0x359: {  	_ =	strace $0x90000053  }
0x35a: {  	[bflag:$0x2] =	sbarrier.arrive $0xFFFF  }
0x35b: {  	s0 =	rddreg [dreg:$0x3]  }
0x35c: {  	s0 =	sadd.s32 @!p0 $0x100000, s0  }
0x35d: {  	[sflag:s0] =	ssyncadd.tile.s32 @!p0 $0x1;
	_ =	shalt  }
.Lfunc_end2:
_tile_overlayer_lowered:
.L_overlay_start_2:
0x35e: {  	(tag) =	ssettag $0x2  }
0x35f: {  	s0 =	rddreg [dreg:$0x0];
	s2 =	stileid.u32  }
0x360: {  	s1 =	rddreg [dreg:$0x1];
	p0 =	sne.s32 s2, $0x0  }
0x361: {  	s3 =	rddreg [dreg:$0x2];
	[bflag:$0x3] =	sbarrier.arrive $0xFFFF;
	s2 =	simm.s32 @!p0 $0x1C01  }
0x362: {  	[timem:s3], [sflag:s2] =	dma.local @!p0 [hbm:s0], s1  }
0x363: {  	s0 =	simm.s32 @!p0 $0x1  }
0x364: {  	_ =	swait.ge @!p0 [sflag:s0], s1  }
0x365: {  	s1 =	ssub.s32 @!p0 $0x0, s1;
	[sflag:s0] =	ssyncset.done @!p0 $0x0  }
0x366: {  	[sflag:s0] =	ssyncadd.s32 @!p0 s1  }
0x367: {  	[bflag:$0x3] =	sbarrier.arrive $0xFFFF  }
0x368: {  	_ =	shalt  }

// kernel: scatter_offload_async_start
scs
__scs_entry_jumppad:
0x0: {  	(pc) =	sbr.rel $0x88, $3  }
0x1: {  	(tag) =	ssettag $0x0;
	lr =	simm.s32 $0x1  }
0x2: {  	[smem:$0x3F95] =	sst lr;
	_ =	strace $0xD0000000  }
0x3: {  	_ = 	snop  }
0x4: {  	_ = 	snop  }
0x5: {  	_ = 	snop  }
0x6: {  	_ = 	snop  }
0x7: {  	_ = 	snop  }
__scs_overlays_trampoline_lowered:
0x8: {  	[smem:$0x3FA4] =	sst s0  }
0x9: {  	[smem:$0x3FA5] =	sst s1  }
0xa: {  	[smem:$0x3FA6] =	sst s2  }
0xb: {  	[smem:$0x3FA7] =	sst s3  }
0xc: {  	[smem:$0x3FA8] =	sst s4  }
0xd: {  	[smem:$0x3FA9] =	sst s5  }
0xe: {  	[smem:$0x3FAA] =	sst s6  }
0xf: {  	[smem:$0x3FAB] =	sst s7  }
0x10: {  	[smem:$0x3FAC] =	sst s8  }
0x11: {  	[smem:$0x3FAD] =	sst s9;
	s0 =	simm.s32 @!p0 $0x0  }
0x12: {  	s1 =	sld [smem:$0x3F93];
	s0 =	simm.s32 @p0 $0x1  }
0x13: {  	[smem:$0x3FAE] =	sst s0;
	s0 =	simm.s32 @!p1 $0x0  }
0x14: {  	s2 =	sld [smem:$0x3F92];
	s0 =	simm.s32 @p1 $0x1  }
0x15: {  	[smem:$0x3FAF] =	sst s0;
	s0 =	simm.s32 @!p2 $0x0  }
0x16: {  	s3 =	sld [smem:$0x3FDB];
	s0 =	simm.s32 @p2 $0x1  }
0x17: {  	s4 =	simm.s32 $0x1BF5;
	[smem:$0x3FB1] =	sst s0  }
0x18: {  	s0 =	sld [smem:$0x3F94];
	_ =	swait.ge [sflag:s4], $0x0  }
0x19: {  	s7 =	sld [smem:$0x3F95]  }
0x1a: {  	s8 =	sadd.s32 $0xFFFFE003, lr  }
0x1b: {  	s9 =	sadd.s32 $0xFFFFFEF7, lr;
	s5 =	simm.s32 $0xFFFFFFFF;
	p2 =	slt.u32 s8, $0xFFFFF086  }
0x1c: {  	p1 =	slt.u32 s9, $0xF7A;
	s5 =	simm.s32 @!p2 $0x0  }
0x1d: {  	s5 =	simm.s32 @p1 $0x1;
	p0 =	seq.s32 s7, s2  }
0x1e: {  	s7 =	smul.u32 @!p0 $0xF7A, s2;
	p2 =	seq.s32 @!p0 s5, $0x0  }
0x1f: {  	s9 =	smul.u32 $0xF7A, s1;
	s8 =	simm.s32 @!p0 $0x1BF5;
	p2 =	por !p2, p0  }
0x20: {  	[sflag:s8] =	ssyncset.s32 @!p0 $0xFFFFF086;
	s6 =	sadd.s32 @!p0 s3, s7;
	s7 =	simm.s32 @!p0 $0x108  }
0x21: {  	s3 =	sadd.s32 s3, s9;
	s6 =	sadd.s32 @!p0 $0x88, s6;
	s7 =	simm.s32 @p2 $0x1082  }
0x22: {  	[simem:s7], [sflag:s8] =	dma.local @!p0 [hbm:s6], $0xF7A  }
0x23: {  	s9 =	sor.u32 $0xD0000000, s2;
	s6 =	simm.s32 $0x108;
	_ =	swait.ge @!p0 [sflag:s8], $0x0  }
0x24: {  	s3 =	sadd.s32 $0x88, s3;
	s6 =	simm.s32 @!p1 $0x1082;
	[sflag:s4] =	ssyncset.s32 $0xFFFFF086  }
0x25: {  	[simem:s6], [sflag:s4] =	dma.local [hbm:s3], $0xF7A  }
0x26: {  	[smem:$0x3F95] =	sst s1;
	(tag) =	ssettag s2;
	_ =	strace s9  }
0x27: {  	s1 =	sld [smem:$0x3FA5]  }
0x28: {  	s2 =	sld [smem:$0x3FA6]  }
0x29: {  	s4 =	sld [smem:$0x3FA8]  }
0x2a: {  	p0 =	seq.s32 s5, $0x0;
	s5 =	sld [smem:$0x3FA9]  }
0x2b: {  	s6 =	sld [smem:$0x3FAA]  }
0x2c: {  	s7 =	sld [smem:$0x3FAB]  }
0x2d: {  	s3 =	simm.s32 $0x108;
	s8 =	sld [smem:$0x3FAC]  }
0x2e: {  	s3 =	simm.s32 @!p0 $0x1082;
	s9 =	sld [smem:$0x3FAD]  }
0x2f: {  	lr =	sadd.s32 s0, s3;
	s0 =	sld [smem:$0x3FA4]  }
0x30: {  	s3 =	sld [smem:$0x3FA7]  }
0x31: {  	[smem:$0x3FB0] =	sst s10  }
0x32: {  	s10 =	sld [smem:$0x3FAE];
	_ =	sdelay $0x3  }
0x33: {  	p0 =	seq.s32 s10, $0x1;
	s10 =	sld [smem:$0x3FB0];
	_ =	sdelay $0x3  }
0x34: {  	[smem:$0x3FB0] =	sst s10  }
0x35: {  	s10 =	sld [smem:$0x3FAF];
	_ =	sdelay $0x3  }
0x36: {  	p1 =	seq.s32 s10, $0x1;
	s10 =	sld [smem:$0x3FB0];
	_ =	sdelay $0x3  }
0x37: {  	[smem:$0x3FB0] =	sst s10  }
0x38: {  	s10 =	sld [smem:$0x3FB1]  }
0x39: {  	_ = 	snop;
	(pc) =	sbr.ind lr, $3  }
0x3a: {  	_ = 	snop  }
0x3b: {  	_ = 	snop  }
0x3c: {  	p2 =	seq.s32 s10, $0x1;
	s10 =	sld [smem:$0x3FB0]  }
0x3d: {  	_ =	shalt  }
0x3e: {  	_ =	shalt  }
0x3f: {  	_ =	shalt  }
0x40: {  	_ =	shalt  }
0x41: {  	_ =	shalt  }
0x42: {  	_ =	shalt  }
0x43: {  	_ =	shalt  }
0x44: {  	_ =	shalt  }
0x45: {  	_ =	shalt  }
0x46: {  	_ =	shalt  }
0x47: {  	_ =	shalt  }
0x48: {  	_ =	shalt  }
0x49: {  	_ =	shalt  }
0x4a: {  	_ =	shalt  }
0x4b: {  	_ =	shalt  }
0x4c: {  	_ =	shalt  }
0x4d: {  	_ =	shalt  }
0x4e: {  	_ =	shalt  }
0x4f: {  	_ =	shalt  }
0x50: {  	_ =	shalt  }
0x51: {  	_ =	shalt  }
0x52: {  	_ =	shalt  }
0x53: {  	_ =	shalt  }
0x54: {  	_ =	shalt  }
0x55: {  	_ =	shalt  }
0x56: {  	_ =	shalt  }
0x57: {  	_ =	shalt  }
0x58: {  	_ =	shalt  }
0x59: {  	_ =	shalt  }
0x5a: {  	_ =	shalt  }
0x5b: {  	_ =	shalt  }
0x5c: {  	_ =	shalt  }
0x5d: {  	_ =	shalt  }
0x5e: {  	_ =	shalt  }
0x5f: {  	_ =	shalt  }
0x60: {  	_ =	shalt  }
0x61: {  	_ =	shalt  }
0x62: {  	_ =	shalt  }
0x63: {  	_ =	shalt  }
0x64: {  	_ =	shalt  }
0x65: {  	_ =	shalt  }
0x66: {  	_ =	shalt  }
0x67: {  	_ =	shalt  }
0x68: {  	_ =	shalt  }
0x69: {  	_ =	shalt  }
0x6a: {  	_ =	shalt  }
0x6b: {  	_ =	shalt  }
0x6c: {  	_ =	shalt  }
0x6d: {  	_ =	shalt  }
0x6e: {  	_ =	shalt  }
0x6f: {  	_ =	shalt  }
0x70: {  	_ =	shalt  }
0x71: {  	_ =	shalt  }
0x72: {  	_ =	shalt  }
0x73: {  	_ =	shalt  }
0x74: {  	_ =	shalt  }
0x75: {  	_ =	shalt  }
0x76: {  	_ =	shalt  }
0x77: {  	_ =	shalt  }
0x78: {  	_ =	shalt  }
0x79: {  	_ =	shalt  }
0x7a: {  	_ =	shalt  }
0x7b: {  	_ =	shalt  }
0x7c: {  	_ =	shalt  }
0x7d: {  	_ =	shalt  }
0x7e: {  	_ =	shalt  }
0x7f: {  	_ =	shalt  }
0x80: {  	_ =	shalt  }
0x81: {  	_ =	shalt  }
0x82: {  	_ =	shalt  }
0x83: {  	_ =	shalt  }
0x84: {  	_ =	shalt  }
0x85: {  	_ =	shalt  }
0x86: {  	_ =	shalt  }
0x87: {  	_ =	shalt  }
.Lfunc_end0:
.L_simem_size_0:
called_computation_lowered:
.L_overlay_start_0:
0x88: {  	s2 =	sld [smem:$0x3FD9]  }
0x89: {  	s3 =	sld [smem:$0x3FFE];
	_ =	sdelay $0x1  }
0x8a: {  	s1 =	srdreg.scid  }
0x8b: {  	s0 =	sand.u32 $0x1, s1  }
0x8c: {  	s17 =	sshll.u32 s0, $0xA;
	s2 =	sadd.s32 s3, s2  }
0x8d: {  	s2 =	sadd.s32 s2, s17  }
0x8e: {  	[smem:$0x3FBC] =	sst s2  }
0x8f: {  	_ = 	snop  }
0x90: {  	s18 =	sld [smem:$0x3FD0];
	(tm) =	ssettm $0x1  }
0x91: {  	s19 =	sld [smem:$0x3FFB];
	_ =	sdelay $0x3  }
0x92: {  	_ =	strace s19  }
0x93: {  	s2 =	sld [smem:$0x3FFC];
	_ =	sdelay $0x3  }
0x94: {  	_ =	strace s2  }
0x95: {  	s2 =	sld [smem:$0x3FFD];
	_ =	sdelay $0x3  }
0x96: {  	_ =	strace s2  }
0x97: {  	_ =	strace $0x8FFFFFFF  }
0x98: {  	s20 =	sld [smem:$0x3FDB];
	_ =	sdelay $0x1  }
0x99: {  	s4 =	simm.s32 $_scs_section_size  }
0x9a: {  	s5 =	simm.s32 $_size__tile_overlayer_lowered;
	s6 =	simm.s32 $_tile_overlayer_lowered  }
0x9b: {  	s7 =	simm.s32 $0x1BFF;
	s21 =	sshll.u32 s6, $0x1;
	s4 =	sadd.s32 s4, s20  }
0x9c: {  	s22 =	simm.s32 $0x0;
	s5 =	sshll.u32 s5, $0x1;
	s6 =	sadd.s32 s21, s4  }
0x9d: {  	[timem:s22], [sflag:s7] =	dma.local [hbm:s6], s5  }
0x9e: {  	_ =	swait.ge [sflag:s7], s5  }
0x9f: {  	s5 =	ssub.s32 $0x0, s5;
	[sflag:s7] =	ssyncset.done $0x0  }
0xa0: {  	[sflag:s7] =	ssyncadd.s32 s5;
	_ =	sdelay $0x1  }
0xa1: {  	s23 =	simm.s32 $0x1B8B  }
0xa2: {  	_ =	swait.ge [sflag:s23], $0x1  }
0xa3: {  	[sflag:s23] =	ssyncset.done $0x0  }
0xa4: {  	[sflag:s23] =	ssyncadd.s32 $0xFFFFFFFF  }
0xa5: {  	s5 =	sld [smem:$0x0]  }
0xa6: {  	s6 =	sand.u32 $0xFFFFFFFE, s1  }
0xa7: {  	p0 =	sne.s32 s1, s6  }
0xa8: {  	s6 =	sshll.u32 @p0 s6, $0xE  }
0xa9: {  	s6 =	sadd.s32 @p0 $0x11B8D, s6;
	s7 =	sshll.u32 @p0 s5, $0x11  }
0xaa: {  	s6 =	sor.u32 @p0 s7, s6  }
0xab: {  	[sflag:s6] =	ssyncadd.remote.s32 @p0 $0x1;
	_ =	sdelay $0x1  }
0xac: {  	s6 =	simm.s32 @p0 $0x1B8D  }
0xad: {  	_ =	swait.eq @p0 [sflag:s6], $0x1  }
0xae: {  	[sflag:s6] =	ssyncadd.s32 @p0 $0xFFFFFFFF  }
0xaf: {  	s7 =	sshll.u32 @!p0 s1, $0xE  }
0xb0: {  	s7 =	sor.u32 @!p0 $0x4000, s7;
	s6 =	simm.s32 @!p0 $0x1B8D  }
0xb1: {  	s8 =	sshll.u32 @!p0 s5, $0x11;
	s7 =	sadd.s32 @!p0 $0x11B8D, s7;
	_ =	swait.eq @!p0 [sflag:s6], $0x1  }
0xb2: {  	[sflag:s6] =	ssyncadd.s32 @!p0 $0xFFFFFFFF;
	s6 =	sor.u32 @!p0 s8, s7  }
0xb3: {  	s25 =	simm.s32 $0x1B8E;
	s24 =	sld [smem:$0x3FFE];
	[sflag:s6] =	ssyncadd.remote.s32 @!p0 $0x1  }
0xb4: {  	s26 =	simm.s32 $execute0_lowered;
	[smem:$0x3FD2] =	sst s25  }
0xb5: {  	s7 =	sshll.u32 s26, $0x1;
	_ =	strace $0x8000004F;
	[dreg:$0x1] =	wrdreg $0xFFFFFFFF  }
0xb6: {  	s28 =	simm.s32 $_size_execute0_lowered;
	s4 =	sadd.s32 s4, s7;
	[dreg:$0x0] =	wrdreg $0x0  }
0xb7: {  	s7 =	sshll.u32 s28, $0x1;
	[dreg:$0x2] =	wrdreg s4  }
0xb8: {  	[dreg:$0x3] =	wrdreg s7  }
0xb9: {  	[dreg:$0x4] =	wrdreg $0xC0  }
0xba: {  	_ =	task [dreg:s22], $0x5FFFF  }
0xbb: {  	[dreg:$0x1] =	wrdreg $0xFFFFFFFF  }
0xbc: {  	[dreg:$0x0] =	wrdreg $0x60  }
0xbd: {  	[dreg:$0x2] =	wrdreg s18  }
0xbe: {  	[dreg:$0x3] =	wrdreg s24  }
0xbf: {  	[dreg:$0x4] =	wrdreg s1  }
0xc0: {  	[dreg:$0x5] =	wrdreg s5  }
0xc1: {  	[dreg:$0x6] =	wrdreg $0x9  }
0xc2: {  	_ =	task.clear_ibuf [dreg:s22], $0x7FFFF;
	_ =	strace $0x9000004F  }
0xc3: {  	s29 =	simm.s32 $0x9;
	_ =	strace $0x80000051  }
0xc4: {  	_ =	swait.ge [sflag:s29], $0x1  }
0xc5: {  	[sflag:s29] =	ssyncadd.s32 $0xFFFFFFFF  }
0xc6: {  	_ =	strace $0x90000051  }
0xc7: {  	_ =	sfence  }
0xc8: {  	s30 =	sld [smem:$0x0];
	_ =	sdelay $0x2  }
0xc9: {  	s31 =	sshll.u32 s1, $0xD;
	s1 =	sshrl.u32 s1, $0x2  }
0xca: {  	s4 =	sand.u32 $0x4000, s31;
	s1 =	sadd.s32 s1, s30  }
0xcb: {  	s0 =	sor.u32 s4, s0;
	s1 =	sshll.u32 s1, $0x11  }
0xcc: {  	s0 =	sor.u32 s1, s0  }
0xcd: {  	s0 =	sadd.s32 $0x8F2B, s0  }
0xce: {  	[sflag:s0] =	ssyncadd.remote.s32 $0x1  }
0xcf: {  	_ =	sfence.sel $0xFFFF  }
0xd0: {  	[dreg:$0x0] =	wrdreg $0xFFFFFFFF;
	(pc) =	sbr.abs _section_cstart, $3  }
0xd1: {  	[dreg:$0x1] =	wrdreg $0xFFFFFFFF  }
0xd2: {  	_ =	task.clear_ibuf [dreg:s22], $0x2FFFF;
	_ =	strace $0x9FFFFFFF  }
0xd3: {  	(tm) =	ssettm $0x7FFFFFFF  }
tec
execute0_lowered:
.L_overlay_start_1:
0x0: {  	(tag) =	ssettag $0x1  }
0x1: {  	s1 =	rddreg [dreg:$0x0]  }
0x2: {  	s2 =	rddreg [dreg:$0x1]  }
0x3: {  	s4 =	rddreg [dreg:$0x2];
	_ =	strace $0x80000050;
	s0 =	simm.s32 $0x1  }
0x4: {  	s3 =	simm.s32 $0x88;
	v0 =	vimm.s32 $0x0;
	[sflag:s0] =	ssyncpa.u1 $0x0  }
0x5: {  	[tilespmem:s3+$0x30] =	vst v0  }
0x6: {  	s0 =	sadd.s32 $0x25000, s2;
	s6 =	sadd.s32 $0xE11C00, s2;
	[tilespmem:s3+$0x20] =	vst v0  }
0x7: {  	s2 =	sadd.s32 $0x3D800, s2;
	s7 =	sand.u32 $0x1, s4;
	s4 =	simm.s32 $0x40;
	[tilespmem:s3+$0x10] =	vst v0  }
.LBB2_1:
0x8: {  	s4 =	sadd.s32 $0x40, s4  }
0x9: {  	[tilespmem:s3+$0x0] =	vst v0;
	s3 =	sadd.s32 $0x40, s3;
	p0 =	slt.u32 s4, $0x5040  }
.Ltmp0:
0xa: {  	(pc) =	sbr.rel @p0 .LBB2_1-.Ltmp0, $4  }
0xb: {  	_ = 	snop  }
0xc: {  	[tilespmem:s3+$0x30] =	vst v0  }
0xd: {  	[tilespmem:s3+$0x20] =	vst v0  }
0xe: {  	[tilespmem:s3+$0x10] =	vst v0  }
0xf: {  	s8 =	stileid.u32  }
0x10: {  	s4 =	smul.u32 $0x4E, s8  }
0x11: {  	s5 =	smin.u32 s8, $0x2  }
0x12: {  	s4 =	sadd.s32 s5, s4  }
0x13: {  	p0 =	slt.u32 s8, $0x2;
	s12 =	smul.u32 $0x140, s4;
	s4 =	simm.s32 $0x62C0  }
0x14: {  	s4 =	simm.s32 @!p0 $0x6180  }
0x15: {  	s25 =	simm.s32 $0x2;
	s4 =	sadd.s32 s4, s12  }
0x16: {  	s28 =	simm.s32 $0x9;
	s9 =	simm.s32 $0xA;
	s14 =	smin.u32 s4, $0x61A80  }
0x17: {  	s30 =	simm.s32 $0xB;
	[dreg:$0x5] =	wrdreg s7;
	s4 =	ssub.s32 s14, s12  }
0x18: {  	s31 =	smul.u32 $0xC350, s7;
	s13 =	simm.s32 $0x1;
	p0 =	sgt.s32 s4, $0x0  }
0x19: {  	s19 =	simm.s32 $0x0;
	s20 =	simm.s32 $0xA808;
	s4 =	simm.s32 @!p0 $0x0  }
0x1a: {  	s21 =	simm.s32 $0xFFFFFFFF;
	p1 =	por $0x0, $0x0;
	s26 =	smulhi.u32 $0x66666667, s4  }
0x1b: {  	[tilespmem:s3+$0x0] =	vst v0;
	s23 =	simm.s32 $0x0;
	[sflag:s25] =	ssyncpa.u1 $0x0;
	s18 =	sshll.u32 s8, $0x7  }
0x1c: {  	s0 =	sadd.s32 s31, s0;
	[dreg:$0xb] =	wrdreg s18;
	s3 =	sshrl.u32 s26, $0x7  }
0x1d: {  	v0 =	vimm.s32 $0xFFFFFFFF;
	s17 =	sadd.s32 s31, s2;
	[dreg:$0xa] =	wrdreg s0;
	s29 =	smul.u32 $0x140, s3  }
0x1e: {  	s25 =	simm.s32 $0x0;
	[tilespmem:$0xA108] =	vst v0;
	[sflag:s28] =	ssyncpa.u1 $0x0;
	[dreg:$0x9] =	wrdreg s17  }
.Ltmp1:
0x1f: {  	p0 =	sne.s32 s4, s29;
	s4 =	simm.s32 $0x1;
	(pc) =	sbr.rel .LBB2_3-.Ltmp1, $4  }
0x20: {  	[sflag:s9] =	ssyncpa.u1 $0x0;
	[dreg:$0x6] =	wrdreg s12;
	s4 =	simm.s32 @!p0 $0x0  }
0x21: {  	[sflag:s30] =	ssyncpa.u1 $0x0;
	[dreg:$0x7] =	wrdreg s14;
	s15 =	sadd.s32 s4, s3  }
0x22: {  	s24 =	smov.u32 s12;
	s22 =	sadd.s32 $0x1, s15;
	[dreg:$0x8] =	wrdreg s15  }
0x23: {  	v0 =	vlaneseq.u32;
	s26 =	simm.s32 $0x0;
	p0 =	por $0x1, $0x1;
	[dreg:$0xc] =	wrdreg s22  }
.LBB2_22:
0x24: {  	s0 =	sshrl.u32 s3, $0x2  }
.LBB2_24:
0x25: {  	s3 =	simm.s32 $0xC  }
0x26: {  	_ =	swait.ge [sflag:s3], s0  }
0x27: {  	s31 =	ssub.s32 $0x0, s0;
	v1 =	vmov s4;
	vm0 =	veq.s32 v0, $0x0;
	[sflag:s3] =	ssyncset.done $0x0  }
0x28: {  	vm15 =	veq.s32 v0, $0x2;
	v1 =	vsel vm0, s2, v1;
	[sflag:s3] =	ssyncadd.s32 s31  }
0x29: {  	v1 =	vsel vm15, s26, v1;
	[sflag:s3] =	ssyncpa.u1 $0x1  }
0x2a: {  	[tilespmem:$0xA108] =	vst v1  }
.LBB2_25:
0x2b: {  	s0 =	sadd.s32 $0x140, s24  }
0x2c: {  	s2 =	smov.u32 s12;
	p2 =	slt.s32 s0, s14  }
0x2d: {  	s2 =	smov.u32 @p2 s0;
	p2 =	sne.s32 s25, s22  }
.Ltmp2:
0x2e: {  	_ = 	snop;
	(pc) =	sbr.rel @!p2 .LBB2_26-.Ltmp2, $4  }
0x2f: {  	_ = 	snop  }
0x30: {  	s26 =	smov.u32 s23;
	s31 =	sadd.s32 $0x1, s25;
	p0 =	por !p0, !p0  }
0x31: {  	s23 =	smov.u32 s24;
	s20 =	sadd.s32 $0x140, s20;
	s21 =	sadd.s32 $0x1, s21  }
0x32: {  	p1 =	por !p1, !p1;
	s25 =	smov.u32 s31;
	s24 =	smov.u32 s2  }
.LBB2_3:
0x33: {  	p2 =	sge.u32 s25, s15  }
0x34: {  	s0 =	smulhi.u32 @!p2 $0xAAAAAAAB, s25  }
0x35: {  	s2 =	smov.u32 s24;
	p3 =	sgt.s32 @!p2 s24, $0x61940  }
0x36: {  	s3 =	sshra.s32 @!p2 s24, $0x1F;
	p3 =	por !p3, p2;
	s0 =	sshrl.u32 @!p2 s0, $0x1  }
0x37: {  	s3 =	sand.u32 @!p2 s3, s24;
	s2 =	simm.s32 @p3 $0x61940;
	s0 =	smul.u32 @!p2 $0x3, s0  }
0x38: {  	s2 =	ssub.s32 @!p2 s2, s3  }
0x39: {  	s2 =	sadd.s32 @!p2 $0xFFF9E6C0, s2;
	s0 =	ssub.s32 @!p2 s25, s0  }
0x3a: {  	s3 =	sshll.u32 @!p2 s2, $0x2;
	p3 =	sgt.s32 @!p2 s2, $0x13F;
	s0 =	smul.u32 @!p2 $0x500, s0  }
0x3b: {  	s4 =	sand.u32 @!p2 $0x7, s24;
	s2 =	ssub.s32 @!p2 $0x500, s3;
	p3 =	por !p3, p2  }
0x3c: {  	s3 =	sshrl.u32 @!p2 s24, $0x3;
	s2 =	sshrl.u32 @!p2 s2, $0x2;
	s0 =	sshrl.u32 @!p2 s0, $0x2  }
0x3d: {  	s3 =	sadd.s32 @!p2 s3, s17;
	s2 =	simm.s32 @!p3 $0x0;
	s0 =	sadd.s32 @!p2 $0xA948, s0  }
0x3e: {  	[tilespmem:s0], [sflag:$0xA] =	stream.linear.gather @!p2 [hbm4b:s3+s4], s2, $0x38;
	[tilespmem:$0x1EF88] =	vst v63  }
0x3f: {  	s0 =	sadd.s32 $0xFFFFFFFF, s25  }
0x40: {  	p2 =	sge.u32 s0, s15  }
.Ltmp3:
0x41: {  	_ = 	snop;
	(pc) =	sbr.rel @p2 .LBB2_7-.Ltmp3, $1  }
0x42: {  	_ =	sdelay $0x3  }
0x43: {  	p2 =	sgt.s32 s23, $0x61940;
	s2 =	smov.u32 s23;
	s3 =	sshra.s32 s23, $0x1F  }
0x44: {  	s2 =	simm.s32 @!p2 $0x61940;
	s3 =	sand.u32 s3, s23  }
0x45: {  	s17 =	smulhi.u32 $0xAAAAAAAB, s21;
	s2 =	ssub.s32 s2, s3  }
0x46: {  	s0 =	sand.u32 $0x1, s0;
	s2 =	sadd.s32 $0xFFF9E6C0, s2  }
0x47: {  	s5 =	simm.s32 $0xA;
	s3 =	sshrl.u32 s17, $0x1;
	s4 =	sshll.u32 s2, $0x2  }
0x48: {  	s7 =	sshrl.u32 s23, $0x3;
	s3 =	smul.u32 $0xFFFFF100, s3;
	s4 =	ssub.s32 $0x500, s4  }
0x49: {  	s18 =	smul.u32 $0x500, s0;
	p2 =	sgt.s32 s2, $0x13F;
	s2 =	sshrl.u32 s4, $0x2  }
0x4a: {  	s9 =	sand.u32 $0x7, s23;
	s3 =	sshra.s32 s3, $0x2;
	s2 =	simm.s32 @p2 $0x0  }
0x4b: {  	s0 =	sadd.s32 s3, s20;
	s4 =	sshrl.u32 s18, $0x2;
	_ =	swait.ge [sflag:s5], s2  }
0x4c: {  	s22 =	ssub.s32 $0x0, s2;
	[sflag:s5] =	ssyncset.done $0x0;
	s8 =	rddreg [dreg:$0xa]  }
0x4d: {  	s4 =	sadd.s32 $0xAD08, s4;
	[sflag:s5] =	ssyncadd.s32 s22;
	s3 =	sadd.s32 s7, s8  }
0x4e: {  	[tilespmem:s4], [sflag:$0xB] =	stream.linear.gather [hbm4b:s3+s9], s2, $0x38;
	[tilespmem:$0x1EF88] =	vst v63  }
0x4f: {  	v1 =	vld.msk [tilespmem:s0+$0x0], $0xffff;
	_ =	sdelay $0x4  }
0x50: {  	v1 =	vshll.u32 v1, $0x4  }
0x51: {  	(v2sf) =	vpush v1, $0x0  }
0x52: {  	(v2sf) =	vpush v1, $0x1  }
0x53: {  	(v2sf) =	vpush v1, $0x2;
	_ =	sdelay $0x3  }
0x54: {  	(v2sf) =	vpush v1, $0x3;
	_ =	sdelay $0x1  }
0x55: {  	(v2sf) =	vpush v1, $0x4  }
0x56: {  	s2 =	simm.s32 $0x1;
	(v2sf) =	vpush v1, $0x5  }
0x57: {  	s2 =	simm.s32 @!p0 $0x0  }
0x58: {  	s2 =	smul.u32 $0x28000, s2;
	(v2sf) =	vpush v1, $0x6;
	_ =	sdelay $0x1  }
0x59: {  	s2 =	sshrl.u32 s2, $0x2  }
0x5a: {  	s28 =	sadd.s32 $0xB708, s2  }
0x5b: {  	s12 =	sadd.s32 $0xFFFFF880, s28;
	s17 =	sadd.s32 $0xFFFFF900, s28;
	s10 =	spop (v2sf);
	(v2sf) =	vpush v1, $0x7  }
0x5c: {  	s18 =	sadd.s32 $0xFFFFF980, s28;
	s11 =	sand.u32 $0x1FFFFFF0, s10;
	s14 =	spop (v2sf)  }
0x5d: {  	(v2sf) =	vpush v1, $0x8;
	s2 =	sadd.s32 s6, s11;
	s15 =	sand.u32 $0x1FFFFFF0, s14;
	s16 =	spop (v2sf)  }
0x5e: {  	[tilespmem:s12], [sflag:$0x9] =	stream.linear.gather [hbm4b:s2+s19], $0x40, $0x38;
	[tilespmem:$0x1EF88] =	vst v63  }
0x5f: {  	s5 =	sadd.s32 $0xFFFFFA00, s28;
	s2 =	sadd.s32 s6, s15;
	s3 =	sand.u32 $0x1FFFFFF0, s16  }
0x60: {  	(v2sf) =	vpush v1, $0x9;
	[tilespmem:s17], [sflag:$0x9] =	stream.linear.gather [hbm4b:s2+s19], $0x40, $0x38;
	[tilespmem:$0x1EF88] =	vst v63  }
0x61: {  	s7 =	sadd.s32 $0xFFFFFA80, s28;
	s22 =	spop (v2sf);
	s3 =	sadd.s32 s6, s3  }
0x62: {  	(v2sf) =	vpush v1, $0xA;
	[tilespmem:s18], [sflag:$0x9] =	stream.linear.gather [hbm4b:s3+s19], $0x40, $0x38;
	[tilespmem:$0x1EF88] =	vst v63  }
0x63: {  	s11 =	sadd.s32 $0xFFFFFB00, s28;
	s4 =	spop (v2sf);
	(v2sf) =	vpush v1, $0xB;
	s3 =	sand.u32 $0x1FFFFFF0, s22  }
0x64: {  	s8 =	spop (v2sf);
	s2 =	sadd.s32 s6, s3;
	s3 =	sand.u32 $0x1FFFFFF0, s4  }
0x65: {  	(v2sf) =	vpush v1, $0xC;
	[tilespmem:s5], [sflag:$0x9] =	stream.linear.gather [hbm4b:s2+s19], $0x40, $0x38;
	[tilespmem:$0x1EF88] =	vst v63  }
0x66: {  	s9 =	sand.u32 $0x1FFFFFF0, s8;
	s10 =	spop (v2sf);
	s3 =	sadd.s32 s6, s3  }
0x67: {  	(v2sf) =	vpush v1, $0xD;
	[tilespmem:s7], [sflag:$0x9] =	stream.linear.gather [hbm4b:s3+s19], $0x40, $0x38;
	[tilespmem:$0x1EF88] =	vst v63  }
0x68: {  	s12 =	sadd.s32 $0xFFFFFB80, s28;
	s2 =	sadd.s32 s6, s9;
	s3 =	sand.u32 $0x1FFFFFF0, s10  }
0x69: {  	[tilespmem:s11], [sflag:$0x9] =	stream.linear.gather [hbm4b:s2+s19], $0x40, $0x38;
	[tilespmem:$0x1EF88] =	vst v63  }
0x6a: {  	s17 =	sadd.s32 $0xFFFFFC00, s28;
	s3 =	sadd.s32 s6, s3;
	s14 =	spop (v2sf)  }
0x6b: {  	[tilespmem:s12], [sflag:$0x9] =	stream.linear.gather [hbm4b:s3+s19], $0x40, $0x38;
	(v2sf) =	vpush v1, $0xE;
	[tilespmem:$0x1EF88] =	vst v63  }
0x6c: {  	s18 =	sadd.s32 $0xFFFFFC80, s28;
	s15 =	sand.u32 $0x1FFFFFF0, s14;
	s16 =	spop (v2sf)  }
0x6d: {  	s5 =	sadd.s32 $0xFFFFFD00, s28;
	(v2sf) =	vpush v1, $0xF;
	s2 =	sadd.s32 s6, s15;
	s3 =	sand.u32 $0x1FFFFFF0, s16  }
0x6e: {  	[tilespmem:s17], [sflag:$0x9] =	stream.linear.gather [hbm4b:s2+s19], $0x40, $0x38;
	[tilespmem:$0x1EF88] =	vst v63  }
0x6f: {  	s7 =	sadd.s32 $0xFFFFFD80, s28;
	s22 =	spop (v2sf);
	s3 =	sadd.s32 s6, s3  }
0x70: {  	[tilespmem:s18], [sflag:$0x9] =	stream.linear.gather [hbm4b:s3+s19], $0x40, $0x38;
	[tilespmem:$0x1EF88] =	vst v63  }
0x71: {  	s11 =	sadd.s32 $0xFFFFFE00, s28;
	s4 =	spop (v2sf);
	s3 =	sand.u32 $0x1FFFFFF0, s22  }
0x72: {  	s8 =	spop (v2sf);
	s2 =	sadd.s32 s6, s3;
	s3 =	sand.u32 $0x1FFFFFF0, s4  }
0x73: {  	[tilespmem:s5], [sflag:$0x9] =	stream.linear.gather [hbm4b:s2+s19], $0x40, $0x38;
	[tilespmem:$0x1EF88] =	vst v63  }
0x74: {  	s9 =	sand.u32 $0x1FFFFFF0, s8;
	s10 =	spop (v2sf);
	s3 =	sadd.s32 s6, s3  }
0x75: {  	[tilespmem:s7], [sflag:$0x9] =	stream.linear.gather [hbm4b:s3+s19], $0x40, $0x38;
	[tilespmem:$0x1EF88] =	vst v63  }
0x76: {  	s14 =	spop (v2sf);
	s2 =	sadd.s32 s6, s9;
	s3 =	sand.u32 $0x1FFFFFF0, s10  }
0x77: {  	[tilespmem:s11], [sflag:$0x9] =	stream.linear.gather [hbm4b:s2+s19], $0x40, $0x38;
	[tilespmem:$0x1EF88] =	vst v63  }
0x78: {  	s12 =	sadd.s32 $0xFFFFFE80, s28;
	s15 =	sand.u32 $0x1FFFFFF0, s14;
	s3 =	sadd.s32 s6, s3  }
0x79: {  	[tilespmem:s12], [sflag:$0x9] =	stream.linear.gather [hbm4b:s3+s19], $0x40, $0x38;
	[tilespmem:$0x1EF88] =	vst v63  }
0x7a: {  	s17 =	sadd.s32 $0xFFFFFF00, s28;
	s2 =	sadd.s32 s6, s15;
	s16 =	spop (v2sf)  }
0x7b: {  	[tilespmem:s17], [sflag:$0x9] =	stream.linear.gather [hbm4b:s2+s19], $0x40, $0x38;
	[tilespmem:$0x1EF88] =	vst v63  }
0x7c: {  	s29 =	simm.s32 $0x0;
	s3 =	sand.u32 $0x1FFFFFF0, s16;
	s18 =	spop (v2sf)  }
0x7d: {  	s22 =	sadd.s32 $0xFFFFFF80, s28;
	s3 =	sadd.s32 s6, s3;
	s2 =	sand.u32 $0x1FFFFFF0, s18  }
0x7e: {  	[tilespmem:s22], [sflag:$0x9] =	stream.linear.gather [hbm4b:s3+s19], $0x40, $0x38;
	[tilespmem:$0x1EF88] =	vst v63  }
0x7f: {  	s31 =	sadd.s32 $0x10, s0;
	s30 =	sadd.s32 $0x800, s28;
	s2 =	sadd.s32 s6, s2  }
.LBB2_5:
0x80: {  	[tilespmem:s28], [sflag:$0x9] =	stream.linear.gather [hbm4b:s2+s19], $0x40, $0x38;
	[tilespmem:$0x1EF88] =	vst v63  }
0x81: {  	s29 =	sadd.s32 $0x10, s29;
	s28 =	smov.u32 s30  }
0x82: {  	p2 =	slt.u32 s29, $0x130;
	v1 =	vld.msk [tilespmem:s31+$0x0], $0xffff;
	_ =	sdelay $0x4  }
0x83: {  	v1 =	vshll.u32 v1, $0x4  }
0x84: {  	(v2sf) =	vpush v1, $0x0  }
0x85: {  	(v2sf) =	vpush v1, $0x1  }
0x86: {  	(v2sf) =	vpush v1, $0x2;
	_ =	sdelay $0x1  }
0x87: {  	(v2sf) =	vpush v1, $0x3;
	_ =	sdelay $0x1  }
0x88: {  	(v2sf) =	vpush v1, $0x4;
	_ =	sdelay $0x1  }
0x89: {  	(v2sf) =	vpush v1, $0x5;
	_ =	sdelay $0x1  }
0x8a: {  	(v2sf) =	vpush v1, $0x6  }
0x8b: {  	s4 =	sadd.s32 $0xFFFFFE80, s30;
	s0 =	sadd.s32 $0xFFFFFF00, s30  }
0x8c: {  	s3 =	sadd.s32 $0xFFFFFD00, s30;
	s2 =	sadd.s32 $0xFFFFFD80, s30;
	s5 =	sadd.s32 $0xFFFFFE00, s30;
	(v2sf) =	vpush v1, $0x7  }
0x8d: {  	s10 =	sadd.s32 $0xFFFFFB80, s30;
	s9 =	sadd.s32 $0xFFFFFC00, s30;
	s16 =	sadd.s32 $0xFFFFFC80, s30  }
0x8e: {  	s11 =	sadd.s32 $0xFFFFFA00, s30;
	s12 =	sadd.s32 $0xFFFFFA80, s30;
	s15 =	sadd.s32 $0xFFFFFB00, s30;
	(v2sf) =	vpush v1, $0x8  }
0x8f: {  	s18 =	sadd.s32 $0xFFFFF900, s30;
	s7 =	sadd.s32 $0xFFFFF980, s30;
	s22 =	spop (v2sf)  }
0x90: {  	s8 =	sadd.s32 $0xFFFFF880, s30;
	s22 =	sand.u32 $0x1FFFFFF0, s22;
	s14 =	spop (v2sf);
	(v2sf) =	vpush v1, $0x9  }
0x91: {  	s22 =	sadd.s32 s6, s22;
	s14 =	sand.u32 $0x1FFFFFF0, s14;
	s17 =	spop (v2sf)  }
0x92: {  	[tilespmem:s8], [sflag:$0x9] =	stream.linear.gather [hbm4b:s22+s19], $0x40, $0x38;
	(v2sf) =	vpush v1, $0xA;
	[tilespmem:$0x1EF88] =	vst v63  }
0x93: {  	s8 =	sadd.s32 s6, s14;
	s14 =	sand.u32 $0x1FFFFFF0, s17;
	s17 =	spop (v2sf)  }
0x94: {  	[tilespmem:s18], [sflag:$0x9] =	stream.linear.gather [hbm4b:s8+s19], $0x40, $0x38;
	(v2sf) =	vpush v1, $0xB;
	[tilespmem:$0x1EF88] =	vst v63  }
0x95: {  	s8 =	sadd.s32 s6, s14;
	s14 =	sand.u32 $0x1FFFFFF0, s17;
	s17 =	spop (v2sf)  }
0x96: {  	[tilespmem:s7], [sflag:$0x9] =	stream.linear.gather [hbm4b:s8+s19], $0x40, $0x38;
	(v2sf) =	vpush v1, $0xC;
	[tilespmem:$0x1EF88] =	vst v63  }
0x97: {  	s7 =	sadd.s32 s6, s14;
	s8 =	sand.u32 $0x1FFFFFF0, s17;
	s14 =	spop (v2sf)  }
0x98: {  	[tilespmem:s11], [sflag:$0x9] =	stream.linear.gather [hbm4b:s7+s19], $0x40, $0x38;
	(v2sf) =	vpush v1, $0xD;
	[tilespmem:$0x1EF88] =	vst v63  }
0x99: {  	s7 =	sadd.s32 s6, s8;
	s8 =	sand.u32 $0x1FFFFFF0, s14;
	s11 =	spop (v2sf)  }
0x9a: {  	[tilespmem:s12], [sflag:$0x9] =	stream.linear.gather [hbm4b:s7+s19], $0x40, $0x38;
	(v2sf) =	vpush v1, $0xE;
	[tilespmem:$0x1EF88] =	vst v63  }
0x9b: {  	s7 =	sadd.s32 s6, s8;
	s8 =	sand.u32 $0x1FFFFFF0, s11;
	s11 =	spop (v2sf)  }
0x9c: {  	[tilespmem:s15], [sflag:$0x9] =	stream.linear.gather [hbm4b:s7+s19], $0x40, $0x38;
	(v2sf) =	vpush v1, $0xF;
	[tilespmem:$0x1EF88] =	vst v63  }
0x9d: {  	s7 =	sadd.s32 s6, s8;
	s8 =	sand.u32 $0x1FFFFFF0, s11;
	s11 =	spop (v2sf)  }
0x9e: {  	[tilespmem:s10], [sflag:$0x9] =	stream.linear.gather [hbm4b:s7+s19], $0x40, $0x38;
	[tilespmem:$0x1EF88] =	vst v63  }
0x9f: {  	s7 =	sadd.s32 s6, s8;
	s8 =	sand.u32 $0x1FFFFFF0, s11;
	s10 =	spop (v2sf)  }
0xa0: {  	[tilespmem:s9], [sflag:$0x9] =	stream.linear.gather [hbm4b:s7+s19], $0x40, $0x38;
	[tilespmem:$0x1EF88] =	vst v63  }
0xa1: {  	s7 =	sadd.s32 s6, s8;
	s8 =	sand.u32 $0x1FFFFFF0, s10;
	s9 =	spop (v2sf)  }
0xa2: {  	[tilespmem:s16], [sflag:$0x9] =	stream.linear.gather [hbm4b:s7+s19], $0x40, $0x38;
	[tilespmem:$0x1EF88] =	vst v63  }
0xa3: {  	s7 =	sadd.s32 s6, s8;
	s8 =	sand.u32 $0x1FFFFFF0, s9;
	s9 =	spop (v2sf)  }
0xa4: {  	[tilespmem:s3], [sflag:$0x9] =	stream.linear.gather [hbm4b:s7+s19], $0x40, $0x38;
	[tilespmem:$0x1EF88] =	vst v63  }
0xa5: {  	s3 =	sadd.s32 s6, s8;
	s7 =	sand.u32 $0x1FFFFFF0, s9;
	s8 =	spop (v2sf)  }
0xa6: {  	[tilespmem:s2], [sflag:$0x9] =	stream.linear.gather [hbm4b:s3+s19], $0x40, $0x38;
	[tilespmem:$0x1EF88] =	vst v63  }
0xa7: {  	s2 =	sadd.s32 s6, s7;
	s3 =	sand.u32 $0x1FFFFFF0, s8;
	s7 =	spop (v2sf)  }
0xa8: {  	[tilespmem:s5], [sflag:$0x9] =	stream.linear.gather [hbm4b:s2+s19], $0x40, $0x38;
	[tilespmem:$0x1EF88] =	vst v63  }
0xa9: {  	s2 =	sadd.s32 s6, s3;
	s3 =	sand.u32 $0x1FFFFFF0, s7;
	s5 =	spop (v2sf)  }
0xaa: {  	[tilespmem:s4], [sflag:$0x9] =	stream.linear.gather [hbm4b:s2+s19], $0x40, $0x38;
	[tilespmem:$0x1EF88] =	vst v63  }
0xab: {  	s2 =	sadd.s32 s6, s3  }
.Ltmp4:
0xac: {  	s3 =	sand.u32 $0x1FFFFFF0, s5;
	s4 =	spop (v2sf);
	(pc) =	sbr.rel @p2 .LBB2_5-.Ltmp4, $4  }
0xad: {  	[tilespmem:s0], [sflag:$0x9] =	stream.linear.gather [hbm4b:s2+s19], $0x40, $0x38;
	[tilespmem:$0x1EF88] =	vst v63  }
0xae: {  	s0 =	sadd.s32 s6, s3;
	s2 =	sadd.s32 $0xFFFFFF80, s30;
	s3 =	sand.u32 $0x1FFFFFF0, s4  }
0xaf: {  	[tilespmem:s2], [sflag:$0x9] =	stream.linear.gather [hbm4b:s0+s19], $0x40, $0x38;
	[tilespmem:$0x1EF88] =	vst v63  }
0xb0: {  	s31 =	sadd.s32 $0x10, s31;
	s30 =	sadd.s32 $0x800, s30;
	s2 =	sadd.s32 s6, s3  }
0xb1: {  	[tilespmem:s28], [sflag:$0x9] =	stream.linear.gather [hbm4b:s2+s19], $0x40, $0x38;
	[tilespmem:$0x1EF88] =	vst v63  }
0xb2: {  	s12 =	rddreg [dreg:$0x6]  }
0xb3: {  	s14 =	rddreg [dreg:$0x7]  }
0xb4: {  	s15 =	rddreg [dreg:$0x8]  }
0xb5: {  	s17 =	rddreg [dreg:$0x9]  }
0xb6: {  	s18 =	rddreg [dreg:$0xb]  }
0xb7: {  	s22 =	rddreg [dreg:$0xc]  }
.LBB2_7:
0xb8: {  	p2 =	slt.u32 s25, $0x2  }
.Ltmp5:
0xb9: {  	_ = 	snop;
	(pc) =	sbr.rel @p2 .LBB2_25-.Ltmp5, $1  }
0xba: {  	_ =	sdelay $0x3  }
0xbb: {  	p2 =	sgt.s32 s26, $0x61940;
	s0 =	smov.u32 s26;
	s2 =	sshra.s32 s26, $0x1F  }
0xbc: {  	s0 =	simm.s32 @!p2 $0x61940;
	s2 =	sand.u32 s2, s26  }
0xbd: {  	s0 =	ssub.s32 s0, s2  }
0xbe: {  	s0 =	sadd.s32 $0xFFF9E6C0, s0  }
0xbf: {  	s3 =	simm.s32 $0x9;
	s29 =	sshll.u32 s0, $0x2  }
0xc0: {  	_ =	swait.ge [sflag:s3], $0x5000;
	s2 =	ssub.s32 $0x500, s29  }
0xc1: {  	[sflag:s3] =	ssyncset.done $0x0;
	p2 =	sgt.s32 s0, $0x13F;
	s0 =	sshrl.u32 s2, $0x2  }
0xc2: {  	s30 =	simm.s32 $0xB;
	[sflag:s3] =	ssyncadd.s32 $0xFFFFB000;
	s0 =	simm.s32 @p2 $0x0  }
0xc3: {  	_ =	swait.ge [sflag:s30], s0  }
0xc4: {  	s0 =	ssub.s32 $0x0, s0;
	[sflag:s30] =	ssyncset.done $0x0  }
0xc5: {  	[sflag:s30] =	ssyncadd.s32 s0  }
0xc6: {  	v1 =	vld [tilespmem:$0xA108];
	_ =	sdelay $0x4  }
0xc7: {  	(v2sf) =	vpush v1, $0x0  }
0xc8: {  	(v2sf) =	vpush v1, $0x1  }
0xc9: {  	(v2sf) =	vpush v1, $0x2;
	_ =	sdelay $0x3  }
0xca: {  	s0 =	sadd.s32 $0x140, s26  }
0xcb: {  	s4 =	ssub.s32 $0xC3500, s26;
	p2 =	slt.s32 s14, s0  }
0xcc: {  	s0 =	smov.u32 @p2 s14;
	p2 =	sgt.s32 s4, $0x0  }
0xcd: {  	s0 =	ssub.s32 s0, s26;
	s4 =	simm.s32 @!p2 $0x0  }
0xce: {  	p2 =	slt.s32 s4, s0  }
0xcf: {  	s0 =	smov.u32 @p2 s4  }
0xd0: {  	s2 =	simm.s32 $0x1;
	p2 =	slt.s32 s0, $0x1  }
.Ltmp6:
0xd1: {  	s2 =	simm.s32 @!p1 $0x0;
	(pc) =	sbr.rel @p2 .LBB2_12-.Ltmp6, $4  }
0xd2: {  	s7 =	smul.u32 $0x500, s2  }
0xd3: {  	s3 =	spop (v2sf)  }
0xd4: {  	s31 =	sshrl.u32 s7, $0x2;
	s5 =	spop (v2sf)  }
0xd5: {  	s28 =	sadd.s32 $0xAD08, s31;
	s26 =	spop (v2sf)  }
0xd6: {  	s4 =	smin.u32 s0, $0x10  }
0xd7: {  	v1 =	vmov s4  }
0xd8: {  	p3 =	sgt.s32 s0, $0x10;
	vm1 =	vgt.u32 v1, v0  }
.Ltmp7:
0xd9: {  	_ = 	snop;
	(pc) =	sbr.rel @!p3 .LBB2_11-.Ltmp7, $2  }
0xda: {  	_ =	sdelay $0x2  }
0xdb: {  	s9 =	simm.s32 $0x10;
	s10 =	sadd.s32 $0xFFFFFFF0, s0;
	s4 =	smov.u32 s28;
	vm0 =	vmmov vm1  }
.LBB2_10:
0xdc: {  	s7 =	smin.u32 s10, $0x10;
	s9 =	sadd.s32 $0x10, s9;
	v1 =	vld.msk [tilespmem:s4+$0x0 ss:$0x1], vm1  }
0xdd: {  	v2 =	vmov s7;
	p3 =	slt.s32 s9, s0  }
0xde: {  	vm1 =	vgt.u32 v2, v0  }
.Ltmp8:
0xdf: {  	(pc) =	sbr.rel @p3 .LBB2_10-.Ltmp8, $3  }
0xe0: {  	_ =	sdelay $0x1  }
0xe1: {  	v1 =	vshll.u32 v1, $0x4  }
0xe2: {  	s10 =	sadd.s32 $0xFFFFFFF0, s10;
	[tilespmem:s4+$0x0] =	vst.msk vm0, v1;
	s4 =	sadd.s32 $0x10, s4;
	vm0 =	vmmov vm1  }
.LBB2_11:
0xe3: {  	_ =	sdelay $0x4  }
0xe4: {  	v1 =	vld.msk [tilespmem:s4+$0x0 ss:$0x1], vm1;
	_ =	sdelay $0x4  }
0xe5: {  	v1 =	vshll.u32 v1, $0x4  }
0xe6: {  	[tilespmem:s4+$0x0] =	vst.msk vm0, v1  }
.LBB2_12:
0xe7: {  	s4 =	sand.u32 $0x1, s25  }
0xe8: {  	s4 =	smul.u32 $0x140, s4  }
0xe9: {  	p3 =	sne.s32 s5, $0xFFFFFFFF  }
0xea: {  	v1 =	vld.msk @!p3 [tilespmem:s4+$0xAD08], $0x1;
	_ =	sdelay $0x4  }
0xeb: {  	(v2sf) =	vpush @!p3 v1, $0x0;
	_ =	sdelay $0xc  }
.Ltmp9:
0xec: {  	_ = 	snop;
	(pc) =	sbr.rel @p2 .LBB2_23-.Ltmp9, $4  }
0xed: {  	_ = 	snop  }
0xee: {  	s29 =	spop @!p3 (v2sf)  }
0xef: {  	s31 =	simm.s32 $0xC;
	s26 =	simm.s32 @!p3 $0x0;
	s4 =	smov.u32 s29  }
0xf0: {  	[sflag:s31] =	ssyncpa.u1 $0x0;
	s29 =	smov.u32 @p3 s3;
	s4 =	smov.u32 @p3 s5  }
0xf1: {  	v1 =	vld.msk [tilespmem:s28+$0x0], $0x1;
	_ =	sdelay $0x4  }
0xf2: {  	(v2sf) =	vpush v1, $0x0;
	_ =	sdelay $0xe  }
0xf3: {  	s2 =	smul.u32 $0x28000, s2;
	s5 =	spop (v2sf)  }
0xf4: {  	s31 =	ssub.s32 $0x0, s0;
	p2 =	seq.s32 s29, s5  }
0xf5: {  	s3 =	smov.u32 s29;
	s2 =	sshrl.u32 s2, $0x2;
	p3 =	sgt.s32 @!p2 s29, $0x0  }
0xf6: {  	s30 =	sadd.s32 $0xAFA8, s2;
	s2 =	sadd.s32 $0x1, s31;
	p3 =	por !p3, p2  }
0xf7: {  	s3 =	simm.s32 @p3 $0x0;
	p3 =	seq.s32 s2, $0x0  }
.Ltmp10:
0xf8: {  	_ = 	snop;
	(pc) =	sbr.rel @p3 .LBB2_15-.Ltmp10, $4  }
0xf9: {  	_ = 	snop  }
0xfa: {  	s0 =	simm.s32 $0x0;
	s9 =	simm.s32 @!p2 $0x1;
	s3 =	smin.u32 @!p2 s3, $0xC34F8  }
0xfb: {  	s10 =	simm.s32 @!p2 $0x50C8;
	s9 =	smov.u32 @p2 s0;
	s7 =	sand.u32 @!p2 $0xFFFF8, s3  }
0xfc: {  	s16 =	sand.u32 @!p2 $0x7, s3;
	s3 =	sadd.s32 $0x1, s28;
	s11 =	sadd.s32 @!p2 s1, s7  }
.LBB2_14:
0xfd: {  	s7 =	smov.u32 s9  }
0xfe: {  	[tilespmem:s10], [sflag:$0x2] =	stream.linear.gather @!p2 [hbm4b:s11+s16], $0x40, $0x38;
	[tilespmem:$0x1EF88] =	vst v63  }
0xff: {  	s2 =	sadd.s32 $0x1, s2;
	s8 =	smov.u32 s5;
	v1 =	vld.msk [tilespmem:s3+$0x0], $0x1  }
0x100: {  	p3 =	seq.s32 s2, $0x0;
	_ =	sdelay $0x3  }
0x101: {  	(v2sf) =	vpush v1, $0x0;
	_ =	sdelay $0xe  }
0x102: {  	s5 =	spop (v2sf)  }
0x103: {  	p2 =	seq.s32 s8, s5  }
0x104: {  	p4 =	sgt.s32 @!p2 s8, $0x0;
	s10 =	sshll.u32 @!p2 s9, $0x8;
	s9 =	sadd.s32 @!p2 $0x1, s9  }
.Ltmp11:
0x105: {  	p4 =	por !p4, p2;
	s10 =	sshra.s32 @!p2 s10, $0x2;
	(pc) =	sbr.rel @!p3 .LBB2_14-.Ltmp11, $4  }
0x106: {  	s9 =	smov.u32 @p2 s7;
	s8 =	simm.s32 @p4 $0x0;
	s10 =	sadd.s32 @!p2 $0x50C8, s10  }
0x107: {  	s7 =	smin.u32 @!p2 s8, $0xC34F8  }
0x108: {  	s8 =	sand.u32 @!p2 $0xFFFF8, s7;
	s16 =	sand.u32 @!p2 $0x7, s7  }
0x109: {  	s3 =	sadd.s32 $0x1, s3;
	s11 =	sadd.s32 @!p2 s1, s8  }
.LBB2_15:
0x10a: {  	[tilespmem:s10], [sflag:$0x2] =	stream.linear.gather @!p2 [hbm4b:s11+s16], $0x40, $0x38;
	[tilespmem:$0x1EF88] =	vst v63  }
.Ltmp12:
0x10b: {  	s2 =	sshll.u32 s9, $0x6;
	(pc) =	sbr.rel .LBB2_16-.Ltmp12, $4  }
0x10c: {  	s3 =	simm.s32 $0x2;
	s2 =	sand.u32 $0x3FFFFFC0, s2  }
0x10d: {  	_ =	swait.ge [sflag:s3], s2  }
0x10e: {  	s2 =	ssub.s32 $0x0, s2;
	[sflag:s3] =	ssyncset.done $0x0  }
0x10f: {  	[sflag:s3] =	ssyncadd.s32 s2;
	s3 =	simm.s32 $0x0  }
.LBB2_17:
0x110: {  	v1 =	vld [tilespmem:s30+$0xFFFFFFE0];
	_ =	sdelay $0x4  }
0x111: {  	[tilespmem:s5+$0x88] =	vst.add.f32.msk $0xffff, v1  }
0x112: {  	v1 =	vld [tilespmem:s30+$0xFFFFFFF0];
	_ =	sdelay $0x4  }
0x113: {  	[tilespmem:s5+$0x98] =	vst.add.f32.msk $0xffff, v1  }
0x114: {  	v1 =	vld [tilespmem:s30+$0x0];
	_ =	sdelay $0x4  }
0x115: {  	[tilespmem:s5+$0xA8] =	vst.add.f32.msk $0xffff, v1  }
0x116: {  	v1 =	vld [tilespmem:s30+$0x10];
	_ =	sdelay $0x4  }
0x117: {  	[tilespmem:s5+$0xB8] =	vst.add.f32.msk $0xffff, v1  }
.LBB2_21:
0x118: {  	s31 =	sadd.s32 $0x1, s31  }
0x119: {  	p2 =	seq.s32 s31, $0x0  }
.Ltmp13:
0x11a: {  	_ = 	snop;
	(pc) =	sbr.rel @p2 .LBB2_22-.Ltmp13, $2  }
0x11b: {  	_ =	sdelay $0x2  }
0x11c: {  	s30 =	sadd.s32 $0x80, s30;
	s28 =	sadd.s32 $0x1, s28;
	s29 =	smov.u32 s2  }
.LBB2_16:
0x11d: {  	v1 =	vld.msk [tilespmem:s28+$0x0], $0x1;
	_ =	sdelay $0x4  }
0x11e: {  	(v2sf) =	vpush v1, $0x0;
	_ =	sdelay $0xe  }
0x11f: {  	s2 =	spop (v2sf)  }
0x120: {  	p2 =	sne.s32 s29, s2  }
.Ltmp14:
0x121: {  	_ = 	snop;
	(pc) =	sbr.rel @!p2 .LBB2_17-.Ltmp14, $3  }
0x122: {  	_ =	sdelay $0x1  }
0x123: {  	s5 =	sshll.u32 s26, $0x8  }
0x124: {  	s5 =	sshra.s32 s5, $0x2  }
0x125: {  	p2 =	seq.s32 s29, s4  }
.Ltmp15:
0x126: {  	_ = 	snop;
	(pc) =	sbr.rel @!p2 .LBB2_19-.Ltmp15, $1  }
0x127: {  	_ =	sdelay $0x3  }
.Ltmp16:
0x128: {  	s5 =	sadd.s32 $0x88, s5;
	(pc) =	sbr.rel .LBB2_20-.Ltmp16, $4  }
0x129: {  	[spmem:s18] =	stream.linear.scatter [tilespmem:s5], [sflag:$0x1], $0x40, $0x38;
	[tilespmem:$0x1EF88] =	vst v63  }
0x12a: {  	_ =	swait.ge [sflag:s13], $0x40  }
0x12b: {  	[sflag:s13] =	ssyncset.done $0x0  }
0x12c: {  	[sflag:s13] =	ssyncadd.s32 $0xFFFFFFC0  }
.LBB2_19:
0x12d: {  	s7 =	sshll.u32 s0, $0x8  }
0x12e: {  	s7 =	sshra.s32 s7, $0x2  }
0x12f: {  	v1 =	vld [tilespmem:s7+$0x50C8];
	_ =	sdelay $0x4  }
0x130: {  	[tilespmem:s5+$0x88] =	vst.add.f32.msk $0xffff, v1  }
0x131: {  	v1 =	vld [tilespmem:s7+$0x50D8];
	_ =	sdelay $0x4  }
0x132: {  	[tilespmem:s5+$0x98] =	vst.add.f32.msk $0xffff, v1  }
0x133: {  	v1 =	vld [tilespmem:s7+$0x50E8];
	_ =	sdelay $0x4  }
0x134: {  	[tilespmem:s5+$0xA8] =	vst.add.f32.msk $0xffff, v1  }
0x135: {  	v1 =	vld [tilespmem:s7+$0x50F8];
	_ =	sdelay $0x2  }
0x136: {  	p2 =	sgt.u32 s29, $0xC34F8  }
0x137: {  	s7 =	sand.u32 @!p2 $0xFFFF8, s29  }
0x138: {  	s8 =	sadd.s32 $0x88, s5;
	[tilespmem:s5+$0xB8] =	vst.add.f32.msk $0xffff, v1;
	s5 =	sadd.s32 @!p2 s1, s7;
	s7 =	sand.u32 @!p2 $0x7, s29  }
0x139: {  	[hbm4b:s5+s7] =	stream.linear.scatter @!p2 [tilespmem:s8], [sflag:$0xC], $0x40, $0x38;
	[tilespmem:$0x1EF88] =	vst v63  }
0x13a: {  	s5 =	simm.s32 $0x0  }
0x13b: {  	s5 =	simm.s32 @!p2 $0x100  }
0x13c: {  	s3 =	sadd.s32 s5, s3  }
.LBB2_20:
0x13d: {  	s5 =	sadd.s32 $0x1, s26  }
0x13e: {  	s7 =	smulhi.u32 $0xCCCCCCCD, s5;
	_ =	sdelay $0x1  }
0x13f: {  	v1 =	vld [tilespmem:s30+$0xFFFFFFE0];
	s7 =	sshrl.u32 s7, $0x8  }
0x140: {  	s7 =	smul.u32 $0x140, s7;
	_ =	sdelay $0x1  }
0x141: {  	s26 =	ssub.s32 s5, s7  }
0x142: {  	s5 =	sshll.u32 s26, $0x6  }
0x143: {  	[tilespmem:s5+$0x88] =	vst v1  }
0x144: {  	v1 =	vld [tilespmem:s30+$0xFFFFFFF0];
	_ =	sdelay $0x4  }
0x145: {  	[tilespmem:s5+$0x98] =	vst v1  }
0x146: {  	v1 =	vld [tilespmem:s30+$0x0];
	_ =	sdelay $0x4  }
0x147: {  	[tilespmem:s5+$0xA8] =	vst v1  }
0x148: {  	v1 =	vld [tilespmem:s30+$0x10]  }
.Ltmp17:
0x149: {  	_ = 	snop;
	(pc) =	sbr.rel .LBB2_21-.Ltmp17, $2  }
0x14a: {  	_ =	sdelay $0x2  }
0x14b: {  	s0 =	sadd.s32 $0x1, s0;
	[tilespmem:s5+$0xB8] =	vst v1  }
.LBB2_23:
.Ltmp18:
0x14c: {  	(pc) =	sbr.rel .LBB2_24-.Ltmp18, $4  }
0x14d: {  	_ = 	snop  }
0x14e: {  	s0 =	simm.s32 $0x2  }
0x14f: {  	_ =	swait.ge [sflag:s0], $0x0  }
0x150: {  	s2 =	smov.u32 s29;
	[sflag:s0] =	ssyncset.done $0x0;
	s0 =	simm.s32 $0x0  }
.LBB2_26:
0x151: {  	_ =	sfence.sel $0x180000  }
0x152: {  	s0 =	simm.s32 $0x9;
	[bflag:$0x0] =	sbarrier.arrive $0xFFFF  }
0x153: {  	s24 =	simm.s32 $0xA;
	[sflag:s0] =	ssyncpa.u1 $0x1  }
0x154: {  	s25 =	simm.s32 $0xB;
	[sflag:s24] =	ssyncpa.u1 $0x1  }
0x155: {  	s26 =	simm.s32 $0x2;
	[sflag:s25] =	ssyncpa.u1 $0x1  }
0x156: {  	[sflag:s26] =	ssyncpa.u1 $0x1  }
0x157: {  	v0 =	vld [tilespmem:$0xA108];
	_ =	sdelay $0x4  }
0x158: {  	(v2sf) =	vpush v0, $0x0  }
0x159: {  	(v2sf) =	vpush v0, $0x1;
	_ =	sdelay $0x1  }
0x15a: {  	(v2sf) =	vpush v0, $0x2;
	_ =	sdelay $0xb  }
0x15b: {  	s0 =	spop (v2sf)  }
0x15c: {  	s2 =	spop (v2sf)  }
0x15d: {  	s3 =	smov.u32 s0;
	p0 =	sne.s32 s0, s2  }
0x15e: {  	s4 =	spop (v2sf);
	s3 =	simm.s32 @!p0 $0xFFFFFFFF  }
0x15f: {  	v2 =	vimm.s32 $0x1;
	v3 =	vlaneseq.u32;
	p0 =	seq.s32 s4, $0xFFFFFFFF;
	v1 =	vmov s3  }
0x160: {  	s14 =	stileid.u32;
	v0 =	vperm.xlane v0, v2;
	p1 =	sne.s32 @!p0 s0, s2;
	v1 =	vperm.xlane v1, v3  }
0x161: {  	vm0 =	vcmask $0x3F04;
	s6 =	simm.s32 $0xA108;
	s0 =	simm.s32 @!p0 $0x1;
	p1 =	por !p1, p0  }
0x162: {  	s3 =	sshll.u32 s14, $0x1;
	s2 =	sshll.u32 @!p0 s4, $0x8;
	s0 =	simm.s32 @p1 $0x0;
	v0 =	vsel vm0, v1, v0  }
0x163: {  	s5 =	sor.u32 $0x800, s3;
	s2 =	sshra.s32 @!p0 s2, $0x2;
	s0 =	sor.u32 @!p0 s0, s3;
	[tilespmem:$0xA108] =	vst v0  }
0x164: {  	[spmem:s5] =	stream.linear.scatter [tilespmem:s6], [sflag:$0x1], $0x2, $0x38;
	[tilespmem:$0x1EF88] =	vst v63  }
0x165: {  	s2 =	sadd.s32 @!p0 $0x88, s2;
	s0 =	sshll.u32 @!p0 s0, $0x6  }
0x166: {  	[spmem:s0] =	stream.linear.scatter @!p0 [tilespmem:s2], [sflag:$0x1], $0x40, $0x38;
	[tilespmem:$0x1EF88] =	vst v63  }
0x167: {  	s0 =	simm.s32 @!p0 $0x42  }
0x168: {  	s28 =	simm.s32 $0x1;
	s0 =	simm.s32 @p0 $0x2  }
0x169: {  	_ =	swait.ge [sflag:s28], s0  }
0x16a: {  	s0 =	ssub.s32 $0x0, s0;
	[sflag:s28] =	ssyncset.done $0x0  }
0x16b: {  	p0 =	sne.s32 s14, $0x0;
	[sflag:s28] =	ssyncadd.s32 s0  }
.Ltmp19:
0x16c: {  	_ =	sfence.stream.spmem;
	(pc) =	sbr.rel @p0 .LBB2_43-.Ltmp19, $4  }
0x16d: {  	s29 =	simm.s32 $0x3;
	[bflag:$0x0] =	sbarrier.arrive $0xFFFF  }
0x16e: {  	s30 =	simm.s32 $0x4;
	[sflag:s29] =	ssyncpa.u1 $0x1  }
0x16f: {  	s31 =	simm.s32 $0x3C;
	[sflag:s30] =	ssyncpa.u1 $0x1  }
0x170: {  	s13 =	rddreg [dreg:$0x5];
	[sflag:s31] =	ssyncpa.u1 $0x1  }
0x171: {  	_ =	sfence.stream.spmem;
	s0 =	simm.s32 $0x5  }
0x172: {  	s2 =	simm.s32 $0x800;
	s3 =	simm.s32 $0xA118;
	[sflag:s0] =	ssyncpa.u1 $0x0  }
0x173: {  	[tilespmem:s3], [sflag:$0x5] =	stream.linear.gather [spmem:s2], $0x20, $0x38;
	[tilespmem:$0x1EF88] =	vst v63  }
0x174: {  	s26 =	simm.s32 $0x0;
	s28 =	simm.s32 $0xA138  }
0x175: {  	[tilespmem:s28], [sflag:$0x5] =	stream.linear.gather [spmem:s26], $0x800, $0x38;
	[tilespmem:$0x1EF88] =	vst v63  }
0x176: {  	_ =	swait.ge [sflag:s0], $0x820  }
0x177: {  	[sflag:s0] =	ssyncset.done $0x0  }
0x178: {  	s29 =	simm.s32 $0x0;
	[sflag:s0] =	ssyncadd.s32 $0xFFFFF7E0  }
0x179: {  	v0 =	vld.msk [tilespmem:s29+$0xA118], $0x1;
	_ =	sdelay $0x1  }
0x17a: {  	s30 =	simm.s32 $0x1  }
0x17b: {  	v1 =	vld.msk [tilespmem:s30+$0xA118], $0x1;
	_ =	sdelay $0x1  }
0x17c: {  	(v2sf) =	vpush v0, $0x0;
	_ =	sdelay $0x2  }
0x17d: {  	(v2sf) =	vpush v1, $0x0;
	_ =	sdelay $0x2  }
0x17e: {  	s31 =	simm.s32 $0x2  }
0x17f: {  	v0 =	vld.msk [tilespmem:s31+$0xA118], $0x1;
	_ =	sdelay $0x2  }
0x180: {  	s2 =	simm.s32 $0xFFFFFFFF;
	s3 =	simm.s32 $0xFFFFFFFF;
	s0 =	simm.s32 $0xC  }
.LBB2_28:
0x181: {  	s4 =	smov.u32 s3;
	s5 =	smov.u32 s2  }
0x182: {  	s2 =	sshra.s32 s0, $0x2;
	p1 =	sne.s32 s0, $0x7C;
	s0 =	sadd.s32 $0x4, s0;
	(v2sf) =	vpush v0, $0x0  }
0x183: {  	v0 =	vld.msk [tilespmem:s2+$0xA118], $0x1  }
.Ltmp20:
0x184: {  	(pc) =	sbr.rel @p1 .LBB2_28-.Ltmp20, $4  }
0x185: {  	s3 =	spop (v2sf)  }
0x186: {  	p2 =	sne.s32 s5, $0xFFFFFFFF;
	s2 =	smov.u32 s3  }
0x187: {  	p3 =	seq.s32 s3, $0xFFFFFFFF;
	s2 =	smov.u32 @p2 s5  }
0x188: {  	s3 =	smov.u32 @p3 s4;
	s2 =	smov.u32 @p3 s5  }
0x189: {  	(v2sf) =	vpush v0, $0x0;
	_ =	sdelay $0x8  }
0x18a: {  	s0 =	spop (v2sf)  }
0x18b: {  	p1 =	sne.s32 s2, $0xFFFFFFFF;
	s4 =	smov.u32 s0  }
0x18c: {  	s6 =	simm.s32 $0x0;
	p2 =	seq.s32 s0, $0xFFFFFFFF;
	s4 =	smov.u32 @p1 s2  }
0x18d: {  	s9 =	simm.s32 $0xA0C8;
	s4 =	smov.u32 @p2 s2;
	s2 =	spop (v2sf)  }
0x18e: {  	s0 =	smov.u32 @p2 s3;
	p1 =	sne.s32 s4, $0xFFFFFFFF;
	s5 =	smov.u32 s2  }
.Ltmp21:
0x18f: {  	p2 =	seq.s32 s2, $0xFFFFFFFF;
	s5 =	smov.u32 @p1 s4;
	(pc) =	sbr.rel .LBB2_30-.Ltmp21, $4  }
0x190: {  	s10 =	simm.s32 $0x0;
	s5 =	smov.u32 @p2 s4;
	s7 =	spop (v2sf)  }
0x191: {  	s2 =	smov.u32 @p2 s0;
	p1 =	sne.s32 s5, $0xFFFFFFFF;
	s8 =	smov.u32 s7  }
0x192: {  	s0 =	simm.s32 $0x6;
	p2 =	seq.s32 s7, $0xFFFFFFFF;
	s8 =	smov.u32 @p1 s5  }
0x193: {  	[sflag:s0] =	ssyncpa.u1 $0x0;
	s7 =	smov.u32 @p2 s2;
	s8 =	smov.u32 @p2 s5  }
.LBB2_36:
0x194: {  	p1 =	sgt.u32 s2, $0xC34F8  }
0x195: {  	p2 =	seq.s32 @!p1 s2, s8  }
0x196: {  	p1 =	por p1, p2  }
0x197: {  	p2 =	sne.s32 @!p1 s2, s7  }
0x198: {  	p1 =	por p1, !p2  }
0x199: {  	s2 =	sshll.u32 @p1 s10, $0x8  }
0x19a: {  	s3 =	sand.u32 @!p1 $0xFFFF8, s2  }
0x19b: {  	s2 =	sand.u32 @!p1 $0x7, s2;
	s3 =	sadd.s32 @!p1 s1, s3  }
0x19c: {  	[tilespmem:s9], [sflag:$0x6] =	stream.linear.gather @!p1 [hbm4b:s3+s2], $0x40, $0x38;
	[tilespmem:$0x1EF88] =	vst v63  }
0x19d: {  	_ =	swait.ge @!p1 [sflag:s0], $0x40  }
0x19e: {  	[sflag:s0] =	ssyncset.done @!p1 $0x0  }
0x19f: {  	[sflag:s0] =	ssyncadd.s32 @!p1 $0xFFFFFFC0  }
0x1a0: {  	v1 =	vld @!p1 [tilespmem:$0xA0C8];
	_ =	sdelay $0x2  }
0x1a1: {  	s2 =	sshll.u32 @!p1 s10, $0x8  }
0x1a2: {  	s3 =	sshrl.u32 @!p1 s2, $0x2  }
0x1a3: {  	[tilespmem:s3+$0xA138] =	vst.add.f32.msk @!p1 $0xffff, v1  }
0x1a4: {  	v1 =	vld @!p1 [tilespmem:$0xA0D8];
	_ =	sdelay $0x4  }
0x1a5: {  	[tilespmem:s3+$0xA148] =	vst.add.f32.msk @!p1 $0xffff, v1  }
0x1a6: {  	v1 =	vld @!p1 [tilespmem:$0xA0E8];
	_ =	sdelay $0x4  }
0x1a7: {  	[tilespmem:s3+$0xA158] =	vst.add.f32.msk @!p1 $0xffff, v1  }
0x1a8: {  	v1 =	vld @!p1 [tilespmem:$0xA0F8];
	_ =	sdelay $0x4  }
0x1a9: {  	[tilespmem:s3+$0xA168] =	vst.add.f32.msk @!p1 $0xffff, v1  }
0x1aa: {  	s2 =	sshrl.u32 s2, $0x2;
	[tilespmem:s6+$0xA118] =	vst.msk $0x1, v0  }
0x1ab: {  	v0 =	vld [tilespmem:s2+$0xA138];
	_ =	sdelay $0x2  }
0x1ac: {  	s31 =	sshll.u32 s6, $0x8  }
0x1ad: {  	s3 =	sshra.s32 s31, $0x2  }
0x1ae: {  	[tilespmem:s3+$0xA138] =	vst v0  }
0x1af: {  	v0 =	vld [tilespmem:s2+$0xA148];
	_ =	sdelay $0x4  }
0x1b0: {  	[tilespmem:s3+$0xA148] =	vst v0  }
0x1b1: {  	v0 =	vld [tilespmem:s2+$0xA158];
	_ =	sdelay $0x4  }
0x1b2: {  	[tilespmem:s3+$0xA158] =	vst v0  }
0x1b3: {  	v0 =	vld [tilespmem:s2+$0xA168];
	_ =	sdelay $0x4  }
0x1b4: {  	s6 =	sadd.s32 $0x1, s6;
	[tilespmem:s3+$0xA168] =	vst v0  }
.LBB2_37:
0x1b5: {  	s10 =	sadd.s32 $0x1, s10  }
0x1b6: {  	p1 =	sne.s32 s10, $0x20  }
.Ltmp22:
0x1b7: {  	_ = 	snop;
	(pc) =	sbr.rel @!p1 .LBB2_38-.Ltmp22, $1  }
0x1b8: {  	_ =	sdelay $0x3  }
.LBB2_30:
0x1b9: {  	v0 =	vld.msk [tilespmem:s10+$0xA118], $0x1;
	_ =	sdelay $0x4  }
0x1ba: {  	(v2sf) =	vpush v0, $0x0;
	_ =	sdelay $0xe  }
0x1bb: {  	s2 =	spop (v2sf)  }
0x1bc: {  	p1 =	seq.s32 s2, $0xFFFFFFFF  }
.Ltmp23:
0x1bd: {  	_ = 	snop;
	(pc) =	sbr.rel @p1 .LBB2_37-.Ltmp23, $1  }
0x1be: {  	_ =	sdelay $0x3  }
0x1bf: {  	p1 =	slt.s32 s6, $0x1  }
.Ltmp24:
0x1c0: {  	_ = 	snop;
	(pc) =	sbr.rel @p1 .LBB2_36-.Ltmp24, $1  }
0x1c1: {  	_ =	sdelay $0x3  }
0x1c2: {  	s3 =	simm.s32 $0xA118;
	p1 =	por $0x0, $0x0  }
0x1c3: {  	v1 =	vld.msk @!p1 [tilespmem:s3+$0x0], $0x1;
	_ =	sdelay $0x4  }
0x1c4: {  	(v2sf) =	vpush @!p1 v1, $0x0;
	_ =	sdelay $0xd  }
0x1c5: {  	p3 =	sne.s32 s6, $0x1  }
.Ltmp25:
0x1c6: {  	s4 =	spop @!p1 (v2sf);
	(pc) =	sbr.rel @!p3 .LBB2_34-.Ltmp25, $4  }
0x1c7: {  	p2 =	seq.s32 @!p1 s2, s4  }
0x1c8: {  	s4 =	simm.s32 $0x0;
	p2 =	por !p2, p1  }
0x1c9: {  	s11 =	simm.s32 $0xFFFFFFFF;
	s4 =	simm.s32 @p2 $0xFFFFFFFF  }
0x1ca: {  	s5 =	simm.s32 $0x1;
	s4 =	smov.u32 @p1 s11  }
.LBB2_33:
0x1cb: {  	s11 =	smov.u32 s4;
	p1 =	sne.s32 s4, $0xFFFFFFFF  }
0x1cc: {  	s3 =	sadd.s32 $0x1, s3;
	s4 =	smov.u32 s5;
	s5 =	sadd.s32 $0x1, s5  }
0x1cd: {  	p2 =	sne.s32 s6, s5;
	v1 =	vld.msk @!p1 [tilespmem:s3+$0x0], $0x1;
	_ =	sdelay $0x4  }
0x1ce: {  	(v2sf) =	vpush @!p1 v1, $0x0;
	_ =	sdelay $0xe  }
.Ltmp26:
0x1cf: {  	s12 =	spop @!p1 (v2sf);
	(pc) =	sbr.rel @p2 .LBB2_33-.Ltmp26, $4  }
0x1d0: {  	p3 =	seq.s32 @!p1 s2, s12  }
0x1d1: {  	p3 =	por !p3, p1  }
0x1d2: {  	s4 =	simm.s32 @p3 $0xFFFFFFFF  }
0x1d3: {  	s4 =	smov.u32 @p1 s11  }
.LBB2_34:
0x1d4: {  	p1 =	seq.s32 s4, $0xFFFFFFFF  }
.Ltmp27:
0x1d5: {  	_ = 	snop;
	(pc) =	sbr.rel @p1 .LBB2_36-.Ltmp27, $1  }
0x1d6: {  	_ =	sdelay $0x3  }
0x1d7: {  	s2 =	sshll.u32 s10, $0x6  }
0x1d8: {  	s2 =	sand.u32 $0x3FFFFFC0, s2  }
0x1d9: {  	v0 =	vld [tilespmem:s2+$0xA138];
	_ =	sdelay $0x2  }
0x1da: {  	s3 =	sshll.u32 s4, $0x8  }
0x1db: {  	s3 =	sshra.s32 s3, $0x2  }
0x1dc: {  	[tilespmem:s3+$0xA138] =	vst.add.f32.msk $0xffff, v0  }
0x1dd: {  	v0 =	vld [tilespmem:s2+$0xA148];
	_ =	sdelay $0x4  }
0x1de: {  	[tilespmem:s3+$0xA148] =	vst.add.f32.msk $0xffff, v0  }
0x1df: {  	v0 =	vld [tilespmem:s2+$0xA158];
	_ =	sdelay $0x4  }
0x1e0: {  	[tilespmem:s3+$0xA158] =	vst.add.f32.msk $0xffff, v0  }
0x1e1: {  	v0 =	vld [tilespmem:s2+$0xA168]  }
.Ltmp28:
0x1e2: {  	_ = 	snop;
	(pc) =	sbr.rel .LBB2_37-.Ltmp28, $2  }
0x1e3: {  	_ =	sdelay $0x2  }
0x1e4: {  	[tilespmem:s3+$0xA168] =	vst.add.f32.msk $0xffff, v0  }
.LBB2_38:
0x1e5: {  	s0 =	simm.s32 $0x6;
	p1 =	seq.s32 s6, $0x0  }
0x1e6: {  	[sflag:s0] =	ssyncpa.u1 $0x1;
	v0 =	vimm.s32 @p1 $0xFFFFFFFF  }
0x1e7: {  	s0 =	sadd.s32 $0xFFFFFFFF, s6;
	[tilespmem:$0xA938] =	vst @p1 v0  }
0x1e8: {  	v0 =	vld.msk @!p1 [tilespmem:s0+$0xA118], $0x1;
	_ =	sdelay $0x1  }
0x1e9: {  	v1 =	vld.msk @!p1 [tilespmem:$0xA118], $0x1;
	_ =	sdelay $0x2  }
0x1ea: {  	p2 =	seq.s32 @!p1 s0, $0x0;
	v0 =	vbroadcast @!p1 v0, $0x0  }
0x1eb: {  	vm0 =	vmmov @!p1 $0x1;
	p2 =	por !p2, p1  }
0x1ec: {  	v1 =	vnsel @!p1 vm0, $0xFFFFFFFF, v1;
	vm0 =	vcmask @!p1 $0x308;
	v0 =	vpsel !p2, $0xFFFFFFFF, v0  }
0x1ed: {  	p2 =	sne.s32 @!p1 s8, s7;
	v0 =	vsel @!p1 vm0, v1, v0  }
0x1ee: {  	s2 =	simm.s32 @!p1 $0xA138;
	s3 =	simm.s32 @!p1 $0x0;
	p3 =	por !p2, p1;
	[tilespmem:$0xA938] =	vst @!p1 v0  }
0x1ef: {  	[spmem:s3] =	stream.linear.scatter @!p1 [tilespmem:s2], [sflag:$0x1], $0x40, $0x38;
	[tilespmem:$0x1EF88] =	vst v63  }
0x1f0: {  	s2 =	sshll.u32 @!p3 s0, $0x8  }
0x1f1: {  	s2 =	sshra.s32 @!p3 s2, $0x2  }
0x1f2: {  	s3 =	simm.s32 @!p3 $0x40;
	s2 =	sadd.s32 @!p3 $0xA138, s2  }
0x1f3: {  	[spmem:s3] =	stream.linear.scatter @!p3 [tilespmem:s2], [sflag:$0x1], $0x40, $0x38;
	[tilespmem:$0x1EF88] =	vst v63  }
0x1f4: {  	s2 =	simm.s32 @!p3 $0x1  }
0x1f5: {  	_ =	swait.ge @!p3 [sflag:s2], $0x80  }
0x1f6: {  	p1 =	por p2, p1;
	[sflag:s2] =	ssyncset.done @!p3 $0x0  }
0x1f7: {  	[sflag:s2] =	ssyncadd.s32 @!p3 $0xFFFFFF80;
	s2 =	simm.s32 @!p1 $0x1  }
0x1f8: {  	_ =	swait.ge @!p1 [sflag:s2], $0x40  }
0x1f9: {  	s29 =	simm.s32 $0xA938;
	[sflag:s2] =	ssyncset.done @!p1 $0x0  }
0x1fa: {  	s30 =	simm.s32 $0x800;
	s31 =	simm.s32 $0x1;
	[sflag:s2] =	ssyncadd.s32 @!p1 $0xFFFFFFC0  }
0x1fb: {  	[spmem:s30] =	stream.linear.scatter [tilespmem:s29], [sflag:$0x1], $0x10, $0x38;
	[tilespmem:$0x1EF88] =	vst v63  }
0x1fc: {  	_ =	swait.ge [sflag:s31], $0x10  }
0x1fd: {  	[sflag:s31] =	ssyncset.done $0x0  }
0x1fe: {  	p1 =	seq.s32 s13, $0x0;
	s9 =	rddreg [dreg:$0x2];
	[sflag:s31] =	ssyncadd.s32 $0xFFFFFFF0  }
0x1ff: {  	s3 =	sshll.u32 @p1 s9, $0xE;
	s8 =	rddreg [dreg:$0x3]  }
0x200: {  	s2 =	sadd.s32 @p1 $0x15C3C, s3;
	s3 =	sshll.u32 @p1 s8, $0x11  }
0x201: {  	_ =	sfence.stream.spmem;
	s2 =	sor.u32 @p1 s3, s2  }
0x202: {  	[sflag:s2] =	ssyncadd.remote.s32 @p1 $0x1;
	s2 =	simm.s32 @p1 $0x4  }
0x203: {  	s4 =	simm.s32 @!p1 $0x3C;
	s3 =	sand.u32 $0xFFFFFFFE, s9;
	_ =	swait.ge @p1 [sflag:s2], $0x12  }
0x204: {  	s5 =	simm.s32 @!p1 $0x0;
	s3 =	sadd.s32 @!p1 $0x4, s3;
	[sflag:s2] =	ssyncset.done @p1 $0x0  }
0x205: {  	s7 =	simm.s32 @!p1 $0x80;
	[sflag:s2] =	ssyncadd.s32 @p1 $0xFFFFFFEE;
	s2 =	sshll.u32 @!p1 s3, $0x1A  }
0x206: {  	s3 =	sshll.u32 @!p1 s3, $0xD;
	s2 =	sor.u32 @!p1 s2, s8;
	_ =	swait.eq @!p1 [sflag:s4], $0x1  }
0x207: {  	s3 =	sor.u32 @!p1 $0x1C04, s3;
	s4 =	simm.s32 @!p1 $0x1C03;
	s2 =	sor.u32 @!p1 $0x80004000, s2  }
0x208: {  	[spmem:s7], [sflag:s3] =	dma.general @!p1 [spmem:s5], [sflag:s4], length:$0x10, [dreg:$0x0], stride_count:$0x0, ici_dest:s2, dma_misc:DstOpCode:WRITE  }
0x209: {  	p2 =	slt.s32 s0, $0x2;
	s5 =	simm.s32 @!p1 $0x100;
	s7 =	simm.s32 @!p1 $0x102  }
0x20a: {  	[spmem:s7], [sflag:s3] =	dma.general @!p1 [spmem:s5], [sflag:s4], length:$0x2, [dreg:$0x0], stride_count:$0x0, ici_dest:s2, dma_misc:DstOpCode:WRITE  }
.Ltmp29:
0x20b: {  	s2 =	simm.s32 @!p1 $0x3;
	(pc) =	sbr.rel @p2 .LBB2_42-.Ltmp29, $4  }
0x20c: {  	s3 =	sshll.u32 @!p1 s9, $0xE;
	_ =	swait.ge @!p1 [sflag:s2], $0x12  }
0x20d: {  	s4 =	sshll.u32 @!p1 s8, $0x11;
	s3 =	sadd.s32 @!p1 $0x11C3C, s3;
	[sflag:s2] =	ssyncset.done @!p1 $0x0  }
0x20e: {  	[sflag:s2] =	ssyncadd.s32 @!p1 $0xFFFFFFEE;
	s2 =	sor.u32 @!p1 s4, s3  }
0x20f: {  	s0 =	simm.s32 $0x0;
	[sflag:s2] =	ssyncadd.remote.s32 @!p1 $0xFFFFFFFF  }
0x210: {  	s0 =	simm.s32 $0xA119  }
0x211: {  	v0 =	vld.msk [tilespmem:s0+$0x0], $0x1;
	_ =	sdelay $0x4  }
0x212: {  	(v2sf) =	vpush v0, $0x0;
	_ =	sdelay $0xc  }
0x213: {  	s2 =	sadd.s32 $0xFFFFFFFE, s6  }
0x214: {  	s2 =	sadd.s32 $0xFFFFFFFF, s2  }
0x215: {  	p2 =	sne.s32 s2, $0x0;
	s3 =	spop (v2sf)  }
.Ltmp30:
0x216: {  	p1 =	sgt.u32 s3, $0xC34F8;
	(pc) =	sbr.rel @!p2 .LBB2_41-.Ltmp30, $4  }
0x217: {  	s5 =	simm.s32 $0x0;
	s4 =	sand.u32 @!p1 $0xFFFF8, s3  }
0x218: {  	s0 =	simm.s32 $0xA178;
	s3 =	sand.u32 @!p1 $0x7, s3;
	s4 =	sadd.s32 @!p1 s1, s4  }
0x219: {  	[hbm4b:s4+s3] =	stream.linear.scatter @!p1 [tilespmem:s0], [sflag:$0x5], $0x40, $0x38;
	[tilespmem:$0x1EF88] =	vst v63  }
0x21a: {  	s5 =	simm.s32 @!p1 $0x100;
	s3 =	simm.s32 $0x0;
	s4 =	simm.s32 $0xA11A  }
.LBB2_40:
0x21b: {  	v0 =	vld.msk [tilespmem:s4+$0x0], $0x1;
	s2 =	sadd.s32 $0xFFFFFFFF, s2;
	s3 =	sadd.s32 s3, s5  }
0x21c: {  	p1 =	sne.s32 s2, $0x0;
	_ =	sdelay $0x3  }
0x21d: {  	(v2sf) =	vpush v0, $0x0;
	_ =	sdelay $0xe  }
.Ltmp31:
0x21e: {  	s6 =	spop (v2sf);
	(pc) =	sbr.rel @p1 .LBB2_40-.Ltmp31, $4  }
0x21f: {  	s5 =	simm.s32 $0x0;
	p2 =	sgt.u32 s6, $0xC34F8  }
0x220: {  	s0 =	sadd.s32 $0x40, s0;
	s5 =	simm.s32 @!p2 $0x100;
	s7 =	sand.u32 @!p2 $0xFFFF8, s6  }
0x221: {  	s4 =	sadd.s32 $0x1, s4;
	s6 =	sand.u32 @!p2 $0x7, s6;
	s7 =	sadd.s32 @!p2 s1, s7  }
0x222: {  	[hbm4b:s7+s6] =	stream.linear.scatter @!p2 [tilespmem:s0], [sflag:$0x5], $0x40, $0x38;
	[tilespmem:$0x1EF88] =	vst v63  }
.LBB2_41:
0x223: {  	s0 =	sadd.s32 s3, s5  }
0x224: {  	s0 =	sshrl.u32 s0, $0x2  }
.LBB2_42:
0x225: {  	s2 =	simm.s32 $0x5  }
0x226: {  	_ =	swait.ge [sflag:s2], s0  }
0x227: {  	s31 =	ssub.s32 $0x0, s0;
	[sflag:s2] =	ssyncset.done $0x0  }
0x228: {  	[sflag:s2] =	ssyncadd.s32 s31  }
0x229: {  	[sflag:s2] =	ssyncpa.u1 $0x1  }
.LBB2_43:
0x22a: {  	s0 =	sor.u32 s13, s14  }
0x22b: {  	p1 =	sne.s32 s0, $0x0  }
.Ltmp32:
0x22c: {  	_ = 	snop;
	(pc) =	sbr.rel @p1 .LBB2_58-.Ltmp32, $3  }
0x22d: {  	_ =	sdelay $0x1  }
0x22e: {  	[bflag:$0x0] =	sbarrier.arrive $0xFFFF  }
0x22f: {  	_ =	sfence  }
0x230: {  	s2 =	simm.s32 $0x7  }
0x231: {  	s0 =	simm.s32 $0x800;
	s3 =	simm.s32 $0xA118;
	[sflag:s2] =	ssyncpa.u1 $0x0  }
0x232: {  	[tilespmem:s3], [sflag:$0x7] =	stream.linear.gather [spmem:s0], $0x20, $0x38;
	[tilespmem:$0x1EF88] =	vst v63  }
0x233: {  	s30 =	simm.s32 $0xA138;
	s0 =	simm.s32 $0x0  }
0x234: {  	[tilespmem:s30], [sflag:$0x7] =	stream.linear.gather [spmem:s0], $0x800, $0x38;
	[tilespmem:$0x1EF88] =	vst v63  }
.Ltmp33:
0x235: {  	_ = 	snop;
	(pc) =	sbr.rel .LBB2_45-.Ltmp33, $4  }
0x236: {  	_ =	swait.ge [sflag:s2], $0x820  }
0x237: {  	[sflag:s2] =	ssyncset.done $0x0  }
0x238: {  	s31 =	simm.s32 $0x8;
	[sflag:s2] =	ssyncadd.s32 $0xFFFFF7E0  }
0x239: {  	s2 =	simm.s32 $0x0;
	[sflag:s31] =	ssyncpa.u1 $0x0  }
.LBB2_51:
0x23a: {  	p1 =	slt.u32 s3, $0xC34F9  }
0x23b: {  	s4 =	sand.u32 @p1 $0xFFFF8, s3  }
0x23c: {  	s3 =	sand.u32 @p1 $0x7, s3;
	s5 =	simm.s32 @p1 $0xA0C8;
	s4 =	sadd.s32 @p1 s1, s4  }
0x23d: {  	[tilespmem:s5], [sflag:$0x8] =	stream.linear.gather @p1 [hbm4b:s4+s3], $0x40, $0x38;
	[tilespmem:$0x1EF88] =	vst v63  }
0x23e: {  	s3 =	simm.s32 @p1 $0x8  }
0x23f: {  	_ =	swait.ge @p1 [sflag:s3], $0x40  }
0x240: {  	[sflag:s3] =	ssyncset.done @p1 $0x0  }
0x241: {  	[sflag:s3] =	ssyncadd.s32 @p1 $0xFFFFFFC0  }
0x242: {  	v1 =	vld @p1 [tilespmem:$0xA0C8];
	_ =	sdelay $0x2  }
0x243: {  	s3 =	sshll.u32 @p1 s2, $0x8  }
0x244: {  	s4 =	sshrl.u32 @p1 s3, $0x2  }
0x245: {  	[tilespmem:s4+$0xA138] =	vst.add.f32.msk @p1 $0xffff, v1  }
0x246: {  	v1 =	vld @p1 [tilespmem:$0xA0D8];
	_ =	sdelay $0x4  }
0x247: {  	[tilespmem:s4+$0xA148] =	vst.add.f32.msk @p1 $0xffff, v1  }
0x248: {  	v1 =	vld @p1 [tilespmem:$0xA0E8];
	_ =	sdelay $0x4  }
0x249: {  	[tilespmem:s4+$0xA158] =	vst.add.f32.msk @p1 $0xffff, v1  }
0x24a: {  	v1 =	vld @p1 [tilespmem:$0xA0F8];
	_ =	sdelay $0x3  }
0x24b: {  	s5 =	sshll.u32 @!p1 s2, $0x8  }
0x24c: {  	s5 =	smov.u32 @p1 s3;
	[tilespmem:s4+$0xA168] =	vst.add.f32.msk @p1 $0xffff, v1  }
0x24d: {  	s3 =	sshrl.u32 s5, $0x2;
	[tilespmem:s0+$0xA118] =	vst.msk $0x1, v0  }
0x24e: {  	v0 =	vld [tilespmem:s3+$0xA138];
	_ =	sdelay $0x2  }
0x24f: {  	s31 =	sshll.u32 s0, $0x8  }
0x250: {  	s4 =	sshra.s32 s31, $0x2  }
0x251: {  	[tilespmem:s4+$0xA138] =	vst v0  }
0x252: {  	v0 =	vld [tilespmem:s3+$0xA148];
	_ =	sdelay $0x4  }
0x253: {  	[tilespmem:s4+$0xA148] =	vst v0  }
0x254: {  	v0 =	vld [tilespmem:s3+$0xA158];
	_ =	sdelay $0x4  }
0x255: {  	[tilespmem:s4+$0xA158] =	vst v0  }
0x256: {  	v0 =	vld [tilespmem:s3+$0xA168];
	_ =	sdelay $0x4  }
0x257: {  	s0 =	sadd.s32 $0x1, s0;
	[tilespmem:s4+$0xA168] =	vst v0  }
.LBB2_52:
0x258: {  	s2 =	sadd.s32 $0x1, s2  }
0x259: {  	p1 =	sne.s32 s2, $0x20  }
.Ltmp34:
0x25a: {  	_ = 	snop;
	(pc) =	sbr.rel @!p1 .LBB2_53-.Ltmp34, $1  }
0x25b: {  	_ =	sdelay $0x3  }
.LBB2_45:
0x25c: {  	v0 =	vld.msk [tilespmem:s2+$0xA118], $0x1;
	_ =	sdelay $0x4  }
0x25d: {  	(v2sf) =	vpush v0, $0x0;
	_ =	sdelay $0xe  }
0x25e: {  	s3 =	spop (v2sf)  }
0x25f: {  	p1 =	seq.s32 s3, $0xFFFFFFFF  }
.Ltmp35:
0x260: {  	_ = 	snop;
	(pc) =	sbr.rel @p1 .LBB2_52-.Ltmp35, $1  }
0x261: {  	_ =	sdelay $0x3  }
0x262: {  	p1 =	slt.s32 s0, $0x1  }
.Ltmp36:
0x263: {  	_ = 	snop;
	(pc) =	sbr.rel @p1 .LBB2_51-.Ltmp36, $1  }
0x264: {  	_ =	sdelay $0x3  }
0x265: {  	s4 =	simm.s32 $0xA118;
	p1 =	por $0x0, $0x0  }
0x266: {  	v1 =	vld.msk @!p1 [tilespmem:s4+$0x0], $0x1;
	_ =	sdelay $0x4  }
0x267: {  	(v2sf) =	vpush @!p1 v1, $0x0;
	_ =	sdelay $0xd  }
0x268: {  	p3 =	sne.s32 s0, $0x1  }
.Ltmp37:
0x269: {  	s5 =	spop @!p1 (v2sf);
	(pc) =	sbr.rel @!p3 .LBB2_49-.Ltmp37, $4  }
0x26a: {  	p2 =	seq.s32 @!p1 s3, s5  }
0x26b: {  	s5 =	simm.s32 $0x0;
	p2 =	por !p2, p1  }
0x26c: {  	s7 =	simm.s32 $0xFFFFFFFF;
	s5 =	simm.s32 @p2 $0xFFFFFFFF  }
0x26d: {  	s6 =	simm.s32 $0x1;
	s5 =	smov.u32 @p1 s7  }
.LBB2_48:
0x26e: {  	s7 =	smov.u32 s5;
	p1 =	sne.s32 s5, $0xFFFFFFFF  }
0x26f: {  	s4 =	sadd.s32 $0x1, s4;
	s5 =	smov.u32 s6;
	s6 =	sadd.s32 $0x1, s6  }
0x270: {  	p2 =	sne.s32 s0, s6;
	v1 =	vld.msk @!p1 [tilespmem:s4+$0x0], $0x1;
	_ =	sdelay $0x4  }
0x271: {  	(v2sf) =	vpush @!p1 v1, $0x0;
	_ =	sdelay $0xe  }
.Ltmp38:
0x272: {  	s8 =	spop @!p1 (v2sf);
	(pc) =	sbr.rel @p2 .LBB2_48-.Ltmp38, $4  }
0x273: {  	p3 =	seq.s32 @!p1 s3, s8  }
0x274: {  	p3 =	por !p3, p1  }
0x275: {  	s5 =	simm.s32 @p3 $0xFFFFFFFF  }
0x276: {  	s5 =	smov.u32 @p1 s7  }
.LBB2_49:
0x277: {  	p1 =	seq.s32 s5, $0xFFFFFFFF  }
.Ltmp39:
0x278: {  	_ = 	snop;
	(pc) =	sbr.rel @p1 .LBB2_51-.Ltmp39, $1  }
0x279: {  	_ =	sdelay $0x3  }
0x27a: {  	s3 =	sshll.u32 s2, $0x6  }
0x27b: {  	s3 =	sand.u32 $0x3FFFFFC0, s3  }
0x27c: {  	v0 =	vld [tilespmem:s3+$0xA138];
	_ =	sdelay $0x2  }
0x27d: {  	s4 =	sshll.u32 s5, $0x8  }
0x27e: {  	s4 =	sshra.s32 s4, $0x2  }
0x27f: {  	[tilespmem:s4+$0xA138] =	vst.add.f32.msk $0xffff, v0  }
0x280: {  	v0 =	vld [tilespmem:s3+$0xA148];
	_ =	sdelay $0x4  }
0x281: {  	[tilespmem:s4+$0xA148] =	vst.add.f32.msk $0xffff, v0  }
0x282: {  	v0 =	vld [tilespmem:s3+$0xA158];
	_ =	sdelay $0x4  }
0x283: {  	[tilespmem:s4+$0xA158] =	vst.add.f32.msk $0xffff, v0  }
0x284: {  	v0 =	vld [tilespmem:s3+$0xA168]  }
.Ltmp40:
0x285: {  	_ = 	snop;
	(pc) =	sbr.rel .LBB2_52-.Ltmp40, $2  }
0x286: {  	_ =	sdelay $0x2  }
0x287: {  	[tilespmem:s4+$0xA168] =	vst.add.f32.msk $0xffff, v0  }
.LBB2_53:
0x288: {  	p1 =	slt.s32 s0, $0x1  }
.Ltmp41:
0x289: {  	_ = 	snop;
	(pc) =	sbr.rel @p1 .LBB2_57-.Ltmp41, $3  }
0x28a: {  	_ =	sdelay $0x1  }
0x28b: {  	s2 =	simm.s32 $0x8  }
0x28c: {  	[sflag:s2] =	ssyncpa.u1 $0x1;
	s2 =	simm.s32 $0x0  }
0x28d: {  	s3 =	simm.s32 $0xA118  }
0x28e: {  	v0 =	vld.msk [tilespmem:s3+$0x0], $0x1;
	_ =	sdelay $0x4  }
0x28f: {  	(v2sf) =	vpush v0, $0x0;
	_ =	sdelay $0xe  }
0x290: {  	s0 =	sadd.s32 $0xFFFFFFFF, s0;
	s4 =	spop (v2sf)  }
0x291: {  	p2 =	sne.s32 s0, $0x0;
	p1 =	sgt.u32 s4, $0xC34F8  }
.Ltmp42:
0x292: {  	s5 =	sand.u32 @!p1 $0xFFFF8, s4;
	(pc) =	sbr.rel @!p2 .LBB2_56-.Ltmp42, $4  }
0x293: {  	s3 =	simm.s32 $0xA138;
	s4 =	sand.u32 @!p1 $0x7, s4;
	s5 =	sadd.s32 @!p1 s1, s5  }
0x294: {  	[hbm4b:s5+s4] =	stream.linear.scatter @!p1 [tilespmem:s3], [sflag:$0x7], $0x40, $0x38;
	[tilespmem:$0x1EF88] =	vst v63  }
0x295: {  	s5 =	simm.s32 $0x0  }
0x296: {  	s4 =	simm.s32 $0xA119;
	s5 =	simm.s32 @!p1 $0x100  }
.LBB2_55:
0x297: {  	v0 =	vld.msk [tilespmem:s4+$0x0], $0x1;
	s0 =	sadd.s32 $0xFFFFFFFF, s0;
	s2 =	sadd.s32 s2, s5  }
0x298: {  	p1 =	sne.s32 s0, $0x0;
	_ =	sdelay $0x3  }
0x299: {  	(v2sf) =	vpush v0, $0x0;
	_ =	sdelay $0xe  }
.Ltmp43:
0x29a: {  	s6 =	spop (v2sf);
	(pc) =	sbr.rel @p1 .LBB2_55-.Ltmp43, $4  }
0x29b: {  	s5 =	simm.s32 $0x0;
	p2 =	sgt.u32 s6, $0xC34F8  }
0x29c: {  	s3 =	sadd.s32 $0x40, s3;
	s5 =	simm.s32 @!p2 $0x100;
	s7 =	sand.u32 @!p2 $0xFFFF8, s6  }
0x29d: {  	s4 =	sadd.s32 $0x1, s4;
	s6 =	sand.u32 @!p2 $0x7, s6;
	s7 =	sadd.s32 @!p2 s1, s7  }
0x29e: {  	[hbm4b:s7+s6] =	stream.linear.scatter @!p2 [tilespmem:s3], [sflag:$0x7], $0x40, $0x38;
	[tilespmem:$0x1EF88] =	vst v63  }
.LBB2_56:
0x29f: {  	s0 =	sadd.s32 s2, s5  }
0x2a0: {  	s2 =	sshrl.u32 s0, $0x2  }
.LBB2_57:
0x2a1: {  	s0 =	simm.s32 $0x7  }
0x2a2: {  	_ =	swait.ge [sflag:s0], s2  }
0x2a3: {  	s1 =	ssub.s32 $0x0, s2;
	[sflag:s0] =	ssyncset.done $0x0  }
0x2a4: {  	[sflag:s0] =	ssyncadd.s32 s1  }
0x2a5: {  	[sflag:s0] =	ssyncpa.u1 $0x1  }
.LBB2_58:
0x2a6: {  	_ =	sfence;
	s0 =	simm.s32 $0x1  }
0x2a7: {  	[sflag:s0] =	ssyncpa.u1 $0x1  }
0x2a8: {  	_ =	strace $0x90000050  }
0x2a9: {  	[bflag:$0x2] =	sbarrier.arrive $0xFFFF  }
0x2aa: {  	s0 =	rddreg [dreg:$0x4]  }
0x2ab: {  	s0 =	sadd.s32 @!p0 $0x100000, s0  }
0x2ac: {  	[sflag:s0] =	ssyncadd.tile.s32 @!p0 $0x1;
	_ =	shalt  }
.Lfunc_end2:
_tile_overlayer_lowered:
.L_overlay_start_2:
0x2ad: {  	(tag) =	ssettag $0x2  }
0x2ae: {  	s0 =	rddreg [dreg:$0x0];
	s2 =	stileid.u32  }
0x2af: {  	s1 =	rddreg [dreg:$0x1];
	p0 =	sne.s32 s2, $0x0  }
0x2b0: {  	s3 =	rddreg [dreg:$0x2];
	[bflag:$0x3] =	sbarrier.arrive $0xFFFF;
	s2 =	simm.s32 @!p0 $0x1C01  }
0x2b1: {  	[timem:s3], [sflag:s2] =	dma.local @!p0 [hbm:s0], s1  }
0x2b2: {  	s0 =	simm.s32 @!p0 $0x1  }
0x2b3: {  	_ =	swait.ge @!p0 [sflag:s0], s1  }
0x2b4: {  	s1 =	ssub.s32 @!p0 $0x0, s1;
	[sflag:s0] =	ssyncset.done @!p0 $0x0  }
0x2b5: {  	[sflag:s0] =	ssyncadd.s32 @!p0 s1  }
0x2b6: {  	[bflag:$0x3] =	sbarrier.arrive $0xFFFF  }
0x2b7: {  	_ =	shalt  }

</sc_bundles>
